<compile_context>
chip_gen: v7x
topology: tpu7x:2x2x1
jax: 0.10.2.dev20260603
libtpu: 0.0.44.dev20260713+nightly
codegen_flags: <defaults>
</compile_context>

<pallas_src>
import functools

import jax
import jax.numpy as jnp
from jax import lax
from jax.experimental import pallas as pl
from jax.experimental.pallas import tpu as pltpu
from jax.experimental.pallas import tpu_sc as plsc

N_PAD = 10240
EB = 128
D = 64
NC, NS = 2, 16
NW = NC * NS
NPB = 80
EPW = NPB * EB
E_PAD = NW * EPW
RPS = N_PAD // NS
GEB = 128
NGRP = EPW // GEB
MGEB = 128
MNGRP = 2 * EPW // MGEB
NBUF = 8
N_GRAPHS = 64



def _sc_mesh():
    return plsc.VectorSubcoreMesh(core_axis_name="c", subcore_axis_name="s")


_DEG_LAG = 8


def _deg_body(dst_hbm, ones_hbm, zeros_hbm, out_hbm, idx_d, ones_v, zsem, sem,
              acc_sh):
    c = lax.axis_index("c")
    s = lax.axis_index("s")
    wid = c * NS + s
    r0 = s * RPS

    pltpu.async_copy(dst_hbm.at[wid], idx_d, sem)
    pltpu.async_copy(zeros_hbm, acc_sh.at[pl.ds(r0, RPS)], zsem)
    pltpu.sync_copy(ones_hbm, ones_v)
    pltpu.make_async_copy(zeros_hbm, acc_sh.at[pl.ds(r0, RPS)], zsem).wait()
    pltpu.make_async_copy(dst_hbm.at[wid], idx_d, sem).wait()
    plsc.subcore_barrier()

    def eloop(i, _):
        pltpu.async_copy(ones_v, acc_sh.at[idx_d.at[i]], sem, add=True)

        @pl.when(i >= _DEG_LAG)
        def _drain():
            pltpu.make_async_copy(ones_hbm, ones_v, sem).wait()

        return _

    lax.fori_loop(0, NPB, eloop, None)
    for _ in range(_DEG_LAG):
        pltpu.make_async_copy(ones_hbm, ones_v, sem).wait()
    plsc.subcore_barrier()

    pltpu.async_copy(acc_sh.at[pl.ds(r0, RPS)], out_hbm.at[c, pl.ds(r0, RPS)],
                     zsem)
    pltpu.make_async_copy(acc_sh.at[pl.ds(r0, RPS)],
                          out_hbm.at[c, pl.ds(r0, RPS)], zsem).wait()


_deg_kernel = functools.partial(
    pl.kernel,
    out_type=jax.ShapeDtypeStruct((NC, N_PAD, 8), jnp.float32),
    mesh=_sc_mesh(),
    compiler_params=pltpu.CompilerParams(use_tc_tiling_on_sc=False),
    scratch_types=[
        pltpu.VMEM((NPB, EB), jnp.int32),
        pltpu.VMEM((EB, 8), jnp.float32),
        pltpu.SemaphoreType.DMA,
        pltpu.SemaphoreType.DMA,
        pltpu.VMEM_SHARED((N_PAD, 8), jnp.float32),
    ],
)(_deg_body)


def _agg_body(y_hbm, src_hbm, dst_hbm, zeros_hbm, out_hbm, idx_s, idx_d, rows,
              gsem, ssem, acc_sh):
    c = lax.axis_index("c")
    s = lax.axis_index("s")
    wid = c * NS + s
    r0 = s * RPS
    ngrp, geb = idx_s.shape

    pltpu.async_copy(src_hbm.at[wid], idx_s, gsem.at[0])
    pltpu.async_copy(dst_hbm.at[wid], idx_d, gsem.at[1])
    pltpu.async_copy(zeros_hbm, acc_sh.at[pl.ds(r0, RPS)], ssem.at[0])
    pltpu.make_async_copy(zeros_hbm, acc_sh.at[pl.ds(r0, RPS)],
                          ssem.at[0]).wait()
    pltpu.make_async_copy(src_hbm.at[wid], idx_s, gsem.at[0]).wait()
    pltpu.make_async_copy(dst_hbm.at[wid], idx_d, gsem.at[1]).wait()
    plsc.subcore_barrier()

    nbuf = rows.shape[0]
    for p in range(nbuf):
        pltpu.async_copy(y_hbm.at[idx_s.at[p]], rows.at[p], gsem.at[p])

    def eloop(g, _):
        p = lax.rem(g, nbuf)
        pltpu.make_async_copy(y_hbm.at[pl.ds(0, geb)], rows.at[p],
                              gsem.at[p]).wait()
        pltpu.async_copy(rows.at[p], acc_sh.at[idx_d.at[g]], ssem.at[p],
                         add=True)
        pltpu.make_async_copy(y_hbm.at[pl.ds(0, geb)], rows.at[p],
                              ssem.at[p]).wait()

        @pl.when(g + nbuf < ngrp)
        def _next():
            pltpu.async_copy(y_hbm.at[idx_s.at[g + nbuf]], rows.at[p],
                             gsem.at[p])

        return _

    lax.fori_loop(0, ngrp, eloop, None)
    plsc.subcore_barrier()

    pltpu.async_copy(acc_sh.at[pl.ds(r0, RPS)], out_hbm.at[c, pl.ds(r0, RPS)],
                     gsem.at[0])
    pltpu.make_async_copy(acc_sh.at[pl.ds(r0, RPS)],
                          out_hbm.at[c, pl.ds(r0, RPS)], gsem.at[0]).wait()


_agg64 = functools.partial(
    pl.kernel,
    out_type=jax.ShapeDtypeStruct((NC, N_PAD, D), jnp.float32),
    mesh=_sc_mesh(),
    compiler_params=pltpu.CompilerParams(use_tc_tiling_on_sc=False),
    scratch_types=[
        pltpu.VMEM((NGRP, GEB), jnp.int32),
        pltpu.VMEM((NGRP, GEB), jnp.int32),
        pltpu.VMEM((8, GEB, D), jnp.float32),
        pltpu.SemaphoreType.DMA((8,)),
        pltpu.SemaphoreType.DMA((8,)),
        pltpu.VMEM_SHARED((N_PAD, D), jnp.float32),
    ],
)(_agg_body)

_agg64m = functools.partial(
    pl.kernel,
    out_type=jax.ShapeDtypeStruct((NC, N_PAD, D), jnp.float32),
    mesh=_sc_mesh(),
    compiler_params=pltpu.CompilerParams(use_tc_tiling_on_sc=False),
    scratch_types=[
        pltpu.VMEM((MNGRP, MGEB), jnp.int32),
        pltpu.VMEM((MNGRP, MGEB), jnp.int32),
        pltpu.VMEM((4, MGEB, D), jnp.float32),
        pltpu.SemaphoreType.DMA((4,)),
        pltpu.SemaphoreType.DMA((4,)),
        pltpu.VMEM_SHARED((N_PAD, D), jnp.float32),
    ],
)(_agg_body)



def _t1_body(x_ref, w_ref, deg_ref, y_ref, dinv_ref):
    deg = deg_ref[0, :, 0:1] + deg_ref[1, :, 0:1] + 1.0
    dinv = lax.rsqrt(deg)
    y_ref[...] = dinv * jnp.dot(x_ref[...], w_ref[...],
                                preferred_element_type=jnp.float32)
    dinv_ref[...] = jnp.broadcast_to(dinv, (N_PAD, 8))


def _t2_body(agg_ref, y_ref, dinv_ref, b_ref, wa_ref, wb_ref, y2_ref):
    dinv = dinv_ref[:, 0:1]
    h = jnp.maximum(dinv * (agg_ref[0] + agg_ref[1] + y_ref[...]) + b_ref[...],
                    0.0)
    y2_ref[0] = dinv * jnp.dot(h, wa_ref[...],
                               preferred_element_type=jnp.float32)
    y2_ref[1] = dinv * jnp.dot(h, wb_ref[...],
                               preferred_element_type=jnp.float32)


def _t3_body(agg_ref, y2_ref, dinv_ref, ba_ref, bb_ref, wa_ref, wb_ref,
             out_ref):
    dinv = dinv_ref[:, 0:1]
    ha = jnp.maximum(dinv * (agg_ref[0] + y2_ref[0]) + ba_ref[...], 0.0)
    hb = jnp.maximum(dinv * (agg_ref[1] + y2_ref[1]) + bb_ref[...], 0.0)
    out_ref[...] = dinv * (
        jnp.dot(ha, wa_ref[...], preferred_element_type=jnp.float32)
        + jnp.dot(hb, wb_ref[...], preferred_element_type=jnp.float32))


def _t4_body(agg_ref, y_ref, dinv_ref, b_ref, batch_ref, wlin_ref, blin_ref,
             out_ref):
    dinv = dinv_ref[:, 0:1]
    h = jnp.maximum(dinv * (agg_ref[0] + agg_ref[1] + y_ref[...]) + b_ref[...],
                    0.0)
    gids = lax.broadcasted_iota(jnp.int32, (N_GRAPHS, N_PAD), 0)
    onehot = (batch_ref[...] == gids).astype(jnp.float32)
    cnts = jnp.sum(onehot, axis=1, keepdims=True)
    sums = jnp.dot(onehot, h, preferred_element_type=jnp.float32)
    pooled = sums / jnp.maximum(cnts, 1.0)
    out_ref[...] = jnp.dot(pooled, wlin_ref[...],
                           preferred_element_type=jnp.float32) + blin_ref[...]



def kernel(x, edge_index, batch, W1, b1, W2, b2, W3, b3, Wlin, blin):
    n = x.shape[0]
    e = edge_index.shape[1]

    fill = n + (jnp.arange(E_PAD - e, dtype=jnp.int32) % (N_PAD - 8 - n))
    srcfull = jnp.concatenate([edge_index[0], fill])
    dstfull = jnp.concatenate([edge_index[1], fill])
    dst = dstfull.reshape(NW, NPB, EB)
    src4 = srcfull.reshape(NW, NGRP, GEB)
    dst4 = dst.reshape(NW, NGRP, GEB)

    src_sub = srcfull.reshape(NS, 2 * EPW)
    dst_sub = dstfull.reshape(NS, 2 * EPW)
    src_m = jnp.stack([src_sub, src_sub + N_PAD]).reshape(NW, MNGRP, MGEB)
    dst_m = jnp.stack([dst_sub, dst_sub]).reshape(NW, MNGRP, MGEB)
    x_p = jnp.pad(x, ((0, N_PAD - n), (0, 0)))
    batch_p = jnp.pad(batch, (0, N_PAD - n),
                      constant_values=N_GRAPHS).reshape(1, N_PAD)

    ones8 = jnp.ones((EB, 8), jnp.float32)
    zeros8 = jnp.zeros((RPS, 8), jnp.float32)
    zeros64 = jnp.zeros((RPS, D), jnp.float32)

    degraw = _deg_kernel(dst, ones8, zeros8)

    y1, dinv8 = pl.pallas_call(
        _t1_body,
        out_shape=[
            jax.ShapeDtypeStruct((N_PAD, 64), jnp.float32),
            jax.ShapeDtypeStruct((N_PAD, 8), jnp.float32),
        ],
    )(x_p, W1, degraw)

    agg1 = _agg64(y1, src4, dst4, zeros64)

    y2 = pl.pallas_call(
        _t2_body,
        out_shape=jax.ShapeDtypeStruct((2, N_PAD, 64), jnp.float32),
    )(agg1, y1, dinv8, b1.reshape(1, 64), W2[:, :64], W2[:, 64:])

    agg2 = _agg64m(y2.reshape(2 * N_PAD, 64), src_m, dst_m, zeros64)

    y3 = pl.pallas_call(
        _t3_body,
        out_shape=jax.ShapeDtypeStruct((N_PAD, 64), jnp.float32),
    )(agg2, y2, dinv8, b2[:64].reshape(1, 64),
      b2[64:].reshape(1, 64), W3[:64], W3[64:])

    agg3 = _agg64(y3, src4, dst4, zeros64)

    out = pl.pallas_call(
        _t4_body,
        out_shape=jax.ShapeDtypeStruct((N_GRAPHS, 1), jnp.float32),
    )(agg3, y3, dinv8, b3.reshape(1, 64), batch_p, Wlin, blin.reshape(1, 1))

    return out

# --- scband reference (transcript-rebuilt; emitter-appended) ---
"""Pipeline reference for scband-gcn-89043261981278 (READ-ONLY COPY).

The authoritative reference and input builder live on the scoring server;
editing this copy changes nothing except your own understanding.
"""

import jax, jax.numpy as jnp
import numpy as np

N_NODES = 10000
N_EDGES = 320000
D_IN = 128
N_GRAPHS = 64


def _gcn_conv(x, src, dst, norm, W, b, n):
    xw = x @ W
    msg = jnp.take(xw, src, axis=0) * norm[:, None]
    out = jax.ops.segment_sum(msg, dst, num_segments=n)
    return out + b


def setup_inputs(seed: int = 0) -> dict:
    key = jax.random.key(seed)
    ks = jax.random.split(key, 12)
    x = jax.random.normal(ks[0], (N_NODES, D_IN), dtype=jnp.float32)
    edge_index = jax.random.randint(ks[1], (2, N_EDGES), 0, N_NODES, dtype=jnp.int32)
    batch = jnp.sort(jax.random.randint(ks[2], (N_GRAPHS,), 0, 1, dtype=jnp.int32))
    batch = jnp.sort(jax.random.randint(ks[2], (N_NODES,), 0, N_GRAPHS, dtype=jnp.int32))
    W1 = jax.random.normal(ks[3], (D_IN, 64), dtype=jnp.float32) * 0.05
    b1 = jnp.zeros((64,), dtype=jnp.float32)
    W2 = jax.random.normal(ks[4], (64, 128), dtype=jnp.float32) * 0.05
    b2 = jnp.zeros((128,), dtype=jnp.float32)
    W3 = jax.random.normal(ks[5], (128, 64), dtype=jnp.float32) * 0.05
    b3 = jnp.zeros((64,), dtype=jnp.float32)
    Wlin = jax.random.normal(ks[6], (64, 1), dtype=jnp.float32) * 0.05
    blin = jnp.zeros((1,), dtype=jnp.float32)
    return {"x": x, "edge_index": edge_index, "batch": batch,
            "W1": W1, "b1": b1, "W2": W2, "b2": b2, "W3": W3, "b3": b3,
            "Wlin": Wlin, "blin": blin}


def reference(x, edge_index, batch, W1, b1, W2, b2, W3, b3, Wlin, blin):
    n = x.shape[0]
    loop = jnp.arange(n, dtype=edge_index.dtype)
    src = jnp.concatenate([edge_index[0], loop])
    dst = jnp.concatenate([edge_index[1], loop])
    # symmetric GCN normalization with self-loops: D^-1/2 (A+I) D^-1/2
    deg = jax.ops.segment_sum(jnp.ones_like(src, dtype=x.dtype), dst, num_segments=n)
    dinv = jax.lax.rsqrt(jnp.maximum(deg, 1.0))
    norm = jnp.take(dinv, src) * jnp.take(dinv, dst)
    h = jax.nn.relu(_gcn_conv(x, src, dst, norm, W1, b1, n))
    h = jax.nn.relu(_gcn_conv(h, src, dst, norm, W2, b2, n))
    h = jax.nn.relu(_gcn_conv(h, src, dst, norm, W3, b3, n))
    # global mean pool over graph ids
    sums = jax.ops.segment_sum(h, batch, num_segments=N_GRAPHS)
    cnts = jax.ops.segment_sum(jnp.ones((n,), x.dtype), batch, num_segments=N_GRAPHS)
    pooled = sums / jnp.maximum(cnts, 1.0)[:, None]
    return pooled @ Wlin + blin

if __name__ == "__main__":
    import jax
    _d = setup_inputs()
    print(jax.jit(kernel)(*tuple(_d.values())))

</pallas_src>

<mosaic_0001>
#map = affine_map<(d0, d1) -> (0, 0, 0)>
#map1 = affine_map<(d0, d1) -> (0, 0)>
module attributes {stable_mosaic.version = 14 : i64} {
  func.func @_deg_body(%arg0: i32, %arg1: i32, %arg2: memref<32x80x128xi32, #tpu.memory_space<hbm>>, %arg3: memref<128x8xf32, #tpu.memory_space<hbm>>, %arg4: memref<640x8xf32, #tpu.memory_space<hbm>>, %arg5: memref<2x10240x8xf32, #tpu.memory_space<hbm>>, %arg6: memref<80x128xi32, #tpu.memory_space<vmem>>, %arg7: memref<128x8xf32, #tpu.memory_space<vmem>>, %arg8: memref<!tpu.dma_semaphore, #tpu.memory_space<semaphore_mem>>, %arg9: memref<!tpu.dma_semaphore, #tpu.memory_space<semaphore_mem>>, %arg10: memref<10240x8xf32, #tpu.memory_space<vmem_shared>>) attributes {dimension_semantics = [#tpu.dimension_semantics<core_parallel>, #tpu.dimension_semantics<subcore_parallel>], iteration_bounds = array<i64: 2, 16>, scalar_prefetch = 0 : i64, scratch_operands = 5 : i64, tpu.core_type = #tpu.core_type<sc_vector_subcore>, window_params = [{transform_indices = #map}, {transform_indices = #map1}, {transform_indices = #map1}, {transform_indices = #map}]} {
    %mul3A = arith.constant 16 : i32
    %mul3A_0 = arith.muli %arg0, %mul3A : i32
    %add3A = arith.addi %mul3A_0, %arg1 : i32
    %mul3A_1 = arith.constant 640 : i32
    %mul3A_2 = arith.muli %arg1, %mul3A_1 : i32
    %dma_start3A = arith.constant 0 : i32
    %dma_start3A_3 = arith.constant 0 : i32
    %dma_start3A_4 = tpu.memref_slice %arg2[%add3A, %dma_start3A, %dma_start3A_3] : memref<32x80x128xi32, #tpu.memory_space<hbm>> -> memref<1x80x128xi32, #tpu.memory_space<hbm>>
    %dma_start3A_5 = tpu.memref_squeeze %dma_start3A_4 : memref<1x80x128xi32, #tpu.memory_space<hbm>> -> memref<80x128xi32, #tpu.memory_space<hbm>>
    %dma_start3A_6 = arith.constant 0 : i32
    %dma_start3A_7 = arith.constant 0 : i32
    %dma_start3A_8 = tpu.memref_slice %arg2[%add3A, %dma_start3A_6, %dma_start3A_7] : memref<32x80x128xi32, #tpu.memory_space<hbm>> -> memref<1x80x128xi32, #tpu.memory_space<hbm>>
    %dma_start3A_9 = tpu.memref_squeeze %dma_start3A_8 : memref<1x80x128xi32, #tpu.memory_space<hbm>> -> memref<80x128xi32, #tpu.memory_space<hbm>>
    tpu.enqueue_dma source(%dma_start3A_9 : memref<80x128xi32, #tpu.memory_space<hbm>>) target(%arg6 : memref<80x128xi32, #tpu.memory_space<vmem>>) target_semaphore(%arg9 : memref<!tpu.dma_semaphore, #tpu.memory_space<semaphore_mem>>)
    %dma_start3A_10 = arith.constant 0 : i32
    %dma_start3A_11 = tpu.memref_slice %arg10[%mul3A_2, %dma_start3A_10] : memref<10240x8xf32, #tpu.memory_space<vmem_shared>> -> memref<640x8xf32, #tpu.memory_space<vmem_shared>>
    tpu.enqueue_dma source(%arg4 : memref<640x8xf32, #tpu.memory_space<hbm>>) target(%dma_start3A_11 : memref<640x8xf32, #tpu.memory_space<vmem_shared>>) target_semaphore(%arg8 : memref<!tpu.dma_semaphore, #tpu.memory_space<semaphore_mem>>)
    "tpu.region"() ({
      %run_scoped3A = tpu.sem_alloc : memref<!tpu.dma_semaphore, #tpu.memory_space<semaphore_mem>>
      tpu.enqueue_dma source(%arg3 : memref<128x8xf32, #tpu.memory_space<hbm>>) target(%arg7 : memref<128x8xf32, #tpu.memory_space<vmem>>) target_semaphore(%run_scoped3A : memref<!tpu.dma_semaphore, #tpu.memory_space<semaphore_mem>>)
      tpu.wait_dma2 semaphore(%run_scoped3A : memref<!tpu.dma_semaphore, #tpu.memory_space<semaphore_mem>>) src(%arg3 : memref<128x8xf32, #tpu.memory_space<hbm>>) dst(%arg7 : memref<128x8xf32, #tpu.memory_space<vmem>>)
      tpu.yield
    }) : () -> ()
    %dma_wait3A = arith.constant 0 : i32
    %dma_wait3A_12 = tpu.memref_slice %arg10[%mul3A_2, %dma_wait3A] : memref<10240x8xf32, #tpu.memory_space<vmem_shared>> -> memref<640x8xf32, #tpu.memory_space<vmem_shared>>
    tpu.wait_dma2 semaphore(%arg8 : memref<!tpu.dma_semaphore, #tpu.memory_space<semaphore_mem>>) src(%arg4 : memref<640x8xf32, #tpu.memory_space<hbm>>) dst(%dma_wait3A_12 : memref<640x8xf32, #tpu.memory_space<vmem_shared>>)
    %dma_wait3A_13 = arith.constant 0 : i32
    %dma_wait3A_14 = arith.constant 0 : i32
    %dma_wait3A_15 = tpu.memref_slice %arg2[%add3A, %dma_wait3A_13, %dma_wait3A_14] : memref<32x80x128xi32, #tpu.memory_space<hbm>> -> memref<1x80x128xi32, #tpu.memory_space<hbm>>
    %dma_wait3A_16 = tpu.memref_squeeze %dma_wait3A_15 : memref<1x80x128xi32, #tpu.memory_space<hbm>> -> memref<80x128xi32, #tpu.memory_space<hbm>>
    %dma_wait3A_17 = arith.constant 0 : i32
    %dma_wait3A_18 = arith.constant 0 : i32
    %dma_wait3A_19 = tpu.memref_slice %arg2[%add3A, %dma_wait3A_17, %dma_wait3A_18] : memref<32x80x128xi32, #tpu.memory_space<hbm>> -> memref<1x80x128xi32, #tpu.memory_space<hbm>>
    %dma_wait3A_20 = tpu.memref_squeeze %dma_wait3A_19 : memref<1x80x128xi32, #tpu.memory_space<hbm>> -> memref<80x128xi32, #tpu.memory_space<hbm>>
    tpu.wait_dma2 semaphore(%arg9 : memref<!tpu.dma_semaphore, #tpu.memory_space<semaphore_mem>>) src(%dma_wait3A_20 : memref<80x128xi32, #tpu.memory_space<hbm>>) dst(%arg6 : memref<80x128xi32, #tpu.memory_space<vmem>>)
    %barrier3A = arith.constant 0 : index
    tpu.barrier barrier_id(%barrier3A)
    %scan3A = arith.constant 0 : i32
    %scan3A_21 = arith.constant 80 : i32
    %scan3A_22 = arith.addi %scan3A, %scan3A_21 : i32
    %scan3A_23 = arith.constant 1 : i32
    scf.for %scan3A_36 = %scan3A to %scan3A_22 step %scan3A_23  : i32 {
      %dma_start3A_37 = arith.constant 0 : i32
      %dma_start3A_38 = tpu.memref_slice %arg6[%scan3A_36, %dma_start3A_37] : memref<80x128xi32, #tpu.memory_space<vmem>> -> memref<1x128xi32, #tpu.memory_space<vmem>>
      %dma_start3A_39 = tpu.memref_squeeze %dma_start3A_38 : memref<1x128xi32, #tpu.memory_space<vmem>> -> memref<128xi32, #tpu.memory_space<vmem>>
      %dma_start3A_40 = arith.constant 0 : i32
      %dma_start3A_41 = arith.constant 0 : i32
      %dma_start3A_42 = tpu.memref_slice %arg10[%dma_start3A_40, %dma_start3A_41] : memref<10240x8xf32, #tpu.memory_space<vmem_shared>> -> memref<10240x8xf32, #tpu.memory_space<vmem_shared>>
      tpu.enqueue_indirect_dma source(%arg7 : memref<128x8xf32, #tpu.memory_space<vmem>>) target(%dma_start3A_42 : memref<10240x8xf32, #tpu.memory_space<vmem_shared>>) offsets(%dma_start3A_39 : memref<128xi32, #tpu.memory_space<vmem>>) semaphore(%arg9 : memref<!tpu.dma_semaphore, #tpu.memory_space<semaphore_mem>>) {add = true}
      %ge3A = arith.constant 8 : i32
      %ge3A_43 = arith.cmpi sge, %scan3A_36, %ge3A : i32
      %convert_element_type3A = arith.extui %ge3A_43 : i1 to i32
      %cond3A = arith.constant 0 : i32
      %cond3A_44 = arith.cmpi ne, %convert_element_type3A, %cond3A : i32
      scf.if %cond3A_44 {
        tpu.wait_dma2 semaphore(%arg9 : memref<!tpu.dma_semaphore, #tpu.memory_space<semaphore_mem>>) src(%arg3 : memref<128x8xf32, #tpu.memory_space<hbm>>) dst(%arg7 : memref<128x8xf32, #tpu.memory_space<vmem>>)
      } else {
      }
    }
    %scan3A_24 = arith.constant 80 : i32
    tpu.wait_dma2 semaphore(%arg9 : memref<!tpu.dma_semaphore, #tpu.memory_space<semaphore_mem>>) src(%arg3 : memref<128x8xf32, #tpu.memory_space<hbm>>) dst(%arg7 : memref<128x8xf32, #tpu.memory_space<vmem>>)
    tpu.wait_dma2 semaphore(%arg9 : memref<!tpu.dma_semaphore, #tpu.memory_space<semaphore_mem>>) src(%arg3 : memref<128x8xf32, #tpu.memory_space<hbm>>) dst(%arg7 : memref<128x8xf32, #tpu.memory_space<vmem>>)
    tpu.wait_dma2 semaphore(%arg9 : memref<!tpu.dma_semaphore, #tpu.memory_space<semaphore_mem>>) src(%arg3 : memref<128x8xf32, #tpu.memory_space<hbm>>) dst(%arg7 : memref<128x8xf32, #tpu.memory_space<vmem>>)
    tpu.wait_dma2 semaphore(%arg9 : memref<!tpu.dma_semaphore, #tpu.memory_space<semaphore_mem>>) src(%arg3 : memref<128x8xf32, #tpu.memory_space<hbm>>) dst(%arg7 : memref<128x8xf32, #tpu.memory_space<vmem>>)
    tpu.wait_dma2 semaphore(%arg9 : memref<!tpu.dma_semaphore, #tpu.memory_space<semaphore_mem>>) src(%arg3 : memref<128x8xf32, #tpu.memory_space<hbm>>) dst(%arg7 : memref<128x8xf32, #tpu.memory_space<vmem>>)
    tpu.wait_dma2 semaphore(%arg9 : memref<!tpu.dma_semaphore, #tpu.memory_space<semaphore_mem>>) src(%arg3 : memref<128x8xf32, #tpu.memory_space<hbm>>) dst(%arg7 : memref<128x8xf32, #tpu.memory_space<vmem>>)
    tpu.wait_dma2 semaphore(%arg9 : memref<!tpu.dma_semaphore, #tpu.memory_space<semaphore_mem>>) src(%arg3 : memref<128x8xf32, #tpu.memory_space<hbm>>) dst(%arg7 : memref<128x8xf32, #tpu.memory_space<vmem>>)
    tpu.wait_dma2 semaphore(%arg9 : memref<!tpu.dma_semaphore, #tpu.memory_space<semaphore_mem>>) src(%arg3 : memref<128x8xf32, #tpu.memory_space<hbm>>) dst(%arg7 : memref<128x8xf32, #tpu.memory_space<vmem>>)
    %barrier3A_25 = arith.constant 0 : index
    tpu.barrier barrier_id(%barrier3A_25)
    %dma_start3A_26 = arith.constant 0 : i32
    %dma_start3A_27 = tpu.memref_slice %arg5[%arg0, %mul3A_2, %dma_start3A_26] : memref<2x10240x8xf32, #tpu.memory_space<hbm>> -> memref<1x640x8xf32, #tpu.memory_space<hbm>>
    %dma_start3A_28 = tpu.memref_squeeze %dma_start3A_27 : memref<1x640x8xf32, #tpu.memory_space<hbm>> -> memref<640x8xf32, #tpu.memory_space<hbm>>
    %dma_start3A_29 = arith.constant 0 : i32
    %dma_start3A_30 = tpu.memref_slice %arg10[%mul3A_2, %dma_start3A_29] : memref<10240x8xf32, #tpu.memory_space<vmem_shared>> -> memref<640x8xf32, #tpu.memory_space<vmem_shared>>
    tpu.enqueue_dma source(%dma_start3A_30 : memref<640x8xf32, #tpu.memory_space<vmem_shared>>) target(%dma_start3A_28 : memref<640x8xf32, #tpu.memory_space<hbm>>) target_semaphore(%arg8 : memref<!tpu.dma_semaphore, #tpu.memory_space<semaphore_mem>>)
    %dma_wait3A_31 = arith.constant 0 : i32
    %dma_wait3A_32 = tpu.memref_slice %arg5[%arg0, %mul3A_2, %dma_wait3A_31] : memref<2x10240x8xf32, #tpu.memory_space<hbm>> -> memref<1x640x8xf32, #tpu.memory_space<hbm>>
    %dma_wait3A_33 = tpu.memref_squeeze %dma_wait3A_32 : memref<1x640x8xf32, #tpu.memory_space<hbm>> -> memref<640x8xf32, #tpu.memory_space<hbm>>
    %dma_wait3A_34 = arith.constant 0 : i32
    %dma_wait3A_35 = tpu.memref_slice %arg10[%mul3A_2, %dma_wait3A_34] : memref<10240x8xf32, #tpu.memory_space<vmem_shared>> -> memref<640x8xf32, #tpu.memory_space<vmem_shared>>
    tpu.wait_dma2 semaphore(%arg8 : memref<!tpu.dma_semaphore, #tpu.memory_space<semaphore_mem>>) src(%dma_wait3A_35 : memref<640x8xf32, #tpu.memory_space<vmem_shared>>) dst(%dma_wait3A_33 : memref<640x8xf32, #tpu.memory_space<hbm>>)
    return
  }
}

#map = affine_map<(d0, d1) -> (0, 0)>
#map1 = affine_map<(d0, d1) -> (0, 0, 0)>
module attributes {stable_mosaic.version = 14 : i64} {
  func.func @_agg_body(%arg0: i32, %arg1: i32, %arg2: memref<10240x64xf32, #tpu.memory_space<hbm>>, %arg3: memref<32x80x128xi32, #tpu.memory_space<hbm>>, %arg4: memref<32x80x128xi32, #tpu.memory_space<hbm>>, %arg5: memref<640x64xf32, #tpu.memory_space<hbm>>, %arg6: memref<2x10240x64xf32, #tpu.memory_space<hbm>>, %arg7: memref<80x128xi32, #tpu.memory_space<vmem>>, %arg8: memref<80x128xi32, #tpu.memory_space<vmem>>, %arg9: memref<8x128x64xf32, #tpu.memory_space<vmem>>, %arg10: memref<8x!tpu.dma_semaphore, #tpu.memory_space<semaphore_mem>>, %arg11: memref<8x!tpu.dma_semaphore, #tpu.memory_space<semaphore_mem>>, %arg12: memref<10240x64xf32, #tpu.memory_space<vmem_shared>>) attributes {dimension_semantics = [#tpu.dimension_semantics<core_parallel>, #tpu.dimension_semantics<subcore_parallel>], iteration_bounds = array<i64: 2, 16>, scalar_prefetch = 0 : i64, scratch_operands = 6 : i64, tpu.core_type = #tpu.core_type<sc_vector_subcore>, window_params = [{transform_indices = #map}, {transform_indices = #map1}, {transform_indices = #map1}, {transform_indices = #map}, {transform_indices = #map1}]} {
    %mul3A = arith.constant 16 : i32
    %mul3A_0 = arith.muli %arg0, %mul3A : i32
    %add3A = arith.addi %mul3A_0, %arg1 : i32
    %mul3A_1 = arith.constant 640 : i32
    %mul3A_2 = arith.muli %arg1, %mul3A_1 : i32
    %dma_start3A = arith.constant 0 : i32
    %dma_start3A_3 = arith.constant 0 : i32
    %dma_start3A_4 = arith.constant 0 : i32
    %dma_start3A_5 = tpu.memref_slice %arg3[%add3A, %dma_start3A_3, %dma_start3A_4] : memref<32x80x128xi32, #tpu.memory_space<hbm>> -> memref<1x80x128xi32, #tpu.memory_space<hbm>>
    %dma_start3A_6 = tpu.memref_squeeze %dma_start3A_5 : memref<1x80x128xi32, #tpu.memory_space<hbm>> -> memref<80x128xi32, #tpu.memory_space<hbm>>
    %dma_start3A_7 = tpu.memref_slice %arg10[%dma_start3A] : memref<8x!tpu.dma_semaphore, #tpu.memory_space<semaphore_mem>> -> memref<1x!tpu.dma_semaphore, #tpu.memory_space<semaphore_mem>>
    %dma_start3A_8 = tpu.memref_squeeze %dma_start3A_7 : memref<1x!tpu.dma_semaphore, #tpu.memory_space<semaphore_mem>> -> memref<!tpu.dma_semaphore, #tpu.memory_space<semaphore_mem>>
    %dma_start3A_9 = arith.constant 0 : i32
    %dma_start3A_10 = arith.constant 0 : i32
    %dma_start3A_11 = tpu.memref_slice %arg3[%add3A, %dma_start3A_9, %dma_start3A_10] : memref<32x80x128xi32, #tpu.memory_space<hbm>> -> memref<1x80x128xi32, #tpu.memory_space<hbm>>
    %dma_start3A_12 = tpu.memref_squeeze %dma_start3A_11 : memref<1x80x128xi32, #tpu.memory_space<hbm>> -> memref<80x128xi32, #tpu.memory_space<hbm>>
    tpu.enqueue_dma source(%dma_start3A_12 : memref<80x128xi32, #tpu.memory_space<hbm>>) target(%arg7 : memref<80x128xi32, #tpu.memory_space<vmem>>) target_semaphore(%dma_start3A_8 : memref<!tpu.dma_semaphore, #tpu.memory_space<semaphore_mem>>)
    %dma_start3A_13 = arith.constant 1 : i32
    %dma_start3A_14 = arith.constant 0 : i32
    %dma_start3A_15 = arith.constant 0 : i32
    %dma_start3A_16 = tpu.memref_slice %arg4[%add3A, %dma_start3A_14, %dma_start3A_15] : memref<32x80x128xi32, #tpu.memory_space<hbm>> -> memref<1x80x128xi32, #tpu.memory_space<hbm>>
    %dma_start3A_17 = tpu.memref_squeeze %dma_start3A_16 : memref<1x80x128xi32, #tpu.memory_space<hbm>> -> memref<80x128xi32, #tpu.memory_space<hbm>>
    %dma_start3A_18 = tpu.memref_slice %arg10[%dma_start3A_13] : memref<8x!tpu.dma_semaphore, #tpu.memory_space<semaphore_mem>> -> memref<1x!tpu.dma_semaphore, #tpu.memory_space<semaphore_mem>>
    %dma_start3A_19 = tpu.memref_squeeze %dma_start3A_18 : memref<1x!tpu.dma_semaphore, #tpu.memory_space<semaphore_mem>> -> memref<!tpu.dma_semaphore, #tpu.memory_space<semaphore_mem>>
    %dma_start3A_20 = arith.constant 0 : i32
    %dma_start3A_21 = arith.constant 0 : i32
    %dma_start3A_22 = tpu.memref_slice %arg4[%add3A, %dma_start3A_20, %dma_start3A_21] : memref<32x80x128xi32, #tpu.memory_space<hbm>> -> memref<1x80x128xi32, #tpu.memory_space<hbm>>
    %dma_start3A_23 = tpu.memref_squeeze %dma_start3A_22 : memref<1x80x128xi32, #tpu.memory_space<hbm>> -> memref<80x128xi32, #tpu.memory_space<hbm>>
    tpu.enqueue_dma source(%dma_start3A_23 : memref<80x128xi32, #tpu.memory_space<hbm>>) target(%arg8 : memref<80x128xi32, #tpu.memory_space<vmem>>) target_semaphore(%dma_start3A_19 : memref<!tpu.dma_semaphore, #tpu.memory_space<semaphore_mem>>)
    %dma_start3A_24 = arith.constant 0 : i32
    %dma_start3A_25 = tpu.memref_slice %arg11[%dma_start3A_24] : memref<8x!tpu.dma_semaphore, #tpu.memory_space<semaphore_mem>> -> memref<1x!tpu.dma_semaphore, #tpu.memory_space<semaphore_mem>>
    %dma_start3A_26 = tpu.memref_squeeze %dma_start3A_25 : memref<1x!tpu.dma_semaphore, #tpu.memory_space<semaphore_mem>> -> memref<!tpu.dma_semaphore, #tpu.memory_space<semaphore_mem>>
    %dma_start3A_27 = arith.constant 0 : i32
    %dma_start3A_28 = tpu.memref_slice %arg12[%mul3A_2, %dma_start3A_27] : memref<10240x64xf32, #tpu.memory_space<vmem_shared>> -> memref<640x64xf32, #tpu.memory_space<vmem_shared>>
    tpu.enqueue_dma source(%arg5 : memref<640x64xf32, #tpu.memory_space<hbm>>) target(%dma_start3A_28 : memref<640x64xf32, #tpu.memory_space<vmem_shared>>) target_semaphore(%dma_start3A_26 : memref<!tpu.dma_semaphore, #tpu.memory_space<semaphore_mem>>)
    %dma_wait3A = arith.constant 0 : i32
    %dma_wait3A_29 = tpu.memref_slice %arg11[%dma_wait3A] : memref<8x!tpu.dma_semaphore, #tpu.memory_space<semaphore_mem>> -> memref<1x!tpu.dma_semaphore, #tpu.memory_space<semaphore_mem>>
    %dma_wait3A_30 = tpu.memref_squeeze %dma_wait3A_29 : memref<1x!tpu.dma_semaphore, #tpu.memory_space<semaphore_mem>> -> memref<!tpu.dma_semaphore, #tpu.memory_space<semaphore_mem>>
    %dma_wait3A_31 = arith.constant 0 : i32
    %dma_wait3A_32 = tpu.memref_slice %arg12[%mul3A_2, %dma_wait3A_31] : memref<10240x64xf32, #tpu.memory_space<vmem_shared>> -> memref<640x64xf32, #tpu.memory_space<vmem_shared>>
    tpu.wait_dma2 semaphore(%dma_wait3A_30 : memref<!tpu.dma_semaphore, #tpu.memory_space<semaphore_mem>>) src(%arg5 : memref<640x64xf32, #tpu.memory_space<hbm>>) dst(%dma_wait3A_32 : memref<640x64xf32, #tpu.memory_space<vmem_shared>>)
    %dma_wait3A_33 = arith.constant 0 : i32
    %dma_wait3A_34 = arith.constant 0 : i32
    %dma_wait3A_35 = arith.constant 0 : i32
    %dma_wait3A_36 = tpu.memref_slice %arg3[%add3A, %dma_wait3A_34, %dma_wait3A_35] : memref<32x80x128xi32, #tpu.memory_space<hbm>> -> memref<1x80x128xi32, #tpu.memory_space<hbm>>
    %dma_wait3A_37 = tpu.memref_squeeze %dma_wait3A_36 : memref<1x80x128xi32, #tpu.memory_space<hbm>> -> memref<80x128xi32, #tpu.memory_space<hbm>>
    %dma_wait3A_38 = tpu.memref_slice %arg10[%dma_wait3A_33] : memref<8x!tpu.dma_semaphore, #tpu.memory_space<semaphore_mem>> -> memref<1x!tpu.dma_semaphore, #tpu.memory_space<semaphore_mem>>
    %dma_wait3A_39 = tpu.memref_squeeze %dma_wait3A_38 : memref<1x!tpu.dma_semaphore, #tpu.memory_space<semaphore_mem>> -> memref<!tpu.dma_semaphore, #tpu.memory_space<semaphore_mem>>
    %dma_wait3A_40 = arith.constant 0 : i32
    %dma_wait3A_41 = arith.constant 0 : i32
    %dma_wait3A_42 = tpu.memref_slice %arg3[%add3A, %dma_wait3A_40, %dma_wait3A_41] : memref<32x80x128xi32, #tpu.memory_space<hbm>> -> memref<1x80x128xi32, #tpu.memory_space<hbm>>
    %dma_wait3A_43 = tpu.memref_squeeze %dma_wait3A_42 : memref<1x80x128xi32, #tpu.memory_space<hbm>> -> memref<80x128xi32, #tpu.memory_space<hbm>>
    tpu.wait_dma2 semaphore(%dma_wait3A_39 : memref<!tpu.dma_semaphore, #tpu.memory_space<semaphore_mem>>) src(%dma_wait3A_43 : memref<80x128xi32, #tpu.memory_space<hbm>>) dst(%arg7 : memref<80x128xi32, #tpu.memory_space<vmem>>)
    %dma_wait3A_44 = arith.constant 1 : i32
    %dma_wait3A_45 = arith.constant 0 : i32
    %dma_wait3A_46 = arith.constant 0 : i32
    %dma_wait3A_47 = tpu.memref_slice %arg4[%add3A, %dma_wait3A_45, %dma_wait3A_46] : memref<32x80x128xi32, #tpu.memory_space<hbm>> -> memref<1x80x128xi32, #tpu.memory_space<hbm>>
    %dma_wait3A_48 = tpu.memref_squeeze %dma_wait3A_47 : memref<1x80x128xi32, #tpu.memory_space<hbm>> -> memref<80x128xi32, #tpu.memory_space<hbm>>
    %dma_wait3A_49 = tpu.memref_slice %arg10[%dma_wait3A_44] : memref<8x!tpu.dma_semaphore, #tpu.memory_space<semaphore_mem>> -> memref<1x!tpu.dma_semaphore, #tpu.memory_space<semaphore_mem>>
    %dma_wait3A_50 = tpu.memref_squeeze %dma_wait3A_49 : memref<1x!tpu.dma_semaphore, #tpu.memory_space<semaphore_mem>> -> memref<!tpu.dma_semaphore, #tpu.memory_space<semaphore_mem>>
    %dma_wait3A_51 = arith.constant 0 : i32
    %dma_wait3A_52 = arith.constant 0 : i32
    %dma_wait3A_53 = tpu.memref_slice %arg4[%add3A, %dma_wait3A_51, %dma_wait3A_52] : memref<32x80x128xi32, #tpu.memory_space<hbm>> -> memref<1x80x128xi32, #tpu.memory_space<hbm>>
    %dma_wait3A_54 = tpu.memref_squeeze %dma_wait3A_53 : memref<1x80x128xi32, #tpu.memory_space<hbm>> -> memref<80x128xi32, #tpu.memory_space<hbm>>
    tpu.wait_dma2 semaphore(%dma_wait3A_50 : memref<!tpu.dma_semaphore, #tpu.memory_space<semaphore_mem>>) src(%dma_wait3A_54 : memref<80x128xi32, #tpu.memory_space<hbm>>) dst(%arg8 : memref<80x128xi32, #tpu.memory_space<vmem>>)
    %barrier3A = arith.constant 0 : index
    tpu.barrier barrier_id(%barrier3A)
    %dma_start3A_55 = arith.constant 0 : i32
    %dma_start3A_56 = arith.constant 0 : i32
    %dma_start3A_57 = arith.constant 0 : i32
    %dma_start3A_58 = arith.constant 0 : i32
    %dma_start3A_59 = arith.constant 0 : i32
    %dma_start3A_60 = tpu.memref_slice %arg9[%dma_start3A_56, %dma_start3A_58, %dma_start3A_59] : memref<8x128x64xf32, #tpu.memory_space<vmem>> -> memref<1x128x64xf32, #tpu.memory_space<vmem>>
    %dma_start3A_61 = tpu.memref_squeeze %dma_start3A_60 : memref<1x128x64xf32, #tpu.memory_space<vmem>> -> memref<128x64xf32, #tpu.memory_space<vmem>>
    %dma_start3A_62 = arith.constant 0 : i32
    %dma_start3A_63 = tpu.memref_slice %arg7[%dma_start3A_55, %dma_start3A_62] : memref<80x128xi32, #tpu.memory_space<vmem>> -> memref<1x128xi32, #tpu.memory_space<vmem>>
    %dma_start3A_64 = tpu.memref_squeeze %dma_start3A_63 : memref<1x128xi32, #tpu.memory_space<vmem>> -> memref<128xi32, #tpu.memory_space<vmem>>
    %dma_start3A_65 = arith.constant 0 : i32
    %dma_start3A_66 = arith.constant 0 : i32
    %dma_start3A_67 = tpu.memref_slice %arg2[%dma_start3A_65, %dma_start3A_66] : memref<10240x64xf32, #tpu.memory_space<hbm>> -> memref<10240x64xf32, #tpu.memory_space<hbm>>
    %dma_start3A_68 = tpu.memref_slice %arg10[%dma_start3A_57] : memref<8x!tpu.dma_semaphore, #tpu.memory_space<semaphore_mem>> -> memref<1x!tpu.dma_semaphore, #tpu.memory_space<semaphore_mem>>
    %dma_start3A_69 = tpu.memref_squeeze %dma_start3A_68 : memref<1x!tpu.dma_semaphore, #tpu.memory_space<semaphore_mem>> -> memref<!tpu.dma_semaphore, #tpu.memory_space<semaphore_mem>>
    tpu.enqueue_indirect_dma source(%dma_start3A_67 : memref<10240x64xf32, #tpu.memory_space<hbm>>) target(%dma_start3A_61 : memref<128x64xf32, #tpu.memory_space<vmem>>) offsets(%dma_start3A_64 : memref<128xi32, #tpu.memory_space<vmem>>) semaphore(%dma_start3A_69 : memref<!tpu.dma_semaphore, #tpu.memory_space<semaphore_mem>>)
    %dma_start3A_70 = arith.constant 1 : i32
    %dma_start3A_71 = arith.constant 1 : i32
    %dma_start3A_72 = arith.constant 1 : i32
    %dma_start3A_73 = arith.constant 0 : i32
    %dma_start3A_74 = arith.constant 0 : i32
    %dma_start3A_75 = tpu.memref_slice %arg9[%dma_start3A_71, %dma_start3A_73, %dma_start3A_74] : memref<8x128x64xf32, #tpu.memory_space<vmem>> -> memref<1x128x64xf32, #tpu.memory_space<vmem>>
    %dma_start3A_76 = tpu.memref_squeeze %dma_start3A_75 : memref<1x128x64xf32, #tpu.memory_space<vmem>> -> memref<128x64xf32, #tpu.memory_space<vmem>>
    %dma_start3A_77 = arith.constant 0 : i32
    %dma_start3A_78 = tpu.memref_slice %arg7[%dma_start3A_70, %dma_start3A_77] : memref<80x128xi32, #tpu.memory_space<vmem>> -> memref<1x128xi32, #tpu.memory_space<vmem>>
    %dma_start3A_79 = tpu.memref_squeeze %dma_start3A_78 : memref<1x128xi32, #tpu.memory_space<vmem>> -> memref<128xi32, #tpu.memory_space<vmem>>
    %dma_start3A_80 = arith.constant 0 : i32
    %dma_start3A_81 = arith.constant 0 : i32
    %dma_start3A_82 = tpu.memref_slice %arg2[%dma_start3A_80, %dma_start3A_81] : memref<10240x64xf32, #tpu.memory_space<hbm>> -> memref<10240x64xf32, #tpu.memory_space<hbm>>
    %dma_start3A_83 = tpu.memref_slice %arg10[%dma_start3A_72] : memref<8x!tpu.dma_semaphore, #tpu.memory_space<semaphore_mem>> -> memref<1x!tpu.dma_semaphore, #tpu.memory_space<semaphore_mem>>
    %dma_start3A_84 = tpu.memref_squeeze %dma_start3A_83 : memref<1x!tpu.dma_semaphore, #tpu.memory_space<semaphore_mem>> -> memref<!tpu.dma_semaphore, #tpu.memory_space<semaphore_mem>>
    tpu.enqueue_indirect_dma source(%dma_start3A_82 : memref<10240x64xf32, #tpu.memory_space<hbm>>) target(%dma_start3A_76 : memref<128x64xf32, #tpu.memory_space<vmem>>) offsets(%dma_start3A_79 : memref<128xi32, #tpu.memory_space<vmem>>) semaphore(%dma_start3A_84 : memref<!tpu.dma_semaphore, #tpu.memory_space<semaphore_mem>>)
    %dma_start3A_85 = arith.constant 2 : i32
    %dma_start3A_86 = arith.constant 2 : i32
    %dma_start3A_87 = arith.constant 2 : i32
    %dma_start3A_88 = arith.constant 0 : i32
    %dma_start3A_89 = arith.constant 0 : i32
    %dma_start3A_90 = tpu.memref_slice %arg9[%dma_start3A_86, %dma_start3A_88, %dma_start3A_89] : memref<8x128x64xf32, #tpu.memory_space<vmem>> -> memref<1x128x64xf32, #tpu.memory_space<vmem>>
    %dma_start3A_91 = tpu.memref_squeeze %dma_start3A_90 : memref<1x128x64xf32, #tpu.memory_space<vmem>> -> memref<128x64xf32, #tpu.memory_space<vmem>>
    %dma_start3A_92 = arith.constant 0 : i32
    %dma_start3A_93 = tpu.memref_slice %arg7[%dma_start3A_85, %dma_start3A_92] : memref<80x128xi32, #tpu.memory_space<vmem>> -> memref<1x128xi32, #tpu.memory_space<vmem>>
    %dma_start3A_94 = tpu.memref_squeeze %dma_start3A_93 : memref<1x128xi32, #tpu.memory_space<vmem>> -> memref<128xi32, #tpu.memory_space<vmem>>
    %dma_start3A_95 = arith.constant 0 : i32
    %dma_start3A_96 = arith.constant 0 : i32
    %dma_start3A_97 = tpu.memref_slice %arg2[%dma_start3A_95, %dma_start3A_96] : memref<10240x64xf32, #tpu.memory_space<hbm>> -> memref<10240x64xf32, #tpu.memory_space<hbm>>
    %dma_start3A_98 = tpu.memref_slice %arg10[%dma_start3A_87] : memref<8x!tpu.dma_semaphore, #tpu.memory_space<semaphore_mem>> -> memref<1x!tpu.dma_semaphore, #tpu.memory_space<semaphore_mem>>
    %dma_start3A_99 = tpu.memref_squeeze %dma_start3A_98 : memref<1x!tpu.dma_semaphore, #tpu.memory_space<semaphore_mem>> -> memref<!tpu.dma_semaphore, #tpu.memory_space<semaphore_mem>>
    tpu.enqueue_indirect_dma source(%dma_start3A_97 : memref<10240x64xf32, #tpu.memory_space<hbm>>) target(%dma_start3A_91 : memref<128x64xf32, #tpu.memory_space<vmem>>) offsets(%dma_start3A_94 : memref<128xi32, #tpu.memory_space<vmem>>) semaphore(%dma_start3A_99 : memref<!tpu.dma_semaphore, #tpu.memory_space<semaphore_mem>>)
    %dma_start3A_100 = arith.constant 3 : i32
    %dma_start3A_101 = arith.constant 3 : i32
    %dma_start3A_102 = arith.constant 3 : i32
    %dma_start3A_103 = arith.constant 0 : i32
    %dma_start3A_104 = arith.constant 0 : i32
    %dma_start3A_105 = tpu.memref_slice %arg9[%dma_start3A_101, %dma_start3A_103, %dma_start3A_104] : memref<8x128x64xf32, #tpu.memory_space<vmem>> -> memref<1x128x64xf32, #tpu.memory_space<vmem>>
    %dma_start3A_106 = tpu.memref_squeeze %dma_start3A_105 : memref<1x128x64xf32, #tpu.memory_space<vmem>> -> memref<128x64xf32, #tpu.memory_space<vmem>>
    %dma_start3A_107 = arith.constant 0 : i32
    %dma_start3A_108 = tpu.memref_slice %arg7[%dma_start3A_100, %dma_start3A_107] : memref<80x128xi32, #tpu.memory_space<vmem>> -> memref<1x128xi32, #tpu.memory_space<vmem>>
    %dma_start3A_109 = tpu.memref_squeeze %dma_start3A_108 : memref<1x128xi32, #tpu.memory_space<vmem>> -> memref<128xi32, #tpu.memory_space<vmem>>
    %dma_start3A_110 = arith.constant 0 : i32
    %dma_start3A_111 = arith.constant 0 : i32
    %dma_start3A_112 = tpu.memref_slice %arg2[%dma_start3A_110, %dma_start3A_111] : memref<10240x64xf32, #tpu.memory_space<hbm>> -> memref<10240x64xf32, #tpu.memory_space<hbm>>
    %dma_start3A_113 = tpu.memref_slice %arg10[%dma_start3A_102] : memref<8x!tpu.dma_semaphore, #tpu.memory_space<semaphore_mem>> -> memref<1x!tpu.dma_semaphore, #tpu.memory_space<semaphore_mem>>
    %dma_start3A_114 = tpu.memref_squeeze %dma_start3A_113 : memref<1x!tpu.dma_semaphore, #tpu.memory_space<semaphore_mem>> -> memref<!tpu.dma_semaphore, #tpu.memory_space<semaphore_mem>>
    tpu.enqueue_indirect_dma source(%dma_start3A_112 : memref<10240x64xf32, #tpu.memory_space<hbm>>) target(%dma_start3A_106 : memref<128x64xf32, #tpu.memory_space<vmem>>) offsets(%dma_start3A_109 : memref<128xi32, #tpu.memory_space<vmem>>) semaphore(%dma_start3A_114 : memref<!tpu.dma_semaphore, #tpu.memory_space<semaphore_mem>>)
    %dma_start3A_115 = arith.constant 4 : i32
    %dma_start3A_116 = arith.constant 4 : i32
    %dma_start3A_117 = arith.constant 4 : i32
    %dma_start3A_118 = arith.constant 0 : i32
    %dma_start3A_119 = arith.constant 0 : i32
    %dma_start3A_120 = tpu.memref_slice %arg9[%dma_start3A_116, %dma_start3A_118, %dma_start3A_119] : memref<8x128x64xf32, #tpu.memory_space<vmem>> -> memref<1x128x64xf32, #tpu.memory_space<vmem>>
    %dma_start3A_121 = tpu.memref_squeeze %dma_start3A_120 : memref<1x128x64xf32, #tpu.memory_space<vmem>> -> memref<128x64xf32, #tpu.memory_space<vmem>>
    %dma_start3A_122 = arith.constant 0 : i32
    %dma_start3A_123 = tpu.memref_slice %arg7[%dma_start3A_115, %dma_start3A_122] : memref<80x128xi32, #tpu.memory_space<vmem>> -> memref<1x128xi32, #tpu.memory_space<vmem>>
    %dma_start3A_124 = tpu.memref_squeeze %dma_start3A_123 : memref<1x128xi32, #tpu.memory_space<vmem>> -> memref<128xi32, #tpu.memory_space<vmem>>
    %dma_start3A_125 = arith.constant 0 : i32
    %dma_start3A_126 = arith.constant 0 : i32
    %dma_start3A_127 = tpu.memref_slice %arg2[%dma_start3A_125, %dma_start3A_126] : memref<10240x64xf32, #tpu.memory_space<hbm>> -> memref<10240x64xf32, #tpu.memory_space<hbm>>
    %dma_start3A_128 = tpu.memref_slice %arg10[%dma_start3A_117] : memref<8x!tpu.dma_semaphore, #tpu.memory_space<semaphore_mem>> -> memref<1x!tpu.dma_semaphore, #tpu.memory_space<semaphore_mem>>
    %dma_start3A_129 = tpu.memref_squeeze %dma_start3A_128 : memref<1x!tpu.dma_semaphore, #tpu.memory_space<semaphore_mem>> -> memref<!tpu.dma_semaphore, #tpu.memory_space<semaphore_mem>>
    tpu.enqueue_indirect_dma source(%dma_start3A_127 : memref<10240x64xf32, #tpu.memory_space<hbm>>) target(%dma_start3A_121 : memref<128x64xf32, #tpu.memory_space<vmem>>) offsets(%dma_start3A_124 : memref<128xi32, #tpu.memory_space<vmem>>) semaphore(%dma_start3A_129 : memref<!tpu.dma_semaphore, #tpu.memory_space<semaphore_mem>>)
    %dma_start3A_130 = arith.constant 5 : i32
    %dma_start3A_131 = arith.constant 5 : i32
    %dma_start3A_132 = arith.constant 5 : i32
    %dma_start3A_133 = arith.constant 0 : i32
    %dma_start3A_134 = arith.constant 0 : i32
    %dma_start3A_135 = tpu.memref_slice %arg9[%dma_start3A_131, %dma_start3A_133, %dma_start3A_134] : memref<8x128x64xf32, #tpu.memory_space<vmem>> -> memref<1x128x64xf32, #tpu.memory_space<vmem>>
    %dma_start3A_136 = tpu.memref_squeeze %dma_start3A_135 : memref<1x128x64xf32, #tpu.memory_space<vmem>> -> memref<128x64xf32, #tpu.memory_space<vmem>>
    %dma_start3A_137 = arith.constant 0 : i32
    %dma_start3A_138 = tpu.memref_slice %arg7[%dma_start3A_130, %dma_start3A_137] : memref<80x128xi32, #tpu.memory_space<vmem>> -> memref<1x128xi32, #tpu.memory_space<vmem>>
    %dma_start3A_139 = tpu.memref_squeeze %dma_start3A_138 : memref<1x128xi32, #tpu.memory_space<vmem>> -> memref<128xi32, #tpu.memory_space<vmem>>
    %dma_start3A_140 = arith.constant 0 : i32
    %dma_start3A_141 = arith.constant 0 : i32
    %dma_start3A_142 = tpu.memref_slice %arg2[%dma_start3A_140, %dma_start3A_141] : memref<10240x64xf32, #tpu.memory_space<hbm>> -> memref<10240x64xf32, #tpu.memory_space<hbm>>
    %dma_start3A_143 = tpu.memref_slice %arg10[%dma_start3A_132] : memref<8x!tpu.dma_semaphore, #tpu.memory_space<semaphore_mem>> -> memref<1x!tpu.dma_semaphore, #tpu.memory_space<semaphore_mem>>
    %dma_start3A_144 = tpu.memref_squeeze %dma_start3A_143 : memref<1x!tpu.dma_semaphore, #tpu.memory_space<semaphore_mem>> -> memref<!tpu.dma_semaphore, #tpu.memory_space<semaphore_mem>>
    tpu.enqueue_indirect_dma source(%dma_start3A_142 : memref<10240x64xf32, #tpu.memory_space<hbm>>) target(%dma_start3A_136 : memref<128x64xf32, #tpu.memory_space<vmem>>) offsets(%dma_start3A_139 : memref<128xi32, #tpu.memory_space<vmem>>) semaphore(%dma_start3A_144 : memref<!tpu.dma_semaphore, #tpu.memory_space<semaphore_mem>>)
    %dma_start3A_145 = arith.constant 6 : i32
    %dma_start3A_146 = arith.constant 6 : i32
    %dma_start3A_147 = arith.constant 6 : i32
    %dma_start3A_148 = arith.constant 0 : i32
    %dma_start3A_149 = arith.constant 0 : i32
    %dma_start3A_150 = tpu.memref_slice %arg9[%dma_start3A_146, %dma_start3A_148, %dma_start3A_149] : memref<8x128x64xf32, #tpu.memory_space<vmem>> -> memref<1x128x64xf32, #tpu.memory_space<vmem>>
    %dma_start3A_151 = tpu.memref_squeeze %dma_start3A_150 : memref<1x128x64xf32, #tpu.memory_space<vmem>> -> memref<128x64xf32, #tpu.memory_space<vmem>>
    %dma_start3A_152 = arith.constant 0 : i32
    %dma_start3A_153 = tpu.memref_slice %arg7[%dma_start3A_145, %dma_start3A_152] : memref<80x128xi32, #tpu.memory_space<vmem>> -> memref<1x128xi32, #tpu.memory_space<vmem>>
    %dma_start3A_154 = tpu.memref_squeeze %dma_start3A_153 : memref<1x128xi32, #tpu.memory_space<vmem>> -> memref<128xi32, #tpu.memory_space<vmem>>
    %dma_start3A_155 = arith.constant 0 : i32
    %dma_start3A_156 = arith.constant 0 : i32
    %dma_start3A_157 = tpu.memref_slice %arg2[%dma_start3A_155, %dma_start3A_156] : memref<10240x64xf32, #tpu.memory_space<hbm>> -> memref<10240x64xf32, #tpu.memory_space<hbm>>
    %dma_start3A_158 = tpu.memref_slice %arg10[%dma_start3A_147] : memref<8x!tpu.dma_semaphore, #tpu.memory_space<semaphore_mem>> -> memref<1x!tpu.dma_semaphore, #tpu.memory_space<semaphore_mem>>
    %dma_start3A_159 = tpu.memref_squeeze %dma_start3A_158 : memref<1x!tpu.dma_semaphore, #tpu.memory_space<semaphore_mem>> -> memref<!tpu.dma_semaphore, #tpu.memory_space<semaphore_mem>>
    tpu.enqueue_indirect_dma source(%dma_start3A_157 : memref<10240x64xf32, #tpu.memory_space<hbm>>) target(%dma_start3A_151 : memref<128x64xf32, #tpu.memory_space<vmem>>) offsets(%dma_start3A_154 : memref<128xi32, #tpu.memory_space<vmem>>) semaphore(%dma_start3A_159 : memref<!tpu.dma_semaphore, #tpu.memory_space<semaphore_mem>>)
    %dma_start3A_160 = arith.constant 7 : i32
    %dma_start3A_161 = arith.constant 7 : i32
    %dma_start3A_162 = arith.constant 7 : i32
    %dma_start3A_163 = arith.constant 0 : i32
    %dma_start3A_164 = arith.constant 0 : i32
    %dma_start3A_165 = tpu.memref_slice %arg9[%dma_start3A_161, %dma_start3A_163, %dma_start3A_164] : memref<8x128x64xf32, #tpu.memory_space<vmem>> -> memref<1x128x64xf32, #tpu.memory_space<vmem>>
    %dma_start3A_166 = tpu.memref_squeeze %dma_start3A_165 : memref<1x128x64xf32, #tpu.memory_space<vmem>> -> memref<128x64xf32, #tpu.memory_space<vmem>>
    %dma_start3A_167 = arith.constant 0 : i32
    %dma_start3A_168 = tpu.memref_slice %arg7[%dma_start3A_160, %dma_start3A_167] : memref<80x128xi32, #tpu.memory_space<vmem>> -> memref<1x128xi32, #tpu.memory_space<vmem>>
    %dma_start3A_169 = tpu.memref_squeeze %dma_start3A_168 : memref<1x128xi32, #tpu.memory_space<vmem>> -> memref<128xi32, #tpu.memory_space<vmem>>
    %dma_start3A_170 = arith.constant 0 : i32
    %dma_start3A_171 = arith.constant 0 : i32
    %dma_start3A_172 = tpu.memref_slice %arg2[%dma_start3A_170, %dma_start3A_171] : memref<10240x64xf32, #tpu.memory_space<hbm>> -> memref<10240x64xf32, #tpu.memory_space<hbm>>
    %dma_start3A_173 = tpu.memref_slice %arg10[%dma_start3A_162] : memref<8x!tpu.dma_semaphore, #tpu.memory_space<semaphore_mem>> -> memref<1x!tpu.dma_semaphore, #tpu.memory_space<semaphore_mem>>
    %dma_start3A_174 = tpu.memref_squeeze %dma_start3A_173 : memref<1x!tpu.dma_semaphore, #tpu.memory_space<semaphore_mem>> -> memref<!tpu.dma_semaphore, #tpu.memory_space<semaphore_mem>>
    tpu.enqueue_indirect_dma source(%dma_start3A_172 : memref<10240x64xf32, #tpu.memory_space<hbm>>) target(%dma_start3A_166 : memref<128x64xf32, #tpu.memory_space<vmem>>) offsets(%dma_start3A_169 : memref<128xi32, #tpu.memory_space<vmem>>) semaphore(%dma_start3A_174 : memref<!tpu.dma_semaphore, #tpu.memory_space<semaphore_mem>>)
    %scan3A = arith.constant 0 : i32
    %scan3A_175 = arith.constant 80 : i32
    %scan3A_176 = arith.addi %scan3A, %scan3A_175 : i32
    %scan3A_177 = arith.constant 1 : i32
    scf.for %scan3A_196 = %scan3A to %scan3A_176 step %scan3A_177  : i32 {
      %rem3A = arith.constant 8 : i32
      %rem3A_197 = arith.remsi %scan3A_196, %rem3A : i32
      %dma_wait3A_198 = arith.constant 0 : i32
      %dma_wait3A_199 = arith.constant 0 : i32
      %dma_wait3A_200 = tpu.memref_slice %arg9[%rem3A_197, %dma_wait3A_198, %dma_wait3A_199] : memref<8x128x64xf32, #tpu.memory_space<vmem>> -> memref<1x128x64xf32, #tpu.memory_space<vmem>>
      %dma_wait3A_201 = tpu.memref_squeeze %dma_wait3A_200 : memref<1x128x64xf32, #tpu.memory_space<vmem>> -> memref<128x64xf32, #tpu.memory_space<vmem>>
      %dma_wait3A_202 = arith.constant 0 : i32
      %dma_wait3A_203 = arith.constant 0 : i32
      %dma_wait3A_204 = tpu.memref_slice %arg2[%dma_wait3A_202, %dma_wait3A_203] : memref<10240x64xf32, #tpu.memory_space<hbm>> -> memref<128x64xf32, #tpu.memory_space<hbm>>
      %dma_wait3A_205 = tpu.memref_slice %arg10[%rem3A_197] : memref<8x!tpu.dma_semaphore, #tpu.memory_space<semaphore_mem>> -> memref<1x!tpu.dma_semaphore, #tpu.memory_space<semaphore_mem>>
      %dma_wait3A_206 = tpu.memref_squeeze %dma_wait3A_205 : memref<1x!tpu.dma_semaphore, #tpu.memory_space<semaphore_mem>> -> memref<!tpu.dma_semaphore, #tpu.memory_space<semaphore_mem>>
      %dma_wait3A_207 = arith.constant 0 : i32
      %dma_wait3A_208 = arith.constant 0 : i32
      %dma_wait3A_209 = tpu.memref_slice %arg9[%rem3A_197, %dma_wait3A_207, %dma_wait3A_208] : memref<8x128x64xf32, #tpu.memory_space<vmem>> -> memref<1x128x64xf32, #tpu.memory_space<vmem>>
      %dma_wait3A_210 = tpu.memref_squeeze %dma_wait3A_209 : memref<1x128x64xf32, #tpu.memory_space<vmem>> -> memref<128x64xf32, #tpu.memory_space<vmem>>
      %dma_wait3A_211 = arith.constant 0 : i32
      %dma_wait3A_212 = arith.constant 0 : i32
      %dma_wait3A_213 = tpu.memref_slice %arg2[%dma_wait3A_211, %dma_wait3A_212] : memref<10240x64xf32, #tpu.memory_space<hbm>> -> memref<128x64xf32, #tpu.memory_space<hbm>>
      tpu.wait_dma2 semaphore(%dma_wait3A_206 : memref<!tpu.dma_semaphore, #tpu.memory_space<semaphore_mem>>) src(%dma_wait3A_213 : memref<128x64xf32, #tpu.memory_space<hbm>>) dst(%dma_wait3A_210 : memref<128x64xf32, #tpu.memory_space<vmem>>)
      %dma_start3A_214 = arith.constant 0 : i32
      %dma_start3A_215 = arith.constant 0 : i32
      %dma_start3A_216 = tpu.memref_slice %arg9[%rem3A_197, %dma_start3A_214, %dma_start3A_215] : memref<8x128x64xf32, #tpu.memory_space<vmem>> -> memref<1x128x64xf32, #tpu.memory_space<vmem>>
      %dma_start3A_217 = tpu.memref_squeeze %dma_start3A_216 : memref<1x128x64xf32, #tpu.memory_space<vmem>> -> memref<128x64xf32, #tpu.memory_space<vmem>>
      %dma_start3A_218 = arith.constant 0 : i32
      %dma_start3A_219 = tpu.memref_slice %arg8[%scan3A_196, %dma_start3A_218] : memref<80x128xi32, #tpu.memory_space<vmem>> -> memref<1x128xi32, #tpu.memory_space<vmem>>
      %dma_start3A_220 = tpu.memref_squeeze %dma_start3A_219 : memref<1x128xi32, #tpu.memory_space<vmem>> -> memref<128xi32, #tpu.memory_space<vmem>>
      %dma_start3A_221 = arith.constant 0 : i32
      %dma_start3A_222 = arith.constant 0 : i32
      %dma_start3A_223 = tpu.memref_slice %arg12[%dma_start3A_221, %dma_start3A_222] : memref<10240x64xf32, #tpu.memory_space<vmem_shared>> -> memref<10240x64xf32, #tpu.memory_space<vmem_shared>>
      %dma_start3A_224 = tpu.memref_slice %arg11[%rem3A_197] : memref<8x!tpu.dma_semaphore, #tpu.memory_space<semaphore_mem>> -> memref<1x!tpu.dma_semaphore, #tpu.memory_space<semaphore_mem>>
      %dma_start3A_225 = tpu.memref_squeeze %dma_start3A_224 : memref<1x!tpu.dma_semaphore, #tpu.memory_space<semaphore_mem>> -> memref<!tpu.dma_semaphore, #tpu.memory_space<semaphore_mem>>
      tpu.enqueue_indirect_dma source(%dma_start3A_217 : memref<128x64xf32, #tpu.memory_space<vmem>>) target(%dma_start3A_223 : memref<10240x64xf32, #tpu.memory_space<vmem_shared>>) offsets(%dma_start3A_220 : memref<128xi32, #tpu.memory_space<vmem>>) semaphore(%dma_start3A_225 : memref<!tpu.dma_semaphore, #tpu.memory_space<semaphore_mem>>) {add = true}
      %dma_wait3A_226 = arith.constant 0 : i32
      %dma_wait3A_227 = arith.constant 0 : i32
      %dma_wait3A_228 = tpu.memref_slice %arg9[%rem3A_197, %dma_wait3A_226, %dma_wait3A_227] : memref<8x128x64xf32, #tpu.memory_space<vmem>> -> memref<1x128x64xf32, #tpu.memory_space<vmem>>
      %dma_wait3A_229 = tpu.memref_squeeze %dma_wait3A_228 : memref<1x128x64xf32, #tpu.memory_space<vmem>> -> memref<128x64xf32, #tpu.memory_space<vmem>>
      %dma_wait3A_230 = arith.constant 0 : i32
      %dma_wait3A_231 = arith.constant 0 : i32
      %dma_wait3A_232 = tpu.memref_slice %arg2[%dma_wait3A_230, %dma_wait3A_231] : memref<10240x64xf32, #tpu.memory_space<hbm>> -> memref<128x64xf32, #tpu.memory_space<hbm>>
      %dma_wait3A_233 = tpu.memref_slice %arg11[%rem3A_197] : memref<8x!tpu.dma_semaphore, #tpu.memory_space<semaphore_mem>> -> memref<1x!tpu.dma_semaphore, #tpu.memory_space<semaphore_mem>>
      %dma_wait3A_234 = tpu.memref_squeeze %dma_wait3A_233 : memref<1x!tpu.dma_semaphore, #tpu.memory_space<semaphore_mem>> -> memref<!tpu.dma_semaphore, #tpu.memory_space<semaphore_mem>>
      %dma_wait3A_235 = arith.constant 0 : i32
      %dma_wait3A_236 = arith.constant 0 : i32
      %dma_wait3A_237 = tpu.memref_slice %arg9[%rem3A_197, %dma_wait3A_235, %dma_wait3A_236] : memref<8x128x64xf32, #tpu.memory_space<vmem>> -> memref<1x128x64xf32, #tpu.memory_space<vmem>>
      %dma_wait3A_238 = tpu.memref_squeeze %dma_wait3A_237 : memref<1x128x64xf32, #tpu.memory_space<vmem>> -> memref<128x64xf32, #tpu.memory_space<vmem>>
      %dma_wait3A_239 = arith.constant 0 : i32
      %dma_wait3A_240 = arith.constant 0 : i32
      %dma_wait3A_241 = tpu.memref_slice %arg2[%dma_wait3A_239, %dma_wait3A_240] : memref<10240x64xf32, #tpu.memory_space<hbm>> -> memref<128x64xf32, #tpu.memory_space<hbm>>
      tpu.wait_dma2 semaphore(%dma_wait3A_234 : memref<!tpu.dma_semaphore, #tpu.memory_space<semaphore_mem>>) src(%dma_wait3A_241 : memref<128x64xf32, #tpu.memory_space<hbm>>) dst(%dma_wait3A_238 : memref<128x64xf32, #tpu.memory_space<vmem>>)
      %add3A_242 = arith.constant 8 : i32
      %add3A_243 = arith.addi %scan3A_196, %add3A_242 : i32
      %lt3A = arith.constant 80 : i32
      %lt3A_244 = arith.cmpi slt, %add3A_243, %lt3A : i32
      %convert_element_type3A = arith.extui %lt3A_244 : i1 to i32
      %cond3A = arith.constant 0 : i32
      %cond3A_245 = arith.cmpi ne, %convert_element_type3A, %cond3A : i32
      scf.if %cond3A_245 {
        %add3A_246 = arith.constant 8 : i32
        %add3A_247 = arith.addi %scan3A_196, %add3A_246 : i32
        %dma_start3A_248 = arith.constant 0 : i32
        %dma_start3A_249 = arith.constant 0 : i32
        %dma_start3A_250 = tpu.memref_slice %arg9[%rem3A_197, %dma_start3A_248, %dma_start3A_249] : memref<8x128x64xf32, #tpu.memory_space<vmem>> -> memref<1x128x64xf32, #tpu.memory_space<vmem>>
        %dma_start3A_251 = tpu.memref_squeeze %dma_start3A_250 : memref<1x128x64xf32, #tpu.memory_space<vmem>> -> memref<128x64xf32, #tpu.memory_space<vmem>>
        %dma_start3A_252 = arith.constant 0 : i32
        %dma_start3A_253 = tpu.memref_slice %arg7[%add3A_247, %dma_start3A_252] : memref<80x128xi32, #tpu.memory_space<vmem>> -> memref<1x128xi32, #tpu.memory_space<vmem>>
        %dma_start3A_254 = tpu.memref_squeeze %dma_start3A_253 : memref<1x128xi32, #tpu.memory_space<vmem>> -> memref<128xi32, #tpu.memory_space<vmem>>
        %dma_start3A_255 = arith.constant 0 : i32
        %dma_start3A_256 = arith.constant 0 : i32
        %dma_start3A_257 = tpu.memref_slice %arg2[%dma_start3A_255, %dma_start3A_256] : memref<10240x64xf32, #tpu.memory_space<hbm>> -> memref<10240x64xf32, #tpu.memory_space<hbm>>
        %dma_start3A_258 = tpu.memref_slice %arg10[%rem3A_197] : memref<8x!tpu.dma_semaphore, #tpu.memory_space<semaphore_mem>> -> memref<1x!tpu.dma_semaphore, #tpu.memory_space<semaphore_mem>>
        %dma_start3A_259 = tpu.memref_squeeze %dma_start3A_258 : memref<1x!tpu.dma_semaphore, #tpu.memory_space<semaphore_mem>> -> memref<!tpu.dma_semaphore, #tpu.memory_space<semaphore_mem>>
        tpu.enqueue_indirect_dma source(%dma_start3A_257 : memref<10240x64xf32, #tpu.memory_space<hbm>>) target(%dma_start3A_251 : memref<128x64xf32, #tpu.memory_space<vmem>>) offsets(%dma_start3A_254 : memref<128xi32, #tpu.memory_space<vmem>>) semaphore(%dma_start3A_259 : memref<!tpu.dma_semaphore, #tpu.memory_space<semaphore_mem>>)
      } else {
      }
    }
    %scan3A_178 = arith.constant 80 : i32
    %barrier3A_179 = arith.constant 0 : index
    tpu.barrier barrier_id(%barrier3A_179)
    %dma_start3A_180 = arith.constant 0 : i32
    %dma_start3A_181 = tpu.memref_slice %arg10[%dma_start3A_180] : memref<8x!tpu.dma_semaphore, #tpu.memory_space<semaphore_mem>> -> memref<1x!tpu.dma_semaphore, #tpu.memory_space<semaphore_mem>>
    %dma_start3A_182 = tpu.memref_squeeze %dma_start3A_181 : memref<1x!tpu.dma_semaphore, #tpu.memory_space<semaphore_mem>> -> memref<!tpu.dma_semaphore, #tpu.memory_space<semaphore_mem>>
    %dma_start3A_183 = arith.constant 0 : i32
    %dma_start3A_184 = tpu.memref_slice %arg6[%arg0, %mul3A_2, %dma_start3A_183] : memref<2x10240x64xf32, #tpu.memory_space<hbm>> -> memref<1x640x64xf32, #tpu.memory_space<hbm>>
    %dma_start3A_185 = tpu.memref_squeeze %dma_start3A_184 : memref<1x640x64xf32, #tpu.memory_space<hbm>> -> memref<640x64xf32, #tpu.memory_space<hbm>>
    %dma_start3A_186 = arith.constant 0 : i32
    %dma_start3A_187 = tpu.memref_slice %arg12[%mul3A_2, %dma_start3A_186] : memref<10240x64xf32, #tpu.memory_space<vmem_shared>> -> memref<640x64xf32, #tpu.memory_space<vmem_shared>>
    tpu.enqueue_dma source(%dma_start3A_187 : memref<640x64xf32, #tpu.memory_space<vmem_shared>>) target(%dma_start3A_185 : memref<640x64xf32, #tpu.memory_space<hbm>>) target_semaphore(%dma_start3A_182 : memref<!tpu.dma_semaphore, #tpu.memory_space<semaphore_mem>>)
    %dma_wait3A_188 = arith.constant 0 : i32
    %dma_wait3A_189 = tpu.memref_slice %arg10[%dma_wait3A_188] : memref<8x!tpu.dma_semaphore, #tpu.memory_space<semaphore_mem>> -> memref<1x!tpu.dma_semaphore, #tpu.memory_space<semaphore_mem>>
    %dma_wait3A_190 = tpu.memref_squeeze %dma_wait3A_189 : memref<1x!tpu.dma_semaphore, #tpu.memory_space<semaphore_mem>> -> memref<!tpu.dma_semaphore, #tpu.memory_space<semaphore_mem>>
    %dma_wait3A_191 = arith.constant 0 : i32
    %dma_wait3A_192 = tpu.memref_slice %arg6[%arg0, %mul3A_2, %dma_wait3A_191] : memref<2x10240x64xf32, #tpu.memory_space<hbm>> -> memref<1x640x64xf32, #tpu.memory_space<hbm>>
    %dma_wait3A_193 = tpu.memref_squeeze %dma_wait3A_192 : memref<1x640x64xf32, #tpu.memory_space<hbm>> -> memref<640x64xf32, #tpu.memory_space<hbm>>
    %dma_wait3A_194 = arith.constant 0 : i32
    %dma_wait3A_195 = tpu.memref_slice %arg12[%mul3A_2, %dma_wait3A_194] : memref<10240x64xf32, #tpu.memory_space<vmem_shared>> -> memref<640x64xf32, #tpu.memory_space<vmem_shared>>
    tpu.wait_dma2 semaphore(%dma_wait3A_190 : memref<!tpu.dma_semaphore, #tpu.memory_space<semaphore_mem>>) src(%dma_wait3A_195 : memref<640x64xf32, #tpu.memory_space<vmem_shared>>) dst(%dma_wait3A_193 : memref<640x64xf32, #tpu.memory_space<hbm>>)
    return
  }
}

#map = affine_map<(d0, d1) -> (0, 0)>
#map1 = affine_map<(d0, d1) -> (0, 0, 0)>
module attributes {stable_mosaic.version = 14 : i64} {
  func.func @_agg_body(%arg0: i32, %arg1: i32, %arg2: memref<10240x64xf32, #tpu.memory_space<hbm>>, %arg3: memref<32x80x128xi32, #tpu.memory_space<hbm>>, %arg4: memref<32x80x128xi32, #tpu.memory_space<hbm>>, %arg5: memref<640x64xf32, #tpu.memory_space<hbm>>, %arg6: memref<2x10240x64xf32, #tpu.memory_space<hbm>>, %arg7: memref<80x128xi32, #tpu.memory_space<vmem>>, %arg8: memref<80x128xi32, #tpu.memory_space<vmem>>, %arg9: memref<8x128x64xf32, #tpu.memory_space<vmem>>, %arg10: memref<8x!tpu.dma_semaphore, #tpu.memory_space<semaphore_mem>>, %arg11: memref<8x!tpu.dma_semaphore, #tpu.memory_space<semaphore_mem>>, %arg12: memref<10240x64xf32, #tpu.memory_space<vmem_shared>>) attributes {dimension_semantics = [#tpu.dimension_semantics<core_parallel>, #tpu.dimension_semantics<subcore_parallel>], iteration_bounds = array<i64: 2, 16>, scalar_prefetch = 0 : i64, scratch_operands = 6 : i64, tpu.core_type = #tpu.core_type<sc_vector_subcore>, window_params = [{transform_indices = #map}, {transform_indices = #map1}, {transform_indices = #map1}, {transform_indices = #map}, {transform_indices = #map1}]} {
    %mul3A = arith.constant 16 : i32
    %mul3A_0 = arith.muli %arg0, %mul3A : i32
    %add3A = arith.addi %mul3A_0, %arg1 : i32
    %mul3A_1 = arith.constant 640 : i32
    %mul3A_2 = arith.muli %arg1, %mul3A_1 : i32
    %dma_start3A = arith.constant 0 : i32
    %dma_start3A_3 = arith.constant 0 : i32
    %dma_start3A_4 = arith.constant 0 : i32
    %dma_start3A_5 = tpu.memref_slice %arg3[%add3A, %dma_start3A_3, %dma_start3A_4] : memref<32x80x128xi32, #tpu.memory_space<hbm>> -> memref<1x80x128xi32, #tpu.memory_space<hbm>>
    %dma_start3A_6 = tpu.memref_squeeze %dma_start3A_5 : memref<1x80x128xi32, #tpu.memory_space<hbm>> -> memref<80x128xi32, #tpu.memory_space<hbm>>
    %dma_start3A_7 = tpu.memref_slice %arg10[%dma_start3A] : memref<8x!tpu.dma_semaphore, #tpu.memory_space<semaphore_mem>> -> memref<1x!tpu.dma_semaphore, #tpu.memory_space<semaphore_mem>>
    %dma_start3A_8 = tpu.memref_squeeze %dma_start3A_7 : memref<1x!tpu.dma_semaphore, #tpu.memory_space<semaphore_mem>> -> memref<!tpu.dma_semaphore, #tpu.memory_space<semaphore_mem>>
    %dma_start3A_9 = arith.constant 0 : i32
    %dma_start3A_10 = arith.constant 0 : i32
    %dma_start3A_11 = tpu.memref_slice %arg3[%add3A, %dma_start3A_9, %dma_start3A_10] : memref<32x80x128xi32, #tpu.memory_space<hbm>> -> memref<1x80x128xi32, #tpu.memory_space<hbm>>
    %dma_start3A_12 = tpu.memref_squeeze %dma_start3A_11 : memref<1x80x128xi32, #tpu.memory_space<hbm>> -> memref<80x128xi32, #tpu.memory_space<hbm>>
    tpu.enqueue_dma source(%dma_start3A_12 : memref<80x128xi32, #tpu.memory_space<hbm>>) target(%arg7 : memref<80x128xi32, #tpu.memory_space<vmem>>) target_semaphore(%dma_start3A_8 : memref<!tpu.dma_semaphore, #tpu.memory_space<semaphore_mem>>)
    %dma_start3A_13 = arith.constant 1 : i32
    %dma_start3A_14 = arith.constant 0 : i32
    %dma_start3A_15 = arith.constant 0 : i32
    %dma_start3A_16 = tpu.memref_slice %arg4[%add3A, %dma_start3A_14, %dma_start3A_15] : memref<32x80x128xi32, #tpu.memory_space<hbm>> -> memref<1x80x128xi32, #tpu.memory_space<hbm>>
    %dma_start3A_17 = tpu.memref_squeeze %dma_start3A_16 : memref<1x80x128xi32, #tpu.memory_space<hbm>> -> memref<80x128xi32, #tpu.memory_space<hbm>>
    %dma_start3A_18 = tpu.memref_slice %arg10[%dma_start3A_13] : memref<8x!tpu.dma_semaphore, #tpu.memory_space<semaphore_mem>> -> memref<1x!tpu.dma_semaphore, #tpu.memory_space<semaphore_mem>>
    %dma_start3A_19 = tpu.memref_squeeze %dma_start3A_18 : memref<1x!tpu.dma_semaphore, #tpu.memory_space<semaphore_mem>> -> memref<!tpu.dma_semaphore, #tpu.memory_space<semaphore_mem>>
    %dma_start3A_20 = arith.constant 0 : i32
    %dma_start3A_21 = arith.constant 0 : i32
    %dma_start3A_22 = tpu.memref_slice %arg4[%add3A, %dma_start3A_20, %dma_start3A_21] : memref<32x80x128xi32, #tpu.memory_space<hbm>> -> memref<1x80x128xi32, #tpu.memory_space<hbm>>
    %dma_start3A_23 = tpu.memref_squeeze %dma_start3A_22 : memref<1x80x128xi32, #tpu.memory_space<hbm>> -> memref<80x128xi32, #tpu.memory_space<hbm>>
    tpu.enqueue_dma source(%dma_start3A_23 : memref<80x128xi32, #tpu.memory_space<hbm>>) target(%arg8 : memref<80x128xi32, #tpu.memory_space<vmem>>) target_semaphore(%dma_start3A_19 : memref<!tpu.dma_semaphore, #tpu.memory_space<semaphore_mem>>)
    %dma_start3A_24 = arith.constant 0 : i32
    %dma_start3A_25 = tpu.memref_slice %arg11[%dma_start3A_24] : memref<8x!tpu.dma_semaphore, #tpu.memory_space<semaphore_mem>> -> memref<1x!tpu.dma_semaphore, #tpu.memory_space<semaphore_mem>>
    %dma_start3A_26 = tpu.memref_squeeze %dma_start3A_25 : memref<1x!tpu.dma_semaphore, #tpu.memory_space<semaphore_mem>> -> memref<!tpu.dma_semaphore, #tpu.memory_space<semaphore_mem>>
    %dma_start3A_27 = arith.constant 0 : i32
    %dma_start3A_28 = tpu.memref_slice %arg12[%mul3A_2, %dma_start3A_27] : memref<10240x64xf32, #tpu.memory_space<vmem_shared>> -> memref<640x64xf32, #tpu.memory_space<vmem_shared>>
    tpu.enqueue_dma source(%arg5 : memref<640x64xf32, #tpu.memory_space<hbm>>) target(%dma_start3A_28 : memref<640x64xf32, #tpu.memory_space<vmem_shared>>) target_semaphore(%dma_start3A_26 : memref<!tpu.dma_semaphore, #tpu.memory_space<semaphore_mem>>)
    %dma_wait3A = arith.constant 0 : i32
    %dma_wait3A_29 = tpu.memref_slice %arg11[%dma_wait3A] : memref<8x!tpu.dma_semaphore, #tpu.memory_space<semaphore_mem>> -> memref<1x!tpu.dma_semaphore, #tpu.memory_space<semaphore_mem>>
    %dma_wait3A_30 = tpu.memref_squeeze %dma_wait3A_29 : memref<1x!tpu.dma_semaphore, #tpu.memory_space<semaphore_mem>> -> memref<!tpu.dma_semaphore, #tpu.memory_space<semaphore_mem>>
    %dma_wait3A_31 = arith.constant 0 : i32
    %dma_wait3A_32 = tpu.memref_slice %arg12[%mul3A_2, %dma_wait3A_31] : memref<10240x64xf32, #tpu.memory_space<vmem_shared>> -> memref<640x64xf32, #tpu.memory_space<vmem_shared>>
    tpu.wait_dma2 semaphore(%dma_wait3A_30 : memref<!tpu.dma_semaphore, #tpu.memory_space<semaphore_mem>>) src(%arg5 : memref<640x64xf32, #tpu.memory_space<hbm>>) dst(%dma_wait3A_32 : memref<640x64xf32, #tpu.memory_space<vmem_shared>>)
    %dma_wait3A_33 = arith.constant 0 : i32
    %dma_wait3A_34 = arith.constant 0 : i32
    %dma_wait3A_35 = arith.constant 0 : i32
    %dma_wait3A_36 = tpu.memref_slice %arg3[%add3A, %dma_wait3A_34, %dma_wait3A_35] : memref<32x80x128xi32, #tpu.memory_space<hbm>> -> memref<1x80x128xi32, #tpu.memory_space<hbm>>
    %dma_wait3A_37 = tpu.memref_squeeze %dma_wait3A_36 : memref<1x80x128xi32, #tpu.memory_space<hbm>> -> memref<80x128xi32, #tpu.memory_space<hbm>>
    %dma_wait3A_38 = tpu.memref_slice %arg10[%dma_wait3A_33] : memref<8x!tpu.dma_semaphore, #tpu.memory_space<semaphore_mem>> -> memref<1x!tpu.dma_semaphore, #tpu.memory_space<semaphore_mem>>
    %dma_wait3A_39 = tpu.memref_squeeze %dma_wait3A_38 : memref<1x!tpu.dma_semaphore, #tpu.memory_space<semaphore_mem>> -> memref<!tpu.dma_semaphore, #tpu.memory_space<semaphore_mem>>
    %dma_wait3A_40 = arith.constant 0 : i32
    %dma_wait3A_41 = arith.constant 0 : i32
    %dma_wait3A_42 = tpu.memref_slice %arg3[%add3A, %dma_wait3A_40, %dma_wait3A_41] : memref<32x80x128xi32, #tpu.memory_space<hbm>> -> memref<1x80x128xi32, #tpu.memory_space<hbm>>
    %dma_wait3A_43 = tpu.memref_squeeze %dma_wait3A_42 : memref<1x80x128xi32, #tpu.memory_space<hbm>> -> memref<80x128xi32, #tpu.memory_space<hbm>>
    tpu.wait_dma2 semaphore(%dma_wait3A_39 : memref<!tpu.dma_semaphore, #tpu.memory_space<semaphore_mem>>) src(%dma_wait3A_43 : memref<80x128xi32, #tpu.memory_space<hbm>>) dst(%arg7 : memref<80x128xi32, #tpu.memory_space<vmem>>)
    %dma_wait3A_44 = arith.constant 1 : i32
    %dma_wait3A_45 = arith.constant 0 : i32
    %dma_wait3A_46 = arith.constant 0 : i32
    %dma_wait3A_47 = tpu.memref_slice %arg4[%add3A, %dma_wait3A_45, %dma_wait3A_46] : memref<32x80x128xi32, #tpu.memory_space<hbm>> -> memref<1x80x128xi32, #tpu.memory_space<hbm>>
    %dma_wait3A_48 = tpu.memref_squeeze %dma_wait3A_47 : memref<1x80x128xi32, #tpu.memory_space<hbm>> -> memref<80x128xi32, #tpu.memory_space<hbm>>
    %dma_wait3A_49 = tpu.memref_slice %arg10[%dma_wait3A_44] : memref<8x!tpu.dma_semaphore, #tpu.memory_space<semaphore_mem>> -> memref<1x!tpu.dma_semaphore, #tpu.memory_space<semaphore_mem>>
    %dma_wait3A_50 = tpu.memref_squeeze %dma_wait3A_49 : memref<1x!tpu.dma_semaphore, #tpu.memory_space<semaphore_mem>> -> memref<!tpu.dma_semaphore, #tpu.memory_space<semaphore_mem>>
    %dma_wait3A_51 = arith.constant 0 : i32
    %dma_wait3A_52 = arith.constant 0 : i32
    %dma_wait3A_53 = tpu.memref_slice %arg4[%add3A, %dma_wait3A_51, %dma_wait3A_52] : memref<32x80x128xi32, #tpu.memory_space<hbm>> -> memref<1x80x128xi32, #tpu.memory_space<hbm>>
    %dma_wait3A_54 = tpu.memref_squeeze %dma_wait3A_53 : memref<1x80x128xi32, #tpu.memory_space<hbm>> -> memref<80x128xi32, #tpu.memory_space<hbm>>
    tpu.wait_dma2 semaphore(%dma_wait3A_50 : memref<!tpu.dma_semaphore, #tpu.memory_space<semaphore_mem>>) src(%dma_wait3A_54 : memref<80x128xi32, #tpu.memory_space<hbm>>) dst(%arg8 : memref<80x128xi32, #tpu.memory_space<vmem>>)
    %barrier3A = arith.constant 0 : index
    tpu.barrier barrier_id(%barrier3A)
    %dma_start3A_55 = arith.constant 0 : i32
    %dma_start3A_56 = arith.constant 0 : i32
    %dma_start3A_57 = arith.constant 0 : i32
    %dma_start3A_58 = arith.constant 0 : i32
    %dma_start3A_59 = arith.constant 0 : i32
    %dma_start3A_60 = tpu.memref_slice %arg9[%dma_start3A_56, %dma_start3A_58, %dma_start3A_59] : memref<8x128x64xf32, #tpu.memory_space<vmem>> -> memref<1x128x64xf32, #tpu.memory_space<vmem>>
    %dma_start3A_61 = tpu.memref_squeeze %dma_start3A_60 : memref<1x128x64xf32, #tpu.memory_space<vmem>> -> memref<128x64xf32, #tpu.memory_space<vmem>>
    %dma_start3A_62 = arith.constant 0 : i32
    %dma_start3A_63 = tpu.memref_slice %arg7[%dma_start3A_55, %dma_start3A_62] : memref<80x128xi32, #tpu.memory_space<vmem>> -> memref<1x128xi32, #tpu.memory_space<vmem>>
    %dma_start3A_64 = tpu.memref_squeeze %dma_start3A_63 : memref<1x128xi32, #tpu.memory_space<vmem>> -> memref<128xi32, #tpu.memory_space<vmem>>
    %dma_start3A_65 = arith.constant 0 : i32
    %dma_start3A_66 = arith.constant 0 : i32
    %dma_start3A_67 = tpu.memref_slice %arg2[%dma_start3A_65, %dma_start3A_66] : memref<10240x64xf32, #tpu.memory_space<hbm>> -> memref<10240x64xf32, #tpu.memory_space<hbm>>
    %dma_start3A_68 = tpu.memref_slice %arg10[%dma_start3A_57] : memref<8x!tpu.dma_semaphore, #tpu.memory_space<semaphore_mem>> -> memref<1x!tpu.dma_semaphore, #tpu.memory_space<semaphore_mem>>
    %dma_start3A_69 = tpu.memref_squeeze %dma_start3A_68 : memref<1x!tpu.dma_semaphore, #tpu.memory_space<semaphore_mem>> -> memref<!tpu.dma_semaphore, #tpu.memory_space<semaphore_mem>>
    tpu.enqueue_indirect_dma source(%dma_start3A_67 : memref<10240x64xf32, #tpu.memory_space<hbm>>) target(%dma_start3A_61 : memref<128x64xf32, #tpu.memory_space<vmem>>) offsets(%dma_start3A_64 : memref<128xi32, #tpu.memory_space<vmem>>) semaphore(%dma_start3A_69 : memref<!tpu.dma_semaphore, #tpu.memory_space<semaphore_mem>>)
    %dma_start3A_70 = arith.constant 1 : i32
    %dma_start3A_71 = arith.constant 1 : i32
    %dma_start3A_72 = arith.constant 1 : i32
    %dma_start3A_73 = arith.constant 0 : i32
    %dma_start3A_74 = arith.constant 0 : i32
    %dma_start3A_75 = tpu.memref_slice %arg9[%dma_start3A_71, %dma_start3A_73, %dma_start3A_74] : memref<8x128x64xf32, #tpu.memory_space<vmem>> -> memref<1x128x64xf32, #tpu.memory_space<vmem>>
    %dma_start3A_76 = tpu.memref_squeeze %dma_start3A_75 : memref<1x128x64xf32, #tpu.memory_space<vmem>> -> memref<128x64xf32, #tpu.memory_space<vmem>>
    %dma_start3A_77 = arith.constant 0 : i32
    %dma_start3A_78 = tpu.memref_slice %arg7[%dma_start3A_70, %dma_start3A_77] : memref<80x128xi32, #tpu.memory_space<vmem>> -> memref<1x128xi32, #tpu.memory_space<vmem>>
    %dma_start3A_79 = tpu.memref_squeeze %dma_start3A_78 : memref<1x128xi32, #tpu.memory_space<vmem>> -> memref<128xi32, #tpu.memory_space<vmem>>
    %dma_start3A_80 = arith.constant 0 : i32
    %dma_start3A_81 = arith.constant 0 : i32
    %dma_start3A_82 = tpu.memref_slice %arg2[%dma_start3A_80, %dma_start3A_81] : memref<10240x64xf32, #tpu.memory_space<hbm>> -> memref<10240x64xf32, #tpu.memory_space<hbm>>
    %dma_start3A_83 = tpu.memref_slice %arg10[%dma_start3A_72] : memref<8x!tpu.dma_semaphore, #tpu.memory_space<semaphore_mem>> -> memref<1x!tpu.dma_semaphore, #tpu.memory_space<semaphore_mem>>
    %dma_start3A_84 = tpu.memref_squeeze %dma_start3A_83 : memref<1x!tpu.dma_semaphore, #tpu.memory_space<semaphore_mem>> -> memref<!tpu.dma_semaphore, #tpu.memory_space<semaphore_mem>>
    tpu.enqueue_indirect_dma source(%dma_start3A_82 : memref<10240x64xf32, #tpu.memory_space<hbm>>) target(%dma_start3A_76 : memref<128x64xf32, #tpu.memory_space<vmem>>) offsets(%dma_start3A_79 : memref<128xi32, #tpu.memory_space<vmem>>) semaphore(%dma_start3A_84 : memref<!tpu.dma_semaphore, #tpu.memory_space<semaphore_mem>>)
    %dma_start3A_85 = arith.constant 2 : i32
    %dma_start3A_86 = arith.constant 2 : i32
    %dma_start3A_87 = arith.constant 2 : i32
    %dma_start3A_88 = arith.constant 0 : i32
    %dma_start3A_89 = arith.constant 0 : i32
    %dma_start3A_90 = tpu.memref_slice %arg9[%dma_start3A_86, %dma_start3A_88, %dma_start3A_89] : memref<8x128x64xf32, #tpu.memory_space<vmem>> -> memref<1x128x64xf32, #tpu.memory_space<vmem>>
    %dma_start3A_91 = tpu.memref_squeeze %dma_start3A_90 : memref<1x128x64xf32, #tpu.memory_space<vmem>> -> memref<128x64xf32, #tpu.memory_space<vmem>>
    %dma_start3A_92 = arith.constant 0 : i32
    %dma_start3A_93 = tpu.memref_slice %arg7[%dma_start3A_85, %dma_start3A_92] : memref<80x128xi32, #tpu.memory_space<vmem>> -> memref<1x128xi32, #tpu.memory_space<vmem>>
    %dma_start3A_94 = tpu.memref_squeeze %dma_start3A_93 : memref<1x128xi32, #tpu.memory_space<vmem>> -> memref<128xi32, #tpu.memory_space<vmem>>
    %dma_start3A_95 = arith.constant 0 : i32
    %dma_start3A_96 = arith.constant 0 : i32
    %dma_start3A_97 = tpu.memref_slice %arg2[%dma_start3A_95, %dma_start3A_96] : memref<10240x64xf32, #tpu.memory_space<hbm>> -> memref<10240x64xf32, #tpu.memory_space<hbm>>
    %dma_start3A_98 = tpu.memref_slice %arg10[%dma_start3A_87] : memref<8x!tpu.dma_semaphore, #tpu.memory_space<semaphore_mem>> -> memref<1x!tpu.dma_semaphore, #tpu.memory_space<semaphore_mem>>
    %dma_start3A_99 = tpu.memref_squeeze %dma_start3A_98 : memref<1x!tpu.dma_semaphore, #tpu.memory_space<semaphore_mem>> -> memref<!tpu.dma_semaphore, #tpu.memory_space<semaphore_mem>>
    tpu.enqueue_indirect_dma source(%dma_start3A_97 : memref<10240x64xf32, #tpu.memory_space<hbm>>) target(%dma_start3A_91 : memref<128x64xf32, #tpu.memory_space<vmem>>) offsets(%dma_start3A_94 : memref<128xi32, #tpu.memory_space<vmem>>) semaphore(%dma_start3A_99 : memref<!tpu.dma_semaphore, #tpu.memory_space<semaphore_mem>>)
    %dma_start3A_100 = arith.constant 3 : i32
    %dma_start3A_101 = arith.constant 3 : i32
    %dma_start3A_102 = arith.constant 3 : i32
    %dma_start3A_103 = arith.constant 0 : i32
    %dma_start3A_104 = arith.constant 0 : i32
    %dma_start3A_105 = tpu.memref_slice %arg9[%dma_start3A_101, %dma_start3A_103, %dma_start3A_104] : memref<8x128x64xf32, #tpu.memory_space<vmem>> -> memref<1x128x64xf32, #tpu.memory_space<vmem>>
    %dma_start3A_106 = tpu.memref_squeeze %dma_start3A_105 : memref<1x128x64xf32, #tpu.memory_space<vmem>> -> memref<128x64xf32, #tpu.memory_space<vmem>>
    %dma_start3A_107 = arith.constant 0 : i32
    %dma_start3A_108 = tpu.memref_slice %arg7[%dma_start3A_100, %dma_start3A_107] : memref<80x128xi32, #tpu.memory_space<vmem>> -> memref<1x128xi32, #tpu.memory_space<vmem>>
    %dma_start3A_109 = tpu.memref_squeeze %dma_start3A_108 : memref<1x128xi32, #tpu.memory_space<vmem>> -> memref<128xi32, #tpu.memory_space<vmem>>
    %dma_start3A_110 = arith.constant 0 : i32
    %dma_start3A_111 = arith.constant 0 : i32
    %dma_start3A_112 = tpu.memref_slice %arg2[%dma_start3A_110, %dma_start3A_111] : memref<10240x64xf32, #tpu.memory_space<hbm>> -> memref<10240x64xf32, #tpu.memory_space<hbm>>
    %dma_start3A_113 = tpu.memref_slice %arg10[%dma_start3A_102] : memref<8x!tpu.dma_semaphore, #tpu.memory_space<semaphore_mem>> -> memref<1x!tpu.dma_semaphore, #tpu.memory_space<semaphore_mem>>
    %dma_start3A_114 = tpu.memref_squeeze %dma_start3A_113 : memref<1x!tpu.dma_semaphore, #tpu.memory_space<semaphore_mem>> -> memref<!tpu.dma_semaphore, #tpu.memory_space<semaphore_mem>>
    tpu.enqueue_indirect_dma source(%dma_start3A_112 : memref<10240x64xf32, #tpu.memory_space<hbm>>) target(%dma_start3A_106 : memref<128x64xf32, #tpu.memory_space<vmem>>) offsets(%dma_start3A_109 : memref<128xi32, #tpu.memory_space<vmem>>) semaphore(%dma_start3A_114 : memref<!tpu.dma_semaphore, #tpu.memory_space<semaphore_mem>>)
    %dma_start3A_115 = arith.constant 4 : i32
    %dma_start3A_116 = arith.constant 4 : i32
    %dma_start3A_117 = arith.constant 4 : i32
    %dma_start3A_118 = arith.constant 0 : i32
    %dma_start3A_119 = arith.constant 0 : i32
    %dma_start3A_120 = tpu.memref_slice %arg9[%dma_start3A_116, %dma_start3A_118, %dma_start3A_119] : memref<8x128x64xf32, #tpu.memory_space<vmem>> -> memref<1x128x64xf32, #tpu.memory_space<vmem>>
    %dma_start3A_121 = tpu.memref_squeeze %dma_start3A_120 : memref<1x128x64xf32, #tpu.memory_space<vmem>> -> memref<128x64xf32, #tpu.memory_space<vmem>>
    %dma_start3A_122 = arith.constant 0 : i32
    %dma_start3A_123 = tpu.memref_slice %arg7[%dma_start3A_115, %dma_start3A_122] : memref<80x128xi32, #tpu.memory_space<vmem>> -> memref<1x128xi32, #tpu.memory_space<vmem>>
    %dma_start3A_124 = tpu.memref_squeeze %dma_start3A_123 : memref<1x128xi32, #tpu.memory_space<vmem>> -> memref<128xi32, #tpu.memory_space<vmem>>
    %dma_start3A_125 = arith.constant 0 : i32
    %dma_start3A_126 = arith.constant 0 : i32
    %dma_start3A_127 = tpu.memref_slice %arg2[%dma_start3A_125, %dma_start3A_126] : memref<10240x64xf32, #tpu.memory_space<hbm>> -> memref<10240x64xf32, #tpu.memory_space<hbm>>
    %dma_start3A_128 = tpu.memref_slice %arg10[%dma_start3A_117] : memref<8x!tpu.dma_semaphore, #tpu.memory_space<semaphore_mem>> -> memref<1x!tpu.dma_semaphore, #tpu.memory_space<semaphore_mem>>
    %dma_start3A_129 = tpu.memref_squeeze %dma_start3A_128 : memref<1x!tpu.dma_semaphore, #tpu.memory_space<semaphore_mem>> -> memref<!tpu.dma_semaphore, #tpu.memory_space<semaphore_mem>>
    tpu.enqueue_indirect_dma source(%dma_start3A_127 : memref<10240x64xf32, #tpu.memory_space<hbm>>) target(%dma_start3A_121 : memref<128x64xf32, #tpu.memory_space<vmem>>) offsets(%dma_start3A_124 : memref<128xi32, #tpu.memory_space<vmem>>) semaphore(%dma_start3A_129 : memref<!tpu.dma_semaphore, #tpu.memory_space<semaphore_mem>>)
    %dma_start3A_130 = arith.constant 5 : i32
    %dma_start3A_131 = arith.constant 5 : i32
    %dma_start3A_132 = arith.constant 5 : i32
    %dma_start3A_133 = arith.constant 0 : i32
    %dma_start3A_134 = arith.constant 0 : i32
    %dma_start3A_135 = tpu.memref_slice %arg9[%dma_start3A_131, %dma_start3A_133, %dma_start3A_134] : memref<8x128x64xf32, #tpu.memory_space<vmem>> -> memref<1x128x64xf32, #tpu.memory_space<vmem>>
    %dma_start3A_136 = tpu.memref_squeeze %dma_start3A_135 : memref<1x128x64xf32, #tpu.memory_space<vmem>> -> memref<128x64xf32, #tpu.memory_space<vmem>>
    %dma_start3A_137 = arith.constant 0 : i32
    %dma_start3A_138 = tpu.memref_slice %arg7[%dma_start3A_130, %dma_start3A_137] : memref<80x128xi32, #tpu.memory_space<vmem>> -> memref<1x128xi32, #tpu.memory_space<vmem>>
    %dma_start3A_139 = tpu.memref_squeeze %dma_start3A_138 : memref<1x128xi32, #tpu.memory_space<vmem>> -> memref<128xi32, #tpu.memory_space<vmem>>
    %dma_start3A_140 = arith.constant 0 : i32
    %dma_start3A_141 = arith.constant 0 : i32
    %dma_start3A_142 = tpu.memref_slice %arg2[%dma_start3A_140, %dma_start3A_141] : memref<10240x64xf32, #tpu.memory_space<hbm>> -> memref<10240x64xf32, #tpu.memory_space<hbm>>
    %dma_start3A_143 = tpu.memref_slice %arg10[%dma_start3A_132] : memref<8x!tpu.dma_semaphore, #tpu.memory_space<semaphore_mem>> -> memref<1x!tpu.dma_semaphore, #tpu.memory_space<semaphore_mem>>
    %dma_start3A_144 = tpu.memref_squeeze %dma_start3A_143 : memref<1x!tpu.dma_semaphore, #tpu.memory_space<semaphore_mem>> -> memref<!tpu.dma_semaphore, #tpu.memory_space<semaphore_mem>>
    tpu.enqueue_indirect_dma source(%dma_start3A_142 : memref<10240x64xf32, #tpu.memory_space<hbm>>) target(%dma_start3A_136 : memref<128x64xf32, #tpu.memory_space<vmem>>) offsets(%dma_start3A_139 : memref<128xi32, #tpu.memory_space<vmem>>) semaphore(%dma_start3A_144 : memref<!tpu.dma_semaphore, #tpu.memory_space<semaphore_mem>>)
    %dma_start3A_145 = arith.constant 6 : i32
    %dma_start3A_146 = arith.constant 6 : i32
    %dma_start3A_147 = arith.constant 6 : i32
    %dma_start3A_148 = arith.constant 0 : i32
    %dma_start3A_149 = arith.constant 0 : i32
    %dma_start3A_150 = tpu.memref_slice %arg9[%dma_start3A_146, %dma_start3A_148, %dma_start3A_149] : memref<8x128x64xf32, #tpu.memory_space<vmem>> -> memref<1x128x64xf32, #tpu.memory_space<vmem>>
    %dma_start3A_151 = tpu.memref_squeeze %dma_start3A_150 : memref<1x128x64xf32, #tpu.memory_space<vmem>> -> memref<128x64xf32, #tpu.memory_space<vmem>>
    %dma_start3A_152 = arith.constant 0 : i32
    %dma_start3A_153 = tpu.memref_slice %arg7[%dma_start3A_145, %dma_start3A_152] : memref<80x128xi32, #tpu.memory_space<vmem>> -> memref<1x128xi32, #tpu.memory_space<vmem>>
    %dma_start3A_154 = tpu.memref_squeeze %dma_start3A_153 : memref<1x128xi32, #tpu.memory_space<vmem>> -> memref<128xi32, #tpu.memory_space<vmem>>
    %dma_start3A_155 = arith.constant 0 : i32
    %dma_start3A_156 = arith.constant 0 : i32
    %dma_start3A_157 = tpu.memref_slice %arg2[%dma_start3A_155, %dma_start3A_156] : memref<10240x64xf32, #tpu.memory_space<hbm>> -> memref<10240x64xf32, #tpu.memory_space<hbm>>
    %dma_start3A_158 = tpu.memref_slice %arg10[%dma_start3A_147] : memref<8x!tpu.dma_semaphore, #tpu.memory_space<semaphore_mem>> -> memref<1x!tpu.dma_semaphore, #tpu.memory_space<semaphore_mem>>
    %dma_start3A_159 = tpu.memref_squeeze %dma_start3A_158 : memref<1x!tpu.dma_semaphore, #tpu.memory_space<semaphore_mem>> -> memref<!tpu.dma_semaphore, #tpu.memory_space<semaphore_mem>>
    tpu.enqueue_indirect_dma source(%dma_start3A_157 : memref<10240x64xf32, #tpu.memory_space<hbm>>) target(%dma_start3A_151 : memref<128x64xf32, #tpu.memory_space<vmem>>) offsets(%dma_start3A_154 : memref<128xi32, #tpu.memory_space<vmem>>) semaphore(%dma_start3A_159 : memref<!tpu.dma_semaphore, #tpu.memory_space<semaphore_mem>>)
    %dma_start3A_160 = arith.constant 7 : i32
    %dma_start3A_161 = arith.constant 7 : i32
    %dma_start3A_162 = arith.constant 7 : i32
    %dma_start3A_163 = arith.constant 0 : i32
    %dma_start3A_164 = arith.constant 0 : i32
    %dma_start3A_165 = tpu.memref_slice %arg9[%dma_start3A_161, %dma_start3A_163, %dma_start3A_164] : memref<8x128x64xf32, #tpu.memory_space<vmem>> -> memref<1x128x64xf32, #tpu.memory_space<vmem>>
    %dma_start3A_166 = tpu.memref_squeeze %dma_start3A_165 : memref<1x128x64xf32, #tpu.memory_space<vmem>> -> memref<128x64xf32, #tpu.memory_space<vmem>>
    %dma_start3A_167 = arith.constant 0 : i32
    %dma_start3A_168 = tpu.memref_slice %arg7[%dma_start3A_160, %dma_start3A_167] : memref<80x128xi32, #tpu.memory_space<vmem>> -> memref<1x128xi32, #tpu.memory_space<vmem>>
    %dma_start3A_169 = tpu.memref_squeeze %dma_start3A_168 : memref<1x128xi32, #tpu.memory_space<vmem>> -> memref<128xi32, #tpu.memory_space<vmem>>
    %dma_start3A_170 = arith.constant 0 : i32
    %dma_start3A_171 = arith.constant 0 : i32
    %dma_start3A_172 = tpu.memref_slice %arg2[%dma_start3A_170, %dma_start3A_171] : memref<10240x64xf32, #tpu.memory_space<hbm>> -> memref<10240x64xf32, #tpu.memory_space<hbm>>
    %dma_start3A_173 = tpu.memref_slice %arg10[%dma_start3A_162] : memref<8x!tpu.dma_semaphore, #tpu.memory_space<semaphore_mem>> -> memref<1x!tpu.dma_semaphore, #tpu.memory_space<semaphore_mem>>
    %dma_start3A_174 = tpu.memref_squeeze %dma_start3A_173 : memref<1x!tpu.dma_semaphore, #tpu.memory_space<semaphore_mem>> -> memref<!tpu.dma_semaphore, #tpu.memory_space<semaphore_mem>>
    tpu.enqueue_indirect_dma source(%dma_start3A_172 : memref<10240x64xf32, #tpu.memory_space<hbm>>) target(%dma_start3A_166 : memref<128x64xf32, #tpu.memory_space<vmem>>) offsets(%dma_start3A_169 : memref<128xi32, #tpu.memory_space<vmem>>) semaphore(%dma_start3A_174 : memref<!tpu.dma_semaphore, #tpu.memory_space<semaphore_mem>>)
    %scan3A = arith.constant 0 : i32
    %scan3A_175 = arith.constant 80 : i32
    %scan3A_176 = arith.addi %scan3A, %scan3A_175 : i32
    %scan3A_177 = arith.constant 1 : i32
    scf.for %scan3A_196 = %scan3A to %scan3A_176 step %scan3A_177  : i32 {
      %rem3A = arith.constant 8 : i32
      %rem3A_197 = arith.remsi %scan3A_196, %rem3A : i32
      %dma_wait3A_198 = arith.constant 0 : i32
      %dma_wait3A_199 = arith.constant 0 : i32
      %dma_wait3A_200 = tpu.memref_slice %arg9[%rem3A_197, %dma_wait3A_198, %dma_wait3A_199] : memref<8x128x64xf32, #tpu.memory_space<vmem>> -> memref<1x128x64xf32, #tpu.memory_space<vmem>>
      %dma_wait3A_201 = tpu.memref_squeeze %dma_wait3A_200 : memref<1x128x64xf32, #tpu.memory_space<vmem>> -> memref<128x64xf32, #tpu.memory_space<vmem>>
      %dma_wait3A_202 = arith.constant 0 : i32
      %dma_wait3A_203 = arith.constant 0 : i32
      %dma_wait3A_204 = tpu.memref_slice %arg2[%dma_wait3A_202, %dma_wait3A_203] : memref<10240x64xf32, #tpu.memory_space<hbm>> -> memref<128x64xf32, #tpu.memory_space<hbm>>
      %dma_wait3A_205 = tpu.memref_slice %arg10[%rem3A_197] : memref<8x!tpu.dma_semaphore, #tpu.memory_space<semaphore_mem>> -> memref<1x!tpu.dma_semaphore, #tpu.memory_space<semaphore_mem>>
      %dma_wait3A_206 = tpu.memref_squeeze %dma_wait3A_205 : memref<1x!tpu.dma_semaphore, #tpu.memory_space<semaphore_mem>> -> memref<!tpu.dma_semaphore, #tpu.memory_space<semaphore_mem>>
      %dma_wait3A_207 = arith.constant 0 : i32
      %dma_wait3A_208 = arith.constant 0 : i32
      %dma_wait3A_209 = tpu.memref_slice %arg9[%rem3A_197, %dma_wait3A_207, %dma_wait3A_208] : memref<8x128x64xf32, #tpu.memory_space<vmem>> -> memref<1x128x64xf32, #tpu.memory_space<vmem>>
      %dma_wait3A_210 = tpu.memref_squeeze %dma_wait3A_209 : memref<1x128x64xf32, #tpu.memory_space<vmem>> -> memref<128x64xf32, #tpu.memory_space<vmem>>
      %dma_wait3A_211 = arith.constant 0 : i32
      %dma_wait3A_212 = arith.constant 0 : i32
      %dma_wait3A_213 = tpu.memref_slice %arg2[%dma_wait3A_211, %dma_wait3A_212] : memref<10240x64xf32, #tpu.memory_space<hbm>> -> memref<128x64xf32, #tpu.memory_space<hbm>>
      tpu.wait_dma2 semaphore(%dma_wait3A_206 : memref<!tpu.dma_semaphore, #tpu.memory_space<semaphore_mem>>) src(%dma_wait3A_213 : memref<128x64xf32, #tpu.memory_space<hbm>>) dst(%dma_wait3A_210 : memref<128x64xf32, #tpu.memory_space<vmem>>)
      %dma_start3A_214 = arith.constant 0 : i32
      %dma_start3A_215 = arith.constant 0 : i32
      %dma_start3A_216 = tpu.memref_slice %arg9[%rem3A_197, %dma_start3A_214, %dma_start3A_215] : memref<8x128x64xf32, #tpu.memory_space<vmem>> -> memref<1x128x64xf32, #tpu.memory_space<vmem>>
      %dma_start3A_217 = tpu.memref_squeeze %dma_start3A_216 : memref<1x128x64xf32, #tpu.memory_space<vmem>> -> memref<128x64xf32, #tpu.memory_space<vmem>>
      %dma_start3A_218 = arith.constant 0 : i32
      %dma_start3A_219 = tpu.memref_slice %arg8[%scan3A_196, %dma_start3A_218] : memref<80x128xi32, #tpu.memory_space<vmem>> -> memref<1x128xi32, #tpu.memory_space<vmem>>
      %dma_start3A_220 = tpu.memref_squeeze %dma_start3A_219 : memref<1x128xi32, #tpu.memory_space<vmem>> -> memref<128xi32, #tpu.memory_space<vmem>>
      %dma_start3A_221 = arith.constant 0 : i32
      %dma_start3A_222 = arith.constant 0 : i32
      %dma_start3A_223 = tpu.memref_slice %arg12[%dma_start3A_221, %dma_start3A_222] : memref<10240x64xf32, #tpu.memory_space<vmem_shared>> -> memref<10240x64xf32, #tpu.memory_space<vmem_shared>>
      %dma_start3A_224 = tpu.memref_slice %arg11[%rem3A_197] : memref<8x!tpu.dma_semaphore, #tpu.memory_space<semaphore_mem>> -> memref<1x!tpu.dma_semaphore, #tpu.memory_space<semaphore_mem>>
      %dma_start3A_225 = tpu.memref_squeeze %dma_start3A_224 : memref<1x!tpu.dma_semaphore, #tpu.memory_space<semaphore_mem>> -> memref<!tpu.dma_semaphore, #tpu.memory_space<semaphore_mem>>
      tpu.enqueue_indirect_dma source(%dma_start3A_217 : memref<128x64xf32, #tpu.memory_space<vmem>>) target(%dma_start3A_223 : memref<10240x64xf32, #tpu.memory_space<vmem_shared>>) offsets(%dma_start3A_220 : memref<128xi32, #tpu.memory_space<vmem>>) semaphore(%dma_start3A_225 : memref<!tpu.dma_semaphore, #tpu.memory_space<semaphore_mem>>) {add = true}
      %dma_wait3A_226 = arith.constant 0 : i32
      %dma_wait3A_227 = arith.constant 0 : i32
      %dma_wait3A_228 = tpu.memref_slice %arg9[%rem3A_197, %dma_wait3A_226, %dma_wait3A_227] : memref<8x128x64xf32, #tpu.memory_space<vmem>> -> memref<1x128x64xf32, #tpu.memory_space<vmem>>
      %dma_wait3A_229 = tpu.memref_squeeze %dma_wait3A_228 : memref<1x128x64xf32, #tpu.memory_space<vmem>> -> memref<128x64xf32, #tpu.memory_space<vmem>>
      %dma_wait3A_230 = arith.constant 0 : i32
      %dma_wait3A_231 = arith.constant 0 : i32
      %dma_wait3A_232 = tpu.memref_slice %arg2[%dma_wait3A_230, %dma_wait3A_231] : memref<10240x64xf32, #tpu.memory_space<hbm>> -> memref<128x64xf32, #tpu.memory_space<hbm>>
      %dma_wait3A_233 = tpu.memref_slice %arg11[%rem3A_197] : memref<8x!tpu.dma_semaphore, #tpu.memory_space<semaphore_mem>> -> memref<1x!tpu.dma_semaphore, #tpu.memory_space<semaphore_mem>>
      %dma_wait3A_234 = tpu.memref_squeeze %dma_wait3A_233 : memref<1x!tpu.dma_semaphore, #tpu.memory_space<semaphore_mem>> -> memref<!tpu.dma_semaphore, #tpu.memory_space<semaphore_mem>>
      %dma_wait3A_235 = arith.constant 0 : i32
      %dma_wait3A_236 = arith.constant 0 : i32
      %dma_wait3A_237 = tpu.memref_slice %arg9[%rem3A_197, %dma_wait3A_235, %dma_wait3A_236] : memref<8x128x64xf32, #tpu.memory_space<vmem>> -> memref<1x128x64xf32, #tpu.memory_space<vmem>>
      %dma_wait3A_238 = tpu.memref_squeeze %dma_wait3A_237 : memref<1x128x64xf32, #tpu.memory_space<vmem>> -> memref<128x64xf32, #tpu.memory_space<vmem>>
      %dma_wait3A_239 = arith.constant 0 : i32
      %dma_wait3A_240 = arith.constant 0 : i32
      %dma_wait3A_241 = tpu.memref_slice %arg2[%dma_wait3A_239, %dma_wait3A_240] : memref<10240x64xf32, #tpu.memory_space<hbm>> -> memref<128x64xf32, #tpu.memory_space<hbm>>
      tpu.wait_dma2 semaphore(%dma_wait3A_234 : memref<!tpu.dma_semaphore, #tpu.memory_space<semaphore_mem>>) src(%dma_wait3A_241 : memref<128x64xf32, #tpu.memory_space<hbm>>) dst(%dma_wait3A_238 : memref<128x64xf32, #tpu.memory_space<vmem>>)
      %add3A_242 = arith.constant 8 : i32
      %add3A_243 = arith.addi %scan3A_196, %add3A_242 : i32
      %lt3A = arith.constant 80 : i32
      %lt3A_244 = arith.cmpi slt, %add3A_243, %lt3A : i32
      %convert_element_type3A = arith.extui %lt3A_244 : i1 to i32
      %cond3A = arith.constant 0 : i32
      %cond3A_245 = arith.cmpi ne, %convert_element_type3A, %cond3A : i32
      scf.if %cond3A_245 {
        %add3A_246 = arith.constant 8 : i32
        %add3A_247 = arith.addi %scan3A_196, %add3A_246 : i32
        %dma_start3A_248 = arith.constant 0 : i32
        %dma_start3A_249 = arith.constant 0 : i32
        %dma_start3A_250 = tpu.memref_slice %arg9[%rem3A_197, %dma_start3A_248, %dma_start3A_249] : memref<8x128x64xf32, #tpu.memory_space<vmem>> -> memref<1x128x64xf32, #tpu.memory_space<vmem>>
        %dma_start3A_251 = tpu.memref_squeeze %dma_start3A_250 : memref<1x128x64xf32, #tpu.memory_space<vmem>> -> memref<128x64xf32, #tpu.memory_space<vmem>>
        %dma_start3A_252 = arith.constant 0 : i32
        %dma_start3A_253 = tpu.memref_slice %arg7[%add3A_247, %dma_start3A_252] : memref<80x128xi32, #tpu.memory_space<vmem>> -> memref<1x128xi32, #tpu.memory_space<vmem>>
        %dma_start3A_254 = tpu.memref_squeeze %dma_start3A_253 : memref<1x128xi32, #tpu.memory_space<vmem>> -> memref<128xi32, #tpu.memory_space<vmem>>
        %dma_start3A_255 = arith.constant 0 : i32
        %dma_start3A_256 = arith.constant 0 : i32
        %dma_start3A_257 = tpu.memref_slice %arg2[%dma_start3A_255, %dma_start3A_256] : memref<10240x64xf32, #tpu.memory_space<hbm>> -> memref<10240x64xf32, #tpu.memory_space<hbm>>
        %dma_start3A_258 = tpu.memref_slice %arg10[%rem3A_197] : memref<8x!tpu.dma_semaphore, #tpu.memory_space<semaphore_mem>> -> memref<1x!tpu.dma_semaphore, #tpu.memory_space<semaphore_mem>>
        %dma_start3A_259 = tpu.memref_squeeze %dma_start3A_258 : memref<1x!tpu.dma_semaphore, #tpu.memory_space<semaphore_mem>> -> memref<!tpu.dma_semaphore, #tpu.memory_space<semaphore_mem>>
        tpu.enqueue_indirect_dma source(%dma_start3A_257 : memref<10240x64xf32, #tpu.memory_space<hbm>>) target(%dma_start3A_251 : memref<128x64xf32, #tpu.memory_space<vmem>>) offsets(%dma_start3A_254 : memref<128xi32, #tpu.memory_space<vmem>>) semaphore(%dma_start3A_259 : memref<!tpu.dma_semaphore, #tpu.memory_space<semaphore_mem>>)
      } else {
      }
    }
    %scan3A_178 = arith.constant 80 : i32
    %barrier3A_179 = arith.constant 0 : index
    tpu.barrier barrier_id(%barrier3A_179)
    %dma_start3A_180 = arith.constant 0 : i32
    %dma_start3A_181 = tpu.memref_slice %arg10[%dma_start3A_180] : memref<8x!tpu.dma_semaphore, #tpu.memory_space<semaphore_mem>> -> memref<1x!tpu.dma_semaphore, #tpu.memory_space<semaphore_mem>>
    %dma_start3A_182 = tpu.memref_squeeze %dma_start3A_181 : memref<1x!tpu.dma_semaphore, #tpu.memory_space<semaphore_mem>> -> memref<!tpu.dma_semaphore, #tpu.memory_space<semaphore_mem>>
    %dma_start3A_183 = arith.constant 0 : i32
    %dma_start3A_184 = tpu.memref_slice %arg6[%arg0, %mul3A_2, %dma_start3A_183] : memref<2x10240x64xf32, #tpu.memory_space<hbm>> -> memref<1x640x64xf32, #tpu.memory_space<hbm>>
    %dma_start3A_185 = tpu.memref_squeeze %dma_start3A_184 : memref<1x640x64xf32, #tpu.memory_space<hbm>> -> memref<640x64xf32, #tpu.memory_space<hbm>>
    %dma_start3A_186 = arith.constant 0 : i32
    %dma_start3A_187 = tpu.memref_slice %arg12[%mul3A_2, %dma_start3A_186] : memref<10240x64xf32, #tpu.memory_space<vmem_shared>> -> memref<640x64xf32, #tpu.memory_space<vmem_shared>>
    tpu.enqueue_dma source(%dma_start3A_187 : memref<640x64xf32, #tpu.memory_space<vmem_shared>>) target(%dma_start3A_185 : memref<640x64xf32, #tpu.memory_space<hbm>>) target_semaphore(%dma_start3A_182 : memref<!tpu.dma_semaphore, #tpu.memory_space<semaphore_mem>>)
    %dma_wait3A_188 = arith.constant 0 : i32
    %dma_wait3A_189 = tpu.memref_slice %arg10[%dma_wait3A_188] : memref<8x!tpu.dma_semaphore, #tpu.memory_space<semaphore_mem>> -> memref<1x!tpu.dma_semaphore, #tpu.memory_space<semaphore_mem>>
    %dma_wait3A_190 = tpu.memref_squeeze %dma_wait3A_189 : memref<1x!tpu.dma_semaphore, #tpu.memory_space<semaphore_mem>> -> memref<!tpu.dma_semaphore, #tpu.memory_space<semaphore_mem>>
    %dma_wait3A_191 = arith.constant 0 : i32
    %dma_wait3A_192 = tpu.memref_slice %arg6[%arg0, %mul3A_2, %dma_wait3A_191] : memref<2x10240x64xf32, #tpu.memory_space<hbm>> -> memref<1x640x64xf32, #tpu.memory_space<hbm>>
    %dma_wait3A_193 = tpu.memref_squeeze %dma_wait3A_192 : memref<1x640x64xf32, #tpu.memory_space<hbm>> -> memref<640x64xf32, #tpu.memory_space<hbm>>
    %dma_wait3A_194 = arith.constant 0 : i32
    %dma_wait3A_195 = tpu.memref_slice %arg12[%mul3A_2, %dma_wait3A_194] : memref<10240x64xf32, #tpu.memory_space<vmem_shared>> -> memref<640x64xf32, #tpu.memory_space<vmem_shared>>
    tpu.wait_dma2 semaphore(%dma_wait3A_190 : memref<!tpu.dma_semaphore, #tpu.memory_space<semaphore_mem>>) src(%dma_wait3A_195 : memref<640x64xf32, #tpu.memory_space<vmem_shared>>) dst(%dma_wait3A_193 : memref<640x64xf32, #tpu.memory_space<hbm>>)
    return
  }
}

#map = affine_map<(d0, d1) -> (0, 0)>
#map1 = affine_map<(d0, d1) -> (0, 0, 0)>
module attributes {stable_mosaic.version = 14 : i64} {
  func.func @_agg_body(%arg0: i32, %arg1: i32, %arg2: memref<20480x64xf32, #tpu.memory_space<hbm>>, %arg3: memref<32x160x128xi32, #tpu.memory_space<hbm>>, %arg4: memref<32x160x128xi32, #tpu.memory_space<hbm>>, %arg5: memref<640x64xf32, #tpu.memory_space<hbm>>, %arg6: memref<2x10240x64xf32, #tpu.memory_space<hbm>>, %arg7: memref<160x128xi32, #tpu.memory_space<vmem>>, %arg8: memref<160x128xi32, #tpu.memory_space<vmem>>, %arg9: memref<4x128x64xf32, #tpu.memory_space<vmem>>, %arg10: memref<4x!tpu.dma_semaphore, #tpu.memory_space<semaphore_mem>>, %arg11: memref<4x!tpu.dma_semaphore, #tpu.memory_space<semaphore_mem>>, %arg12: memref<10240x64xf32, #tpu.memory_space<vmem_shared>>) attributes {dimension_semantics = [#tpu.dimension_semantics<core_parallel>, #tpu.dimension_semantics<subcore_parallel>], iteration_bounds = array<i64: 2, 16>, scalar_prefetch = 0 : i64, scratch_operands = 6 : i64, tpu.core_type = #tpu.core_type<sc_vector_subcore>, window_params = [{transform_indices = #map}, {transform_indices = #map1}, {transform_indices = #map1}, {transform_indices = #map}, {transform_indices = #map1}]} {
    %mul3A = arith.constant 16 : i32
    %mul3A_0 = arith.muli %arg0, %mul3A : i32
    %add3A = arith.addi %mul3A_0, %arg1 : i32
    %mul3A_1 = arith.constant 640 : i32
    %mul3A_2 = arith.muli %arg1, %mul3A_1 : i32
    %dma_start3A = arith.constant 0 : i32
    %dma_start3A_3 = arith.constant 0 : i32
    %dma_start3A_4 = arith.constant 0 : i32
    %dma_start3A_5 = tpu.memref_slice %arg3[%add3A, %dma_start3A_3, %dma_start3A_4] : memref<32x160x128xi32, #tpu.memory_space<hbm>> -> memref<1x160x128xi32, #tpu.memory_space<hbm>>
    %dma_start3A_6 = tpu.memref_squeeze %dma_start3A_5 : memref<1x160x128xi32, #tpu.memory_space<hbm>> -> memref<160x128xi32, #tpu.memory_space<hbm>>
    %dma_start3A_7 = tpu.memref_slice %arg10[%dma_start3A] : memref<4x!tpu.dma_semaphore, #tpu.memory_space<semaphore_mem>> -> memref<1x!tpu.dma_semaphore, #tpu.memory_space<semaphore_mem>>
    %dma_start3A_8 = tpu.memref_squeeze %dma_start3A_7 : memref<1x!tpu.dma_semaphore, #tpu.memory_space<semaphore_mem>> -> memref<!tpu.dma_semaphore, #tpu.memory_space<semaphore_mem>>
    %dma_start3A_9 = arith.constant 0 : i32
    %dma_start3A_10 = arith.constant 0 : i32
    %dma_start3A_11 = tpu.memref_slice %arg3[%add3A, %dma_start3A_9, %dma_start3A_10] : memref<32x160x128xi32, #tpu.memory_space<hbm>> -> memref<1x160x128xi32, #tpu.memory_space<hbm>>
    %dma_start3A_12 = tpu.memref_squeeze %dma_start3A_11 : memref<1x160x128xi32, #tpu.memory_space<hbm>> -> memref<160x128xi32, #tpu.memory_space<hbm>>
    tpu.enqueue_dma source(%dma_start3A_12 : memref<160x128xi32, #tpu.memory_space<hbm>>) target(%arg7 : memref<160x128xi32, #tpu.memory_space<vmem>>) target_semaphore(%dma_start3A_8 : memref<!tpu.dma_semaphore, #tpu.memory_space<semaphore_mem>>)
    %dma_start3A_13 = arith.constant 1 : i32
    %dma_start3A_14 = arith.constant 0 : i32
    %dma_start3A_15 = arith.constant 0 : i32
    %dma_start3A_16 = tpu.memref_slice %arg4[%add3A, %dma_start3A_14, %dma_start3A_15] : memref<32x160x128xi32, #tpu.memory_space<hbm>> -> memref<1x160x128xi32, #tpu.memory_space<hbm>>
    %dma_start3A_17 = tpu.memref_squeeze %dma_start3A_16 : memref<1x160x128xi32, #tpu.memory_space<hbm>> -> memref<160x128xi32, #tpu.memory_space<hbm>>
    %dma_start3A_18 = tpu.memref_slice %arg10[%dma_start3A_13] : memref<4x!tpu.dma_semaphore, #tpu.memory_space<semaphore_mem>> -> memref<1x!tpu.dma_semaphore, #tpu.memory_space<semaphore_mem>>
    %dma_start3A_19 = tpu.memref_squeeze %dma_start3A_18 : memref<1x!tpu.dma_semaphore, #tpu.memory_space<semaphore_mem>> -> memref<!tpu.dma_semaphore, #tpu.memory_space<semaphore_mem>>
    %dma_start3A_20 = arith.constant 0 : i32
    %dma_start3A_21 = arith.constant 0 : i32
    %dma_start3A_22 = tpu.memref_slice %arg4[%add3A, %dma_start3A_20, %dma_start3A_21] : memref<32x160x128xi32, #tpu.memory_space<hbm>> -> memref<1x160x128xi32, #tpu.memory_space<hbm>>
    %dma_start3A_23 = tpu.memref_squeeze %dma_start3A_22 : memref<1x160x128xi32, #tpu.memory_space<hbm>> -> memref<160x128xi32, #tpu.memory_space<hbm>>
    tpu.enqueue_dma source(%dma_start3A_23 : memref<160x128xi32, #tpu.memory_space<hbm>>) target(%arg8 : memref<160x128xi32, #tpu.memory_space<vmem>>) target_semaphore(%dma_start3A_19 : memref<!tpu.dma_semaphore, #tpu.memory_space<semaphore_mem>>)
    %dma_start3A_24 = arith.constant 0 : i32
    %dma_start3A_25 = tpu.memref_slice %arg11[%dma_start3A_24] : memref<4x!tpu.dma_semaphore, #tpu.memory_space<semaphore_mem>> -> memref<1x!tpu.dma_semaphore, #tpu.memory_space<semaphore_mem>>
    %dma_start3A_26 = tpu.memref_squeeze %dma_start3A_25 : memref<1x!tpu.dma_semaphore, #tpu.memory_space<semaphore_mem>> -> memref<!tpu.dma_semaphore, #tpu.memory_space<semaphore_mem>>
    %dma_start3A_27 = arith.constant 0 : i32
    %dma_start3A_28 = tpu.memref_slice %arg12[%mul3A_2, %dma_start3A_27] : memref<10240x64xf32, #tpu.memory_space<vmem_shared>> -> memref<640x64xf32, #tpu.memory_space<vmem_shared>>
    tpu.enqueue_dma source(%arg5 : memref<640x64xf32, #tpu.memory_space<hbm>>) target(%dma_start3A_28 : memref<640x64xf32, #tpu.memory_space<vmem_shared>>) target_semaphore(%dma_start3A_26 : memref<!tpu.dma_semaphore, #tpu.memory_space<semaphore_mem>>)
    %dma_wait3A = arith.constant 0 : i32
    %dma_wait3A_29 = tpu.memref_slice %arg11[%dma_wait3A] : memref<4x!tpu.dma_semaphore, #tpu.memory_space<semaphore_mem>> -> memref<1x!tpu.dma_semaphore, #tpu.memory_space<semaphore_mem>>
    %dma_wait3A_30 = tpu.memref_squeeze %dma_wait3A_29 : memref<1x!tpu.dma_semaphore, #tpu.memory_space<semaphore_mem>> -> memref<!tpu.dma_semaphore, #tpu.memory_space<semaphore_mem>>
    %dma_wait3A_31 = arith.constant 0 : i32
    %dma_wait3A_32 = tpu.memref_slice %arg12[%mul3A_2, %dma_wait3A_31] : memref<10240x64xf32, #tpu.memory_space<vmem_shared>> -> memref<640x64xf32, #tpu.memory_space<vmem_shared>>
    tpu.wait_dma2 semaphore(%dma_wait3A_30 : memref<!tpu.dma_semaphore, #tpu.memory_space<semaphore_mem>>) src(%arg5 : memref<640x64xf32, #tpu.memory_space<hbm>>) dst(%dma_wait3A_32 : memref<640x64xf32, #tpu.memory_space<vmem_shared>>)
    %dma_wait3A_33 = arith.constant 0 : i32
    %dma_wait3A_34 = arith.constant 0 : i32
    %dma_wait3A_35 = arith.constant 0 : i32
    %dma_wait3A_36 = tpu.memref_slice %arg3[%add3A, %dma_wait3A_34, %dma_wait3A_35] : memref<32x160x128xi32, #tpu.memory_space<hbm>> -> memref<1x160x128xi32, #tpu.memory_space<hbm>>
    %dma_wait3A_37 = tpu.memref_squeeze %dma_wait3A_36 : memref<1x160x128xi32, #tpu.memory_space<hbm>> -> memref<160x128xi32, #tpu.memory_space<hbm>>
    %dma_wait3A_38 = tpu.memref_slice %arg10[%dma_wait3A_33] : memref<4x!tpu.dma_semaphore, #tpu.memory_space<semaphore_mem>> -> memref<1x!tpu.dma_semaphore, #tpu.memory_space<semaphore_mem>>
    %dma_wait3A_39 = tpu.memref_squeeze %dma_wait3A_38 : memref<1x!tpu.dma_semaphore, #tpu.memory_space<semaphore_mem>> -> memref<!tpu.dma_semaphore, #tpu.memory_space<semaphore_mem>>
    %dma_wait3A_40 = arith.constant 0 : i32
    %dma_wait3A_41 = arith.constant 0 : i32
    %dma_wait3A_42 = tpu.memref_slice %arg3[%add3A, %dma_wait3A_40, %dma_wait3A_41] : memref<32x160x128xi32, #tpu.memory_space<hbm>> -> memref<1x160x128xi32, #tpu.memory_space<hbm>>
    %dma_wait3A_43 = tpu.memref_squeeze %dma_wait3A_42 : memref<1x160x128xi32, #tpu.memory_space<hbm>> -> memref<160x128xi32, #tpu.memory_space<hbm>>
    tpu.wait_dma2 semaphore(%dma_wait3A_39 : memref<!tpu.dma_semaphore, #tpu.memory_space<semaphore_mem>>) src(%dma_wait3A_43 : memref<160x128xi32, #tpu.memory_space<hbm>>) dst(%arg7 : memref<160x128xi32, #tpu.memory_space<vmem>>)
    %dma_wait3A_44 = arith.constant 1 : i32
    %dma_wait3A_45 = arith.constant 0 : i32
    %dma_wait3A_46 = arith.constant 0 : i32
    %dma_wait3A_47 = tpu.memref_slice %arg4[%add3A, %dma_wait3A_45, %dma_wait3A_46] : memref<32x160x128xi32, #tpu.memory_space<hbm>> -> memref<1x160x128xi32, #tpu.memory_space<hbm>>
    %dma_wait3A_48 = tpu.memref_squeeze %dma_wait3A_47 : memref<1x160x128xi32, #tpu.memory_space<hbm>> -> memref<160x128xi32, #tpu.memory_space<hbm>>
    %dma_wait3A_49 = tpu.memref_slice %arg10[%dma_wait3A_44] : memref<4x!tpu.dma_semaphore, #tpu.memory_space<semaphore_mem>> -> memref<1x!tpu.dma_semaphore, #tpu.memory_space<semaphore_mem>>
    %dma_wait3A_50 = tpu.memref_squeeze %dma_wait3A_49 : memref<1x!tpu.dma_semaphore, #tpu.memory_space<semaphore_mem>> -> memref<!tpu.dma_semaphore, #tpu.memory_space<semaphore_mem>>
    %dma_wait3A_51 = arith.constant 0 : i32
    %dma_wait3A_52 = arith.constant 0 : i32
    %dma_wait3A_53 = tpu.memref_slice %arg4[%add3A, %dma_wait3A_51, %dma_wait3A_52] : memref<32x160x128xi32, #tpu.memory_space<hbm>> -> memref<1x160x128xi32, #tpu.memory_space<hbm>>
    %dma_wait3A_54 = tpu.memref_squeeze %dma_wait3A_53 : memref<1x160x128xi32, #tpu.memory_space<hbm>> -> memref<160x128xi32, #tpu.memory_space<hbm>>
    tpu.wait_dma2 semaphore(%dma_wait3A_50 : memref<!tpu.dma_semaphore, #tpu.memory_space<semaphore_mem>>) src(%dma_wait3A_54 : memref<160x128xi32, #tpu.memory_space<hbm>>) dst(%arg8 : memref<160x128xi32, #tpu.memory_space<vmem>>)
    %barrier3A = arith.constant 0 : index
    tpu.barrier barrier_id(%barrier3A)
    %dma_start3A_55 = arith.constant 0 : i32
    %dma_start3A_56 = arith.constant 0 : i32
    %dma_start3A_57 = arith.constant 0 : i32
    %dma_start3A_58 = arith.constant 0 : i32
    %dma_start3A_59 = arith.constant 0 : i32
    %dma_start3A_60 = tpu.memref_slice %arg9[%dma_start3A_56, %dma_start3A_58, %dma_start3A_59] : memref<4x128x64xf32, #tpu.memory_space<vmem>> -> memref<1x128x64xf32, #tpu.memory_space<vmem>>
    %dma_start3A_61 = tpu.memref_squeeze %dma_start3A_60 : memref<1x128x64xf32, #tpu.memory_space<vmem>> -> memref<128x64xf32, #tpu.memory_space<vmem>>
    %dma_start3A_62 = arith.constant 0 : i32
    %dma_start3A_63 = tpu.memref_slice %arg7[%dma_start3A_55, %dma_start3A_62] : memref<160x128xi32, #tpu.memory_space<vmem>> -> memref<1x128xi32, #tpu.memory_space<vmem>>
    %dma_start3A_64 = tpu.memref_squeeze %dma_start3A_63 : memref<1x128xi32, #tpu.memory_space<vmem>> -> memref<128xi32, #tpu.memory_space<vmem>>
    %dma_start3A_65 = arith.constant 0 : i32
    %dma_start3A_66 = arith.constant 0 : i32
    %dma_start3A_67 = tpu.memref_slice %arg2[%dma_start3A_65, %dma_start3A_66] : memref<20480x64xf32, #tpu.memory_space<hbm>> -> memref<20480x64xf32, #tpu.memory_space<hbm>>
    %dma_start3A_68 = tpu.memref_slice %arg10[%dma_start3A_57] : memref<4x!tpu.dma_semaphore, #tpu.memory_space<semaphore_mem>> -> memref<1x!tpu.dma_semaphore, #tpu.memory_space<semaphore_mem>>
    %dma_start3A_69 = tpu.memref_squeeze %dma_start3A_68 : memref<1x!tpu.dma_semaphore, #tpu.memory_space<semaphore_mem>> -> memref<!tpu.dma_semaphore, #tpu.memory_space<semaphore_mem>>
    tpu.enqueue_indirect_dma source(%dma_start3A_67 : memref<20480x64xf32, #tpu.memory_space<hbm>>) target(%dma_start3A_61 : memref<128x64xf32, #tpu.memory_space<vmem>>) offsets(%dma_start3A_64 : memref<128xi32, #tpu.memory_space<vmem>>) semaphore(%dma_start3A_69 : memref<!tpu.dma_semaphore, #tpu.memory_space<semaphore_mem>>)
    %dma_start3A_70 = arith.constant 1 : i32
    %dma_start3A_71 = arith.constant 1 : i32
    %dma_start3A_72 = arith.constant 1 : i32
    %dma_start3A_73 = arith.constant 0 : i32
    %dma_start3A_74 = arith.constant 0 : i32
    %dma_start3A_75 = tpu.memref_slice %arg9[%dma_start3A_71, %dma_start3A_73, %dma_start3A_74] : memref<4x128x64xf32, #tpu.memory_space<vmem>> -> memref<1x128x64xf32, #tpu.memory_space<vmem>>
    %dma_start3A_76 = tpu.memref_squeeze %dma_start3A_75 : memref<1x128x64xf32, #tpu.memory_space<vmem>> -> memref<128x64xf32, #tpu.memory_space<vmem>>
    %dma_start3A_77 = arith.constant 0 : i32
    %dma_start3A_78 = tpu.memref_slice %arg7[%dma_start3A_70, %dma_start3A_77] : memref<160x128xi32, #tpu.memory_space<vmem>> -> memref<1x128xi32, #tpu.memory_space<vmem>>
    %dma_start3A_79 = tpu.memref_squeeze %dma_start3A_78 : memref<1x128xi32, #tpu.memory_space<vmem>> -> memref<128xi32, #tpu.memory_space<vmem>>
    %dma_start3A_80 = arith.constant 0 : i32
    %dma_start3A_81 = arith.constant 0 : i32
    %dma_start3A_82 = tpu.memref_slice %arg2[%dma_start3A_80, %dma_start3A_81] : memref<20480x64xf32, #tpu.memory_space<hbm>> -> memref<20480x64xf32, #tpu.memory_space<hbm>>
    %dma_start3A_83 = tpu.memref_slice %arg10[%dma_start3A_72] : memref<4x!tpu.dma_semaphore, #tpu.memory_space<semaphore_mem>> -> memref<1x!tpu.dma_semaphore, #tpu.memory_space<semaphore_mem>>
    %dma_start3A_84 = tpu.memref_squeeze %dma_start3A_83 : memref<1x!tpu.dma_semaphore, #tpu.memory_space<semaphore_mem>> -> memref<!tpu.dma_semaphore, #tpu.memory_space<semaphore_mem>>
    tpu.enqueue_indirect_dma source(%dma_start3A_82 : memref<20480x64xf32, #tpu.memory_space<hbm>>) target(%dma_start3A_76 : memref<128x64xf32, #tpu.memory_space<vmem>>) offsets(%dma_start3A_79 : memref<128xi32, #tpu.memory_space<vmem>>) semaphore(%dma_start3A_84 : memref<!tpu.dma_semaphore, #tpu.memory_space<semaphore_mem>>)
    %dma_start3A_85 = arith.constant 2 : i32
    %dma_start3A_86 = arith.constant 2 : i32
    %dma_start3A_87 = arith.constant 2 : i32
    %dma_start3A_88 = arith.constant 0 : i32
    %dma_start3A_89 = arith.constant 0 : i32
    %dma_start3A_90 = tpu.memref_slice %arg9[%dma_start3A_86, %dma_start3A_88, %dma_start3A_89] : memref<4x128x64xf32, #tpu.memory_space<vmem>> -> memref<1x128x64xf32, #tpu.memory_space<vmem>>
    %dma_start3A_91 = tpu.memref_squeeze %dma_start3A_90 : memref<1x128x64xf32, #tpu.memory_space<vmem>> -> memref<128x64xf32, #tpu.memory_space<vmem>>
    %dma_start3A_92 = arith.constant 0 : i32
    %dma_start3A_93 = tpu.memref_slice %arg7[%dma_start3A_85, %dma_start3A_92] : memref<160x128xi32, #tpu.memory_space<vmem>> -> memref<1x128xi32, #tpu.memory_space<vmem>>
    %dma_start3A_94 = tpu.memref_squeeze %dma_start3A_93 : memref<1x128xi32, #tpu.memory_space<vmem>> -> memref<128xi32, #tpu.memory_space<vmem>>
    %dma_start3A_95 = arith.constant 0 : i32
    %dma_start3A_96 = arith.constant 0 : i32
    %dma_start3A_97 = tpu.memref_slice %arg2[%dma_start3A_95, %dma_start3A_96] : memref<20480x64xf32, #tpu.memory_space<hbm>> -> memref<20480x64xf32, #tpu.memory_space<hbm>>
    %dma_start3A_98 = tpu.memref_slice %arg10[%dma_start3A_87] : memref<4x!tpu.dma_semaphore, #tpu.memory_space<semaphore_mem>> -> memref<1x!tpu.dma_semaphore, #tpu.memory_space<semaphore_mem>>
    %dma_start3A_99 = tpu.memref_squeeze %dma_start3A_98 : memref<1x!tpu.dma_semaphore, #tpu.memory_space<semaphore_mem>> -> memref<!tpu.dma_semaphore, #tpu.memory_space<semaphore_mem>>
    tpu.enqueue_indirect_dma source(%dma_start3A_97 : memref<20480x64xf32, #tpu.memory_space<hbm>>) target(%dma_start3A_91 : memref<128x64xf32, #tpu.memory_space<vmem>>) offsets(%dma_start3A_94 : memref<128xi32, #tpu.memory_space<vmem>>) semaphore(%dma_start3A_99 : memref<!tpu.dma_semaphore, #tpu.memory_space<semaphore_mem>>)
    %dma_start3A_100 = arith.constant 3 : i32
    %dma_start3A_101 = arith.constant 3 : i32
    %dma_start3A_102 = arith.constant 3 : i32
    %dma_start3A_103 = arith.constant 0 : i32
    %dma_start3A_104 = arith.constant 0 : i32
    %dma_start3A_105 = tpu.memref_slice %arg9[%dma_start3A_101, %dma_start3A_103, %dma_start3A_104] : memref<4x128x64xf32, #tpu.memory_space<vmem>> -> memref<1x128x64xf32, #tpu.memory_space<vmem>>
    %dma_start3A_106 = tpu.memref_squeeze %dma_start3A_105 : memref<1x128x64xf32, #tpu.memory_space<vmem>> -> memref<128x64xf32, #tpu.memory_space<vmem>>
    %dma_start3A_107 = arith.constant 0 : i32
    %dma_start3A_108 = tpu.memref_slice %arg7[%dma_start3A_100, %dma_start3A_107] : memref<160x128xi32, #tpu.memory_space<vmem>> -> memref<1x128xi32, #tpu.memory_space<vmem>>
    %dma_start3A_109 = tpu.memref_squeeze %dma_start3A_108 : memref<1x128xi32, #tpu.memory_space<vmem>> -> memref<128xi32, #tpu.memory_space<vmem>>
    %dma_start3A_110 = arith.constant 0 : i32
    %dma_start3A_111 = arith.constant 0 : i32
    %dma_start3A_112 = tpu.memref_slice %arg2[%dma_start3A_110, %dma_start3A_111] : memref<20480x64xf32, #tpu.memory_space<hbm>> -> memref<20480x64xf32, #tpu.memory_space<hbm>>
    %dma_start3A_113 = tpu.memref_slice %arg10[%dma_start3A_102] : memref<4x!tpu.dma_semaphore, #tpu.memory_space<semaphore_mem>> -> memref<1x!tpu.dma_semaphore, #tpu.memory_space<semaphore_mem>>
    %dma_start3A_114 = tpu.memref_squeeze %dma_start3A_113 : memref<1x!tpu.dma_semaphore, #tpu.memory_space<semaphore_mem>> -> memref<!tpu.dma_semaphore, #tpu.memory_space<semaphore_mem>>
    tpu.enqueue_indirect_dma source(%dma_start3A_112 : memref<20480x64xf32, #tpu.memory_space<hbm>>) target(%dma_start3A_106 : memref<128x64xf32, #tpu.memory_space<vmem>>) offsets(%dma_start3A_109 : memref<128xi32, #tpu.memory_space<vmem>>) semaphore(%dma_start3A_114 : memref<!tpu.dma_semaphore, #tpu.memory_space<semaphore_mem>>)
    %scan3A = arith.constant 0 : i32
    %scan3A_115 = arith.constant 160 : i32
    %scan3A_116 = arith.addi %scan3A, %scan3A_115 : i32
    %scan3A_117 = arith.constant 1 : i32
    scf.for %scan3A_136 = %scan3A to %scan3A_116 step %scan3A_117  : i32 {
      %rem3A = arith.constant 4 : i32
      %rem3A_137 = arith.remsi %scan3A_136, %rem3A : i32
      %dma_wait3A_138 = arith.constant 0 : i32
      %dma_wait3A_139 = arith.constant 0 : i32
      %dma_wait3A_140 = tpu.memref_slice %arg9[%rem3A_137, %dma_wait3A_138, %dma_wait3A_139] : memref<4x128x64xf32, #tpu.memory_space<vmem>> -> memref<1x128x64xf32, #tpu.memory_space<vmem>>
      %dma_wait3A_141 = tpu.memref_squeeze %dma_wait3A_140 : memref<1x128x64xf32, #tpu.memory_space<vmem>> -> memref<128x64xf32, #tpu.memory_space<vmem>>
      %dma_wait3A_142 = arith.constant 0 : i32
      %dma_wait3A_143 = arith.constant 0 : i32
      %dma_wait3A_144 = tpu.memref_slice %arg2[%dma_wait3A_142, %dma_wait3A_143] : memref<20480x64xf32, #tpu.memory_space<hbm>> -> memref<128x64xf32, #tpu.memory_space<hbm>>
      %dma_wait3A_145 = tpu.memref_slice %arg10[%rem3A_137] : memref<4x!tpu.dma_semaphore, #tpu.memory_space<semaphore_mem>> -> memref<1x!tpu.dma_semaphore, #tpu.memory_space<semaphore_mem>>
      %dma_wait3A_146 = tpu.memref_squeeze %dma_wait3A_145 : memref<1x!tpu.dma_semaphore, #tpu.memory_space<semaphore_mem>> -> memref<!tpu.dma_semaphore, #tpu.memory_space<semaphore_mem>>
      %dma_wait3A_147 = arith.constant 0 : i32
      %dma_wait3A_148 = arith.constant 0 : i32
      %dma_wait3A_149 = tpu.memref_slice %arg9[%rem3A_137, %dma_wait3A_147, %dma_wait3A_148] : memref<4x128x64xf32, #tpu.memory_space<vmem>> -> memref<1x128x64xf32, #tpu.memory_space<vmem>>
      %dma_wait3A_150 = tpu.memref_squeeze %dma_wait3A_149 : memref<1x128x64xf32, #tpu.memory_space<vmem>> -> memref<128x64xf32, #tpu.memory_space<vmem>>
      %dma_wait3A_151 = arith.constant 0 : i32
      %dma_wait3A_152 = arith.constant 0 : i32
      %dma_wait3A_153 = tpu.memref_slice %arg2[%dma_wait3A_151, %dma_wait3A_152] : memref<20480x64xf32, #tpu.memory_space<hbm>> -> memref<128x64xf32, #tpu.memory_space<hbm>>
      tpu.wait_dma2 semaphore(%dma_wait3A_146 : memref<!tpu.dma_semaphore, #tpu.memory_space<semaphore_mem>>) src(%dma_wait3A_153 : memref<128x64xf32, #tpu.memory_space<hbm>>) dst(%dma_wait3A_150 : memref<128x64xf32, #tpu.memory_space<vmem>>)
      %dma_start3A_154 = arith.constant 0 : i32
      %dma_start3A_155 = arith.constant 0 : i32
      %dma_start3A_156 = tpu.memref_slice %arg9[%rem3A_137, %dma_start3A_154, %dma_start3A_155] : memref<4x128x64xf32, #tpu.memory_space<vmem>> -> memref<1x128x64xf32, #tpu.memory_space<vmem>>
      %dma_start3A_157 = tpu.memref_squeeze %dma_start3A_156 : memref<1x128x64xf32, #tpu.memory_space<vmem>> -> memref<128x64xf32, #tpu.memory_space<vmem>>
      %dma_start3A_158 = arith.constant 0 : i32
      %dma_start3A_159 = tpu.memref_slice %arg8[%scan3A_136, %dma_start3A_158] : memref<160x128xi32, #tpu.memory_space<vmem>> -> memref<1x128xi32, #tpu.memory_space<vmem>>
      %dma_start3A_160 = tpu.memref_squeeze %dma_start3A_159 : memref<1x128xi32, #tpu.memory_space<vmem>> -> memref<128xi32, #tpu.memory_space<vmem>>
      %dma_start3A_161 = arith.constant 0 : i32
      %dma_start3A_162 = arith.constant 0 : i32
      %dma_start3A_163 = tpu.memref_slice %arg12[%dma_start3A_161, %dma_start3A_162] : memref<10240x64xf32, #tpu.memory_space<vmem_shared>> -> memref<10240x64xf32, #tpu.memory_space<vmem_shared>>
      %dma_start3A_164 = tpu.memref_slice %arg11[%rem3A_137] : memref<4x!tpu.dma_semaphore, #tpu.memory_space<semaphore_mem>> -> memref<1x!tpu.dma_semaphore, #tpu.memory_space<semaphore_mem>>
      %dma_start3A_165 = tpu.memref_squeeze %dma_start3A_164 : memref<1x!tpu.dma_semaphore, #tpu.memory_space<semaphore_mem>> -> memref<!tpu.dma_semaphore, #tpu.memory_space<semaphore_mem>>
      tpu.enqueue_indirect_dma source(%dma_start3A_157 : memref<128x64xf32, #tpu.memory_space<vmem>>) target(%dma_start3A_163 : memref<10240x64xf32, #tpu.memory_space<vmem_shared>>) offsets(%dma_start3A_160 : memref<128xi32, #tpu.memory_space<vmem>>) semaphore(%dma_start3A_165 : memref<!tpu.dma_semaphore, #tpu.memory_space<semaphore_mem>>) {add = true}
      %dma_wait3A_166 = arith.constant 0 : i32
      %dma_wait3A_167 = arith.constant 0 : i32
      %dma_wait3A_168 = tpu.memref_slice %arg9[%rem3A_137, %dma_wait3A_166, %dma_wait3A_167] : memref<4x128x64xf32, #tpu.memory_space<vmem>> -> memref<1x128x64xf32, #tpu.memory_space<vmem>>
      %dma_wait3A_169 = tpu.memref_squeeze %dma_wait3A_168 : memref<1x128x64xf32, #tpu.memory_space<vmem>> -> memref<128x64xf32, #tpu.memory_space<vmem>>
      %dma_wait3A_170 = arith.constant 0 : i32
      %dma_wait3A_171 = arith.constant 0 : i32
      %dma_wait3A_172 = tpu.memref_slice %arg2[%dma_wait3A_170, %dma_wait3A_171] : memref<20480x64xf32, #tpu.memory_space<hbm>> -> memref<128x64xf32, #tpu.memory_space<hbm>>
      %dma_wait3A_173 = tpu.memref_slice %arg11[%rem3A_137] : memref<4x!tpu.dma_semaphore, #tpu.memory_space<semaphore_mem>> -> memref<1x!tpu.dma_semaphore, #tpu.memory_space<semaphore_mem>>
      %dma_wait3A_174 = tpu.memref_squeeze %dma_wait3A_173 : memref<1x!tpu.dma_semaphore, #tpu.memory_space<semaphore_mem>> -> memref<!tpu.dma_semaphore, #tpu.memory_space<semaphore_mem>>
      %dma_wait3A_175 = arith.constant 0 : i32
      %dma_wait3A_176 = arith.constant 0 : i32
      %dma_wait3A_177 = tpu.memref_slice %arg9[%rem3A_137, %dma_wait3A_175, %dma_wait3A_176] : memref<4x128x64xf32, #tpu.memory_space<vmem>> -> memref<1x128x64xf32, #tpu.memory_space<vmem>>
      %dma_wait3A_178 = tpu.memref_squeeze %dma_wait3A_177 : memref<1x128x64xf32, #tpu.memory_space<vmem>> -> memref<128x64xf32, #tpu.memory_space<vmem>>
      %dma_wait3A_179 = arith.constant 0 : i32
      %dma_wait3A_180 = arith.constant 0 : i32
      %dma_wait3A_181 = tpu.memref_slice %arg2[%dma_wait3A_179, %dma_wait3A_180] : memref<20480x64xf32, #tpu.memory_space<hbm>> -> memref<128x64xf32, #tpu.memory_space<hbm>>
      tpu.wait_dma2 semaphore(%dma_wait3A_174 : memref<!tpu.dma_semaphore, #tpu.memory_space<semaphore_mem>>) src(%dma_wait3A_181 : memref<128x64xf32, #tpu.memory_space<hbm>>) dst(%dma_wait3A_178 : memref<128x64xf32, #tpu.memory_space<vmem>>)
      %add3A_182 = arith.constant 4 : i32
      %add3A_183 = arith.addi %scan3A_136, %add3A_182 : i32
      %lt3A = arith.constant 160 : i32
      %lt3A_184 = arith.cmpi slt, %add3A_183, %lt3A : i32
      %convert_element_type3A = arith.extui %lt3A_184 : i1 to i32
      %cond3A = arith.constant 0 : i32
      %cond3A_185 = arith.cmpi ne, %convert_element_type3A, %cond3A : i32
      scf.if %cond3A_185 {
        %add3A_186 = arith.constant 4 : i32
        %add3A_187 = arith.addi %scan3A_136, %add3A_186 : i32
        %dma_start3A_188 = arith.constant 0 : i32
        %dma_start3A_189 = arith.constant 0 : i32
        %dma_start3A_190 = tpu.memref_slice %arg9[%rem3A_137, %dma_start3A_188, %dma_start3A_189] : memref<4x128x64xf32, #tpu.memory_space<vmem>> -> memref<1x128x64xf32, #tpu.memory_space<vmem>>
        %dma_start3A_191 = tpu.memref_squeeze %dma_start3A_190 : memref<1x128x64xf32, #tpu.memory_space<vmem>> -> memref<128x64xf32, #tpu.memory_space<vmem>>
        %dma_start3A_192 = arith.constant 0 : i32
        %dma_start3A_193 = tpu.memref_slice %arg7[%add3A_187, %dma_start3A_192] : memref<160x128xi32, #tpu.memory_space<vmem>> -> memref<1x128xi32, #tpu.memory_space<vmem>>
        %dma_start3A_194 = tpu.memref_squeeze %dma_start3A_193 : memref<1x128xi32, #tpu.memory_space<vmem>> -> memref<128xi32, #tpu.memory_space<vmem>>
        %dma_start3A_195 = arith.constant 0 : i32
        %dma_start3A_196 = arith.constant 0 : i32
        %dma_start3A_197 = tpu.memref_slice %arg2[%dma_start3A_195, %dma_start3A_196] : memref<20480x64xf32, #tpu.memory_space<hbm>> -> memref<20480x64xf32, #tpu.memory_space<hbm>>
        %dma_start3A_198 = tpu.memref_slice %arg10[%rem3A_137] : memref<4x!tpu.dma_semaphore, #tpu.memory_space<semaphore_mem>> -> memref<1x!tpu.dma_semaphore, #tpu.memory_space<semaphore_mem>>
        %dma_start3A_199 = tpu.memref_squeeze %dma_start3A_198 : memref<1x!tpu.dma_semaphore, #tpu.memory_space<semaphore_mem>> -> memref<!tpu.dma_semaphore, #tpu.memory_space<semaphore_mem>>
        tpu.enqueue_indirect_dma source(%dma_start3A_197 : memref<20480x64xf32, #tpu.memory_space<hbm>>) target(%dma_start3A_191 : memref<128x64xf32, #tpu.memory_space<vmem>>) offsets(%dma_start3A_194 : memref<128xi32, #tpu.memory_space<vmem>>) semaphore(%dma_start3A_199 : memref<!tpu.dma_semaphore, #tpu.memory_space<semaphore_mem>>)
      } else {
      }
    }
    %scan3A_118 = arith.constant 160 : i32
    %barrier3A_119 = arith.constant 0 : index
    tpu.barrier barrier_id(%barrier3A_119)
    %dma_start3A_120 = arith.constant 0 : i32
    %dma_start3A_121 = tpu.memref_slice %arg10[%dma_start3A_120] : memref<4x!tpu.dma_semaphore, #tpu.memory_space<semaphore_mem>> -> memref<1x!tpu.dma_semaphore, #tpu.memory_space<semaphore_mem>>
    %dma_start3A_122 = tpu.memref_squeeze %dma_start3A_121 : memref<1x!tpu.dma_semaphore, #tpu.memory_space<semaphore_mem>> -> memref<!tpu.dma_semaphore, #tpu.memory_space<semaphore_mem>>
    %dma_start3A_123 = arith.constant 0 : i32
    %dma_start3A_124 = tpu.memref_slice %arg6[%arg0, %mul3A_2, %dma_start3A_123] : memref<2x10240x64xf32, #tpu.memory_space<hbm>> -> memref<1x640x64xf32, #tpu.memory_space<hbm>>
    %dma_start3A_125 = tpu.memref_squeeze %dma_start3A_124 : memref<1x640x64xf32, #tpu.memory_space<hbm>> -> memref<640x64xf32, #tpu.memory_space<hbm>>
    %dma_start3A_126 = arith.constant 0 : i32
    %dma_start3A_127 = tpu.memref_slice %arg12[%mul3A_2, %dma_start3A_126] : memref<10240x64xf32, #tpu.memory_space<vmem_shared>> -> memref<640x64xf32, #tpu.memory_space<vmem_shared>>
    tpu.enqueue_dma source(%dma_start3A_127 : memref<640x64xf32, #tpu.memory_space<vmem_shared>>) target(%dma_start3A_125 : memref<640x64xf32, #tpu.memory_space<hbm>>) target_semaphore(%dma_start3A_122 : memref<!tpu.dma_semaphore, #tpu.memory_space<semaphore_mem>>)
    %dma_wait3A_128 = arith.constant 0 : i32
    %dma_wait3A_129 = tpu.memref_slice %arg10[%dma_wait3A_128] : memref<4x!tpu.dma_semaphore, #tpu.memory_space<semaphore_mem>> -> memref<1x!tpu.dma_semaphore, #tpu.memory_space<semaphore_mem>>
    %dma_wait3A_130 = tpu.memref_squeeze %dma_wait3A_129 : memref<1x!tpu.dma_semaphore, #tpu.memory_space<semaphore_mem>> -> memref<!tpu.dma_semaphore, #tpu.memory_space<semaphore_mem>>
    %dma_wait3A_131 = arith.constant 0 : i32
    %dma_wait3A_132 = tpu.memref_slice %arg6[%arg0, %mul3A_2, %dma_wait3A_131] : memref<2x10240x64xf32, #tpu.memory_space<hbm>> -> memref<1x640x64xf32, #tpu.memory_space<hbm>>
    %dma_wait3A_133 = tpu.memref_squeeze %dma_wait3A_132 : memref<1x640x64xf32, #tpu.memory_space<hbm>> -> memref<640x64xf32, #tpu.memory_space<hbm>>
    %dma_wait3A_134 = arith.constant 0 : i32
    %dma_wait3A_135 = tpu.memref_slice %arg12[%mul3A_2, %dma_wait3A_134] : memref<10240x64xf32, #tpu.memory_space<vmem_shared>> -> memref<640x64xf32, #tpu.memory_space<vmem_shared>>
    tpu.wait_dma2 semaphore(%dma_wait3A_130 : memref<!tpu.dma_semaphore, #tpu.memory_space<semaphore_mem>>) src(%dma_wait3A_135 : memref<640x64xf32, #tpu.memory_space<vmem_shared>>) dst(%dma_wait3A_133 : memref<640x64xf32, #tpu.memory_space<hbm>>)
    return
  }
}

module attributes {stable_mosaic.version = 14 : i64} {
  func.func @_t1_body(%arg0: memref<10240x128xf32, #tpu.memory_space<vmem>>, %arg1: memref<128x64xf32, #tpu.memory_space<vmem>>, %arg2: memref<2x10240x8xf32, #tpu.memory_space<vmem>>, %arg3: memref<10240x64xf32, #tpu.memory_space<vmem>>, %arg4: memref<10240x8xf32, #tpu.memory_space<vmem>>) attributes {dimension_semantics = [], scalar_prefetch = 0 : i64, scratch_operands = 0 : i64, tpu.core_type = #tpu.core_type<tc>} {
    %get3A = arith.constant 0 : index
    %get3A_0 = arith.constant 0 : index
    %get3A_1 = arith.constant 0 : index
    %get3A_2 = vector.load %arg2[%get3A, %get3A_0, %get3A_1] : memref<2x10240x8xf32, #tpu.memory_space<vmem>>, vector<1x10240x1xf32>
    %get3A_3 = vector.shape_cast %get3A_2 : vector<1x10240x1xf32> to vector<10240x1xf32>
    %get3A_4 = arith.constant 1 : index
    %get3A_5 = arith.constant 0 : index
    %get3A_6 = arith.constant 0 : index
    %get3A_7 = vector.load %arg2[%get3A_4, %get3A_5, %get3A_6] : memref<2x10240x8xf32, #tpu.memory_space<vmem>>, vector<1x10240x1xf32>
    %get3A_8 = vector.shape_cast %get3A_7 : vector<1x10240x1xf32> to vector<10240x1xf32>
    %add3A = arith.addf %get3A_3, %get3A_8 : vector<10240x1xf32>
    %add3A_9 = arith.constant 1.000000e+00 : f32
    %add3A_10 = vector.broadcast %add3A_9 : f32 to vector<10240x1xf32>
    %add3A_11 = arith.addf %add3A, %add3A_10 : vector<10240x1xf32>
    %rsqrt3A = math.rsqrt %add3A_11 : vector<10240x1xf32>
    %get3A_12 = arith.constant 0 : index
    %get3A_13 = arith.constant 0 : index
    %get3A_14 = vector.load %arg0[%get3A_12, %get3A_13] : memref<10240x128xf32, #tpu.memory_space<vmem>>, vector<10240x128xf32>
    %get3A_15 = arith.constant 0 : index
    %get3A_16 = arith.constant 0 : index
    %get3A_17 = vector.load %arg1[%get3A_15, %get3A_16] : memref<128x64xf32, #tpu.memory_space<vmem>>, vector<128x64xf32>
    %dot_general3A = arith.constant dense<0.000000e+00> : vector<10240x64xf32>
    %dot_general3A_18 = tpu.matmul %get3A_14, %get3A_17, %dot_general3A {dimension_numbers = #tpu.dot_dimension_numbers<[1], [0], [0], [1], [0, 0, 1, 1], [], []>, transpose_lhs_hint = false} : vector<10240x128xf32>, vector<128x64xf32>, vector<10240x64xf32> -> vector<10240x64xf32>
    %mul3A = vector.broadcast %rsqrt3A : vector<10240x1xf32> to vector<10240x64xf32>
    %mul3A_19 = arith.mulf %mul3A, %dot_general3A_18 : vector<10240x64xf32>
    %swap3A = arith.constant 0 : index
    %swap3A_20 = arith.constant 0 : index
    %swap3A_21 = vector.load %arg3[%swap3A, %swap3A_20] : memref<10240x64xf32, #tpu.memory_space<vmem>>, vector<10240x64xf32>
    tpu.vector_store %arg3[%swap3A, %swap3A_20], %mul3A_19 {strides = array<i32>} : memref<10240x64xf32, #tpu.memory_space<vmem>>, vector<10240x64xf32>,
    %broadcast_in_dim3A = vector.shape_cast %rsqrt3A : vector<10240x1xf32> to vector<10240x1xf32>
    %broadcast_in_dim3A_22 = vector.broadcast %broadcast_in_dim3A : vector<10240x1xf32> to vector<10240x8xf32>
    %swap3A_23 = arith.constant 0 : index
    %swap3A_24 = arith.constant 0 : index
    %swap3A_25 = vector.load %arg4[%swap3A_23, %swap3A_24] : memref<10240x8xf32, #tpu.memory_space<vmem>>, vector<10240x8xf32>
    tpu.vector_store %arg4[%swap3A_23, %swap3A_24], %broadcast_in_dim3A_22 {strides = array<i32>} : memref<10240x8xf32, #tpu.memory_space<vmem>>, vector<10240x8xf32>,
    return
  }
}

module attributes {stable_mosaic.version = 14 : i64} {
  func.func @_t2_body(%arg0: memref<2x10240x64xf32, #tpu.memory_space<vmem>>, %arg1: memref<10240x64xf32, #tpu.memory_space<vmem>>, %arg2: memref<10240x8xf32, #tpu.memory_space<vmem>>, %arg3: memref<1x64xf32, #tpu.memory_space<vmem>>, %arg4: memref<64x64xf32, #tpu.memory_space<vmem>>, %arg5: memref<64x64xf32, #tpu.memory_space<vmem>>, %arg6: memref<2x10240x64xf32, #tpu.memory_space<vmem>>) attributes {dimension_semantics = [], scalar_prefetch = 0 : i64, scratch_operands = 0 : i64, tpu.core_type = #tpu.core_type<tc>} {
    %get3A = arith.constant 0 : index
    %get3A_0 = arith.constant 0 : index
    %get3A_1 = vector.load %arg2[%get3A, %get3A_0] : memref<10240x8xf32, #tpu.memory_space<vmem>>, vector<10240x1xf32>
    %get3A_2 = arith.constant 0 : index
    %get3A_3 = arith.constant 0 : index
    %get3A_4 = arith.constant 0 : index
    %get3A_5 = vector.load %arg0[%get3A_2, %get3A_3, %get3A_4] : memref<2x10240x64xf32, #tpu.memory_space<vmem>>, vector<1x10240x64xf32>
    %get3A_6 = vector.shape_cast %get3A_5 : vector<1x10240x64xf32> to vector<10240x64xf32>
    %get3A_7 = arith.constant 1 : index
    %get3A_8 = arith.constant 0 : index
    %get3A_9 = arith.constant 0 : index
    %get3A_10 = vector.load %arg0[%get3A_7, %get3A_8, %get3A_9] : memref<2x10240x64xf32, #tpu.memory_space<vmem>>, vector<1x10240x64xf32>
    %get3A_11 = vector.shape_cast %get3A_10 : vector<1x10240x64xf32> to vector<10240x64xf32>
    %add3A = arith.addf %get3A_6, %get3A_11 : vector<10240x64xf32>
    %get3A_12 = arith.constant 0 : index
    %get3A_13 = arith.constant 0 : index
    %get3A_14 = vector.load %arg1[%get3A_12, %get3A_13] : memref<10240x64xf32, #tpu.memory_space<vmem>>, vector<10240x64xf32>
    %add3A_15 = arith.addf %add3A, %get3A_14 : vector<10240x64xf32>
    %mul3A = vector.broadcast %get3A_1 : vector<10240x1xf32> to vector<10240x64xf32>
    %mul3A_16 = arith.mulf %mul3A, %add3A_15 : vector<10240x64xf32>
    %get3A_17 = arith.constant 0 : index
    %get3A_18 = arith.constant 0 : index
    %get3A_19 = vector.load %arg3[%get3A_17, %get3A_18] : memref<1x64xf32, #tpu.memory_space<vmem>>, vector<1x64xf32>
    %add3A_20 = vector.broadcast %get3A_19 : vector<1x64xf32> to vector<10240x64xf32>
    %add3A_21 = arith.addf %mul3A_16, %add3A_20 : vector<10240x64xf32>
    %max3A = arith.constant 0.000000e+00 : f32
    %max3A_22 = vector.broadcast %max3A : f32 to vector<10240x64xf32>
    %max3A_23 = arith.maximumf %add3A_21, %max3A_22 : vector<10240x64xf32>
    %get3A_24 = arith.constant 0 : index
    %get3A_25 = arith.constant 0 : index
    %get3A_26 = vector.load %arg4[%get3A_24, %get3A_25] : memref<64x64xf32, #tpu.memory_space<vmem>>, vector<64x64xf32>
    %dot_general3A = arith.constant dense<0.000000e+00> : vector<10240x64xf32>
    %dot_general3A_27 = tpu.matmul %max3A_23, %get3A_26, %dot_general3A {dimension_numbers = #tpu.dot_dimension_numbers<[1], [0], [0], [1], [0, 0, 1, 1], [], []>, transpose_lhs_hint = false} : vector<10240x64xf32>, vector<64x64xf32>, vector<10240x64xf32> -> vector<10240x64xf32>
    %mul3A_28 = vector.broadcast %get3A_1 : vector<10240x1xf32> to vector<10240x64xf32>
    %mul3A_29 = arith.mulf %mul3A_28, %dot_general3A_27 : vector<10240x64xf32>
    %swap3A = arith.constant 0 : index
    %swap3A_30 = arith.constant 0 : index
    %swap3A_31 = arith.constant 0 : index
    %swap3A_32 = vector.load %arg6[%swap3A, %swap3A_30, %swap3A_31] : memref<2x10240x64xf32, #tpu.memory_space<vmem>>, vector<1x10240x64xf32>
    %swap3A_33 = vector.shape_cast %swap3A_32 : vector<1x10240x64xf32> to vector<10240x64xf32>
    %swap3A_34 = vector.shape_cast %mul3A_29 : vector<10240x64xf32> to vector<1x10240x64xf32>
    tpu.vector_store %arg6[%swap3A, %swap3A_30, %swap3A_31], %swap3A_34 {strides = array<i32>} : memref<2x10240x64xf32, #tpu.memory_space<vmem>>, vector<1x10240x64xf32>,
    %get3A_35 = arith.constant 0 : index
    %get3A_36 = arith.constant 0 : index
    %get3A_37 = vector.load %arg5[%get3A_35, %get3A_36] : memref<64x64xf32, #tpu.memory_space<vmem>>, vector<64x64xf32>
    %dot_general3A_38 = arith.constant dense<0.000000e+00> : vector<10240x64xf32>
    %dot_general3A_39 = tpu.matmul %max3A_23, %get3A_37, %dot_general3A_38 {dimension_numbers = #tpu.dot_dimension_numbers<[1], [0], [0], [1], [0, 0, 1, 1], [], []>, transpose_lhs_hint = false} : vector<10240x64xf32>, vector<64x64xf32>, vector<10240x64xf32> -> vector<10240x64xf32>
    %mul3A_40 = vector.broadcast %get3A_1 : vector<10240x1xf32> to vector<10240x64xf32>
    %mul3A_41 = arith.mulf %mul3A_40, %dot_general3A_39 : vector<10240x64xf32>
    %swap3A_42 = arith.constant 1 : index
    %swap3A_43 = arith.constant 0 : index
    %swap3A_44 = arith.constant 0 : index
    %swap3A_45 = vector.load %arg6[%swap3A_42, %swap3A_43, %swap3A_44] : memref<2x10240x64xf32, #tpu.memory_space<vmem>>, vector<1x10240x64xf32>
    %swap3A_46 = vector.shape_cast %swap3A_45 : vector<1x10240x64xf32> to vector<10240x64xf32>
    %swap3A_47 = vector.shape_cast %mul3A_41 : vector<10240x64xf32> to vector<1x10240x64xf32>
    tpu.vector_store %arg6[%swap3A_42, %swap3A_43, %swap3A_44], %swap3A_47 {strides = array<i32>} : memref<2x10240x64xf32, #tpu.memory_space<vmem>>, vector<1x10240x64xf32>,
    return
  }
}

module attributes {stable_mosaic.version = 14 : i64} {
  func.func @_t3_body(%arg0: memref<2x10240x64xf32, #tpu.memory_space<vmem>>, %arg1: memref<2x10240x64xf32, #tpu.memory_space<vmem>>, %arg2: memref<10240x8xf32, #tpu.memory_space<vmem>>, %arg3: memref<1x64xf32, #tpu.memory_space<vmem>>, %arg4: memref<1x64xf32, #tpu.memory_space<vmem>>, %arg5: memref<64x64xf32, #tpu.memory_space<vmem>>, %arg6: memref<64x64xf32, #tpu.memory_space<vmem>>, %arg7: memref<10240x64xf32, #tpu.memory_space<vmem>>) attributes {dimension_semantics = [], scalar_prefetch = 0 : i64, scratch_operands = 0 : i64, tpu.core_type = #tpu.core_type<tc>} {
    %get3A = arith.constant 0 : index
    %get3A_0 = arith.constant 0 : index
    %get3A_1 = vector.load %arg2[%get3A, %get3A_0] : memref<10240x8xf32, #tpu.memory_space<vmem>>, vector<10240x1xf32>
    %get3A_2 = arith.constant 0 : index
    %get3A_3 = arith.constant 0 : index
    %get3A_4 = arith.constant 0 : index
    %get3A_5 = vector.load %arg0[%get3A_2, %get3A_3, %get3A_4] : memref<2x10240x64xf32, #tpu.memory_space<vmem>>, vector<1x10240x64xf32>
    %get3A_6 = vector.shape_cast %get3A_5 : vector<1x10240x64xf32> to vector<10240x64xf32>
    %get3A_7 = arith.constant 0 : index
    %get3A_8 = arith.constant 0 : index
    %get3A_9 = arith.constant 0 : index
    %get3A_10 = vector.load %arg1[%get3A_7, %get3A_8, %get3A_9] : memref<2x10240x64xf32, #tpu.memory_space<vmem>>, vector<1x10240x64xf32>
    %get3A_11 = vector.shape_cast %get3A_10 : vector<1x10240x64xf32> to vector<10240x64xf32>
    %add3A = arith.addf %get3A_6, %get3A_11 : vector<10240x64xf32>
    %mul3A = vector.broadcast %get3A_1 : vector<10240x1xf32> to vector<10240x64xf32>
    %mul3A_12 = arith.mulf %mul3A, %add3A : vector<10240x64xf32>
    %get3A_13 = arith.constant 0 : index
    %get3A_14 = arith.constant 0 : index
    %get3A_15 = vector.load %arg3[%get3A_13, %get3A_14] : memref<1x64xf32, #tpu.memory_space<vmem>>, vector<1x64xf32>
    %add3A_16 = vector.broadcast %get3A_15 : vector<1x64xf32> to vector<10240x64xf32>
    %add3A_17 = arith.addf %mul3A_12, %add3A_16 : vector<10240x64xf32>
    %max3A = arith.constant 0.000000e+00 : f32
    %max3A_18 = vector.broadcast %max3A : f32 to vector<10240x64xf32>
    %max3A_19 = arith.maximumf %add3A_17, %max3A_18 : vector<10240x64xf32>
    %get3A_20 = arith.constant 1 : index
    %get3A_21 = arith.constant 0 : index
    %get3A_22 = arith.constant 0 : index
    %get3A_23 = vector.load %arg0[%get3A_20, %get3A_21, %get3A_22] : memref<2x10240x64xf32, #tpu.memory_space<vmem>>, vector<1x10240x64xf32>
    %get3A_24 = vector.shape_cast %get3A_23 : vector<1x10240x64xf32> to vector<10240x64xf32>
    %get3A_25 = arith.constant 1 : index
    %get3A_26 = arith.constant 0 : index
    %get3A_27 = arith.constant 0 : index
    %get3A_28 = vector.load %arg1[%get3A_25, %get3A_26, %get3A_27] : memref<2x10240x64xf32, #tpu.memory_space<vmem>>, vector<1x10240x64xf32>
    %get3A_29 = vector.shape_cast %get3A_28 : vector<1x10240x64xf32> to vector<10240x64xf32>
    %add3A_30 = arith.addf %get3A_24, %get3A_29 : vector<10240x64xf32>
    %mul3A_31 = vector.broadcast %get3A_1 : vector<10240x1xf32> to vector<10240x64xf32>
    %mul3A_32 = arith.mulf %mul3A_31, %add3A_30 : vector<10240x64xf32>
    %get3A_33 = arith.constant 0 : index
    %get3A_34 = arith.constant 0 : index
    %get3A_35 = vector.load %arg4[%get3A_33, %get3A_34] : memref<1x64xf32, #tpu.memory_space<vmem>>, vector<1x64xf32>
    %add3A_36 = vector.broadcast %get3A_35 : vector<1x64xf32> to vector<10240x64xf32>
    %add3A_37 = arith.addf %mul3A_32, %add3A_36 : vector<10240x64xf32>
    %max3A_38 = arith.constant 0.000000e+00 : f32
    %max3A_39 = vector.broadcast %max3A_38 : f32 to vector<10240x64xf32>
    %max3A_40 = arith.maximumf %add3A_37, %max3A_39 : vector<10240x64xf32>
    %get3A_41 = arith.constant 0 : index
    %get3A_42 = arith.constant 0 : index
    %get3A_43 = vector.load %arg5[%get3A_41, %get3A_42] : memref<64x64xf32, #tpu.memory_space<vmem>>, vector<64x64xf32>
    %dot_general3A = arith.constant dense<0.000000e+00> : vector<10240x64xf32>
    %dot_general3A_44 = tpu.matmul %max3A_19, %get3A_43, %dot_general3A {dimension_numbers = #tpu.dot_dimension_numbers<[1], [0], [0], [1], [0, 0, 1, 1], [], []>, transpose_lhs_hint = false} : vector<10240x64xf32>, vector<64x64xf32>, vector<10240x64xf32> -> vector<10240x64xf32>
    %get3A_45 = arith.constant 0 : index
    %get3A_46 = arith.constant 0 : index
    %get3A_47 = vector.load %arg6[%get3A_45, %get3A_46] : memref<64x64xf32, #tpu.memory_space<vmem>>, vector<64x64xf32>
    %dot_general3A_48 = arith.constant dense<0.000000e+00> : vector<10240x64xf32>
    %dot_general3A_49 = tpu.matmul %max3A_40, %get3A_47, %dot_general3A_48 {dimension_numbers = #tpu.dot_dimension_numbers<[1], [0], [0], [1], [0, 0, 1, 1], [], []>, transpose_lhs_hint = false} : vector<10240x64xf32>, vector<64x64xf32>, vector<10240x64xf32> -> vector<10240x64xf32>
    %add3A_50 = arith.addf %dot_general3A_44, %dot_general3A_49 : vector<10240x64xf32>
    %mul3A_51 = vector.broadcast %get3A_1 : vector<10240x1xf32> to vector<10240x64xf32>
    %mul3A_52 = arith.mulf %mul3A_51, %add3A_50 : vector<10240x64xf32>
    %swap3A = arith.constant 0 : index
    %swap3A_53 = arith.constant 0 : index
    %swap3A_54 = vector.load %arg7[%swap3A, %swap3A_53] : memref<10240x64xf32, #tpu.memory_space<vmem>>, vector<10240x64xf32>
    tpu.vector_store %arg7[%swap3A, %swap3A_53], %mul3A_52 {strides = array<i32>} : memref<10240x64xf32, #tpu.memory_space<vmem>>, vector<10240x64xf32>,
    return
  }
}

module attributes {stable_mosaic.version = 14 : i64} {
  func.func @_t4_body(%arg0: memref<2x10240x64xf32, #tpu.memory_space<vmem>>, %arg1: memref<10240x64xf32, #tpu.memory_space<vmem>>, %arg2: memref<10240x8xf32, #tpu.memory_space<vmem>>, %arg3: memref<1x64xf32, #tpu.memory_space<vmem>>, %arg4: memref<1x10240xi32, #tpu.memory_space<vmem>>, %arg5: memref<64x1xf32, #tpu.memory_space<vmem>>, %arg6: memref<1x1xf32, #tpu.memory_space<vmem>>, %arg7: memref<64x1xf32, #tpu.memory_space<vmem>>) attributes {dimension_semantics = [], scalar_prefetch = 0 : i64, scratch_operands = 0 : i64, tpu.core_type = #tpu.core_type<tc>} {
    %get3A = arith.constant 0 : index
    %get3A_0 = arith.constant 0 : index
    %get3A_1 = vector.load %arg2[%get3A, %get3A_0] : memref<10240x8xf32, #tpu.memory_space<vmem>>, vector<10240x1xf32>
    %get3A_2 = arith.constant 0 : index
    %get3A_3 = arith.constant 0 : index
    %get3A_4 = arith.constant 0 : index
    %get3A_5 = vector.load %arg0[%get3A_2, %get3A_3, %get3A_4] : memref<2x10240x64xf32, #tpu.memory_space<vmem>>, vector<1x10240x64xf32>
    %get3A_6 = vector.shape_cast %get3A_5 : vector<1x10240x64xf32> to vector<10240x64xf32>
    %get3A_7 = arith.constant 1 : index
    %get3A_8 = arith.constant 0 : index
    %get3A_9 = arith.constant 0 : index
    %get3A_10 = vector.load %arg0[%get3A_7, %get3A_8, %get3A_9] : memref<2x10240x64xf32, #tpu.memory_space<vmem>>, vector<1x10240x64xf32>
    %get3A_11 = vector.shape_cast %get3A_10 : vector<1x10240x64xf32> to vector<10240x64xf32>
    %add3A = arith.addf %get3A_6, %get3A_11 : vector<10240x64xf32>
    %get3A_12 = arith.constant 0 : index
    %get3A_13 = arith.constant 0 : index
    %get3A_14 = vector.load %arg1[%get3A_12, %get3A_13] : memref<10240x64xf32, #tpu.memory_space<vmem>>, vector<10240x64xf32>
    %add3A_15 = arith.addf %add3A, %get3A_14 : vector<10240x64xf32>
    %mul3A = vector.broadcast %get3A_1 : vector<10240x1xf32> to vector<10240x64xf32>
    %mul3A_16 = arith.mulf %mul3A, %add3A_15 : vector<10240x64xf32>
    %get3A_17 = arith.constant 0 : index
    %get3A_18 = arith.constant 0 : index
    %get3A_19 = vector.load %arg3[%get3A_17, %get3A_18] : memref<1x64xf32, #tpu.memory_space<vmem>>, vector<1x64xf32>
    %add3A_20 = vector.broadcast %get3A_19 : vector<1x64xf32> to vector<10240x64xf32>
    %add3A_21 = arith.addf %mul3A_16, %add3A_20 : vector<10240x64xf32>
    %max3A = arith.constant 0.000000e+00 : f32
    %max3A_22 = vector.broadcast %max3A : f32 to vector<10240x64xf32>
    %max3A_23 = arith.maximumf %add3A_21, %max3A_22 : vector<10240x64xf32>
    %iota3A = tpu.iota {dimensions = array<i32: 0>} : vector<64x10240xi32>
    %get3A_24 = arith.constant 0 : index
    %get3A_25 = arith.constant 0 : index
    %get3A_26 = vector.load %arg4[%get3A_24, %get3A_25] : memref<1x10240xi32, #tpu.memory_space<vmem>>, vector<1x10240xi32>
    %eq3A = vector.broadcast %get3A_26 : vector<1x10240xi32> to vector<64x10240xi32>
    %eq3A_27 = arith.cmpi eq, %eq3A, %iota3A : vector<64x10240xi32>
    %convert_element_type3A = arith.extui %eq3A_27 : vector<64x10240xi1> to vector<64x10240xi32>
    %convert_element_type3A_28 = arith.sitofp %convert_element_type3A : vector<64x10240xi32> to vector<64x10240xf32>
    %reduce_sum3A = arith.constant dense<0.000000e+00> : vector<64xf32>
    %reduce_sum3A_29 = vector.multi_reduction <add>, %convert_element_type3A_28, %reduce_sum3A [1] : vector<64x10240xf32> to vector<64xf32>
    %broadcast_in_dim3A = vector.shape_cast %reduce_sum3A_29 : vector<64xf32> to vector<64x1xf32>
    %dot_general3A = arith.constant dense<0.000000e+00> : vector<64x64xf32>
    %dot_general3A_30 = tpu.matmul %convert_element_type3A_28, %max3A_23, %dot_general3A {dimension_numbers = #tpu.dot_dimension_numbers<[1], [0], [0], [1], [0, 0, 1, 1], [], []>, transpose_lhs_hint = false} : vector<64x10240xf32>, vector<10240x64xf32>, vector<64x64xf32> -> vector<64x64xf32>
    %max3A_31 = arith.constant 1.000000e+00 : f32
    %max3A_32 = vector.broadcast %max3A_31 : f32 to vector<64x1xf32>
    %max3A_33 = arith.maximumf %broadcast_in_dim3A, %max3A_32 : vector<64x1xf32>
    %div3A = vector.broadcast %max3A_33 : vector<64x1xf32> to vector<64x64xf32>
    %div3A_34 = arith.divf %dot_general3A_30, %div3A : vector<64x64xf32>
    %get3A_35 = arith.constant 0 : index
    %get3A_36 = arith.constant 0 : index
    %get3A_37 = vector.load %arg5[%get3A_35, %get3A_36] : memref<64x1xf32, #tpu.memory_space<vmem>>, vector<64x1xf32>
    %dot_general3A_38 = arith.constant dense<0.000000e+00> : vector<64x1xf32>
    %dot_general3A_39 = tpu.matmul %div3A_34, %get3A_37, %dot_general3A_38 {dimension_numbers = #tpu.dot_dimension_numbers<[1], [0], [0], [1], [0, 0, 1, 1], [], []>, transpose_lhs_hint = false} : vector<64x64xf32>, vector<64x1xf32>, vector<64x1xf32> -> vector<64x1xf32>
    %get3A_40 = arith.constant 0 : index
    %get3A_41 = arith.constant 0 : index
    %get3A_42 = vector.load %arg6[%get3A_40, %get3A_41] : memref<1x1xf32, #tpu.memory_space<vmem>>, vector<1x1xf32>
    %add3A_43 = vector.broadcast %get3A_42 : vector<1x1xf32> to vector<64x1xf32>
    %add3A_44 = arith.addf %dot_general3A_39, %add3A_43 : vector<64x1xf32>
    %swap3A = arith.constant 0 : index
    %swap3A_45 = arith.constant 0 : index
    %swap3A_46 = vector.load %arg7[%swap3A, %swap3A_45] : memref<64x1xf32, #tpu.memory_space<vmem>>, vector<64x1xf32>
    tpu.vector_store %arg7[%swap3A, %swap3A_45], %add3A_44 {strides = array<i32>} : memref<64x1xf32, #tpu.memory_space<vmem>>, vector<64x1xf32>,
    return
  }
}

</mosaic_0001>

<sc_bundles>
// kernel: kernel.10.cloned.1.call-start
scs
__scs_entry_jumppad:
0x0: {  	(pc) =	sbr.rel $0x88, $3  }
0x1: {  	(tag) =	ssettag $0x0;
	lr =	simm.s32 $0x1  }
0x2: {  	[smem:$0x3F96] =	sst lr;
	_ =	strace $0xD0000000  }
0x3: {  	_ = 	snop  }
0x4: {  	_ = 	snop  }
0x5: {  	_ = 	snop  }
0x6: {  	_ = 	snop  }
0x7: {  	_ = 	snop  }
__scs_overlays_trampoline_lowered:
0x8: {  	[smem:$0x3FA5] =	sst s0  }
0x9: {  	[smem:$0x3FA6] =	sst s1  }
0xa: {  	[smem:$0x3FA7] =	sst s2  }
0xb: {  	[smem:$0x3FA8] =	sst s3  }
0xc: {  	[smem:$0x3FA9] =	sst s4  }
0xd: {  	[smem:$0x3FAA] =	sst s5  }
0xe: {  	[smem:$0x3FAB] =	sst s6  }
0xf: {  	[smem:$0x3FAC] =	sst s7  }
0x10: {  	[smem:$0x3FAD] =	sst s8  }
0x11: {  	[smem:$0x3FAE] =	sst s9;
	s0 =	simm.s32 @!p0 $0x0  }
0x12: {  	s1 =	sld [smem:$0x3F94];
	s0 =	simm.s32 @p0 $0x1  }
0x13: {  	[smem:$0x3FAF] =	sst s0;
	s0 =	simm.s32 @!p1 $0x0  }
0x14: {  	s2 =	sld [smem:$0x3F93];
	s0 =	simm.s32 @p1 $0x1  }
0x15: {  	[smem:$0x3FB0] =	sst s0;
	s0 =	simm.s32 @!p2 $0x0  }
0x16: {  	s3 =	sld [smem:$0x3FDB];
	s0 =	simm.s32 @p2 $0x1  }
0x17: {  	s4 =	simm.s32 $0x1BF5;
	[smem:$0x3FB2] =	sst s0  }
0x18: {  	s0 =	sld [smem:$0x3F95];
	_ =	swait.ge [sflag:s4], $0x0  }
0x19: {  	s7 =	sld [smem:$0x3F96]  }
0x1a: {  	s8 =	sadd.s32 $0xFFFFE003, lr  }
0x1b: {  	s9 =	sadd.s32 $0xFFFFFEF7, lr;
	s5 =	simm.s32 $0xFFFFFFFF;
	p2 =	slt.u32 s8, $0xFFFFF086  }
0x1c: {  	p1 =	slt.u32 s9, $0xF7A;
	s5 =	simm.s32 @!p2 $0x0  }
0x1d: {  	s5 =	simm.s32 @p1 $0x1;
	p0 =	seq.s32 s7, s2  }
0x1e: {  	s7 =	smul.u32 @!p0 $0xF7A, s2;
	p2 =	seq.s32 @!p0 s5, $0x0  }
0x1f: {  	s9 =	smul.u32 $0xF7A, s1;
	s8 =	simm.s32 @!p0 $0x1BF5;
	p2 =	por !p2, p0  }
0x20: {  	[sflag:s8] =	ssyncset.s32 @!p0 $0xFFFFF086;
	s6 =	sadd.s32 @!p0 s3, s7;
	s7 =	simm.s32 @!p0 $0x108  }
0x21: {  	s3 =	sadd.s32 s3, s9;
	s6 =	sadd.s32 @!p0 $0x88, s6;
	s7 =	simm.s32 @p2 $0x1082  }
0x22: {  	[simem:s7], [sflag:s8] =	dma.local @!p0 [hbm:s6], $0xF7A  }
0x23: {  	s9 =	sor.u32 $0xD0000000, s2;
	s6 =	simm.s32 $0x108;
	_ =	swait.ge @!p0 [sflag:s8], $0x0  }
0x24: {  	s3 =	sadd.s32 $0x88, s3;
	s6 =	simm.s32 @!p1 $0x1082;
	[sflag:s4] =	ssyncset.s32 $0xFFFFF086  }
0x25: {  	[simem:s6], [sflag:s4] =	dma.local [hbm:s3], $0xF7A  }
0x26: {  	[smem:$0x3F96] =	sst s1;
	(tag) =	ssettag s2;
	_ =	strace s9  }
0x27: {  	s1 =	sld [smem:$0x3FA6]  }
0x28: {  	s2 =	sld [smem:$0x3FA7]  }
0x29: {  	s4 =	sld [smem:$0x3FA9]  }
0x2a: {  	p0 =	seq.s32 s5, $0x0;
	s5 =	sld [smem:$0x3FAA]  }
0x2b: {  	s6 =	sld [smem:$0x3FAB]  }
0x2c: {  	s7 =	sld [smem:$0x3FAC]  }
0x2d: {  	s3 =	simm.s32 $0x108;
	s8 =	sld [smem:$0x3FAD]  }
0x2e: {  	s3 =	simm.s32 @!p0 $0x1082;
	s9 =	sld [smem:$0x3FAE]  }
0x2f: {  	lr =	sadd.s32 s0, s3;
	s0 =	sld [smem:$0x3FA5]  }
0x30: {  	s3 =	sld [smem:$0x3FA8]  }
0x31: {  	[smem:$0x3FB1] =	sst s10  }
0x32: {  	s10 =	sld [smem:$0x3FAF];
	_ =	sdelay $0x3  }
0x33: {  	p0 =	seq.s32 s10, $0x1;
	s10 =	sld [smem:$0x3FB1];
	_ =	sdelay $0x3  }
0x34: {  	[smem:$0x3FB1] =	sst s10  }
0x35: {  	s10 =	sld [smem:$0x3FB0];
	_ =	sdelay $0x3  }
0x36: {  	p1 =	seq.s32 s10, $0x1;
	s10 =	sld [smem:$0x3FB1];
	_ =	sdelay $0x3  }
0x37: {  	[smem:$0x3FB1] =	sst s10  }
0x38: {  	s10 =	sld [smem:$0x3FB2]  }
0x39: {  	_ = 	snop;
	(pc) =	sbr.ind lr, $3  }
0x3a: {  	_ = 	snop  }
0x3b: {  	_ = 	snop  }
0x3c: {  	p2 =	seq.s32 s10, $0x1;
	s10 =	sld [smem:$0x3FB1]  }
0x3d: {  	_ =	shalt  }
0x3e: {  	_ =	shalt  }
0x3f: {  	_ =	shalt  }
0x40: {  	_ =	shalt  }
0x41: {  	_ =	shalt  }
0x42: {  	_ =	shalt  }
0x43: {  	_ =	shalt  }
0x44: {  	_ =	shalt  }
0x45: {  	_ =	shalt  }
0x46: {  	_ =	shalt  }
0x47: {  	_ =	shalt  }
0x48: {  	_ =	shalt  }
0x49: {  	_ =	shalt  }
0x4a: {  	_ =	shalt  }
0x4b: {  	_ =	shalt  }
0x4c: {  	_ =	shalt  }
0x4d: {  	_ =	shalt  }
0x4e: {  	_ =	shalt  }
0x4f: {  	_ =	shalt  }
0x50: {  	_ =	shalt  }
0x51: {  	_ =	shalt  }
0x52: {  	_ =	shalt  }
0x53: {  	_ =	shalt  }
0x54: {  	_ =	shalt  }
0x55: {  	_ =	shalt  }
0x56: {  	_ =	shalt  }
0x57: {  	_ =	shalt  }
0x58: {  	_ =	shalt  }
0x59: {  	_ =	shalt  }
0x5a: {  	_ =	shalt  }
0x5b: {  	_ =	shalt  }
0x5c: {  	_ =	shalt  }
0x5d: {  	_ =	shalt  }
0x5e: {  	_ =	shalt  }
0x5f: {  	_ =	shalt  }
0x60: {  	_ =	shalt  }
0x61: {  	_ =	shalt  }
0x62: {  	_ =	shalt  }
0x63: {  	_ =	shalt  }
0x64: {  	_ =	shalt  }
0x65: {  	_ =	shalt  }
0x66: {  	_ =	shalt  }
0x67: {  	_ =	shalt  }
0x68: {  	_ =	shalt  }
0x69: {  	_ =	shalt  }
0x6a: {  	_ =	shalt  }
0x6b: {  	_ =	shalt  }
0x6c: {  	_ =	shalt  }
0x6d: {  	_ =	shalt  }
0x6e: {  	_ =	shalt  }
0x6f: {  	_ =	shalt  }
0x70: {  	_ =	shalt  }
0x71: {  	_ =	shalt  }
0x72: {  	_ =	shalt  }
0x73: {  	_ =	shalt  }
0x74: {  	_ =	shalt  }
0x75: {  	_ =	shalt  }
0x76: {  	_ =	shalt  }
0x77: {  	_ =	shalt  }
0x78: {  	_ =	shalt  }
0x79: {  	_ =	shalt  }
0x7a: {  	_ =	shalt  }
0x7b: {  	_ =	shalt  }
0x7c: {  	_ =	shalt  }
0x7d: {  	_ =	shalt  }
0x7e: {  	_ =	shalt  }
0x7f: {  	_ =	shalt  }
0x80: {  	_ =	shalt  }
0x81: {  	_ =	shalt  }
0x82: {  	_ =	shalt  }
0x83: {  	_ =	shalt  }
0x84: {  	_ =	shalt  }
0x85: {  	_ =	shalt  }
0x86: {  	_ =	shalt  }
0x87: {  	_ =	shalt  }
.Lfunc_end0:
.L_simem_size_0:
called_computation_lowered:
.L_overlay_start_0:
0x88: {  	s2 =	sld [smem:$0x3FD9]  }
0x89: {  	s3 =	sld [smem:$0x3FFE];
	_ =	sdelay $0x1  }
0x8a: {  	s1 =	srdreg.scid  }
0x8b: {  	s0 =	sand.u32 $0x1, s1  }
0x8c: {  	s16 =	sshll.u32 s0, $0xA;
	s2 =	sadd.s32 s3, s2  }
0x8d: {  	s2 =	sadd.s32 s2, s16  }
0x8e: {  	[smem:$0x3FBD] =	sst s2  }
0x8f: {  	_ = 	snop  }
0x90: {  	(tm) =	ssettm $0x1  }
0x91: {  	s17 =	sld [smem:$0x3FFB];
	_ =	sdelay $0x3  }
0x92: {  	_ =	strace s17  }
0x93: {  	s2 =	sld [smem:$0x3FFC];
	_ =	sdelay $0x3  }
0x94: {  	_ =	strace s2  }
0x95: {  	s2 =	sld [smem:$0x3FFD];
	_ =	sdelay $0x3  }
0x96: {  	_ =	strace s2  }
0x97: {  	_ =	strace $0x8FFFFFFF  }
0x98: {  	s18 =	sld [smem:$0x3FDB];
	_ =	sdelay $0x1  }
0x99: {  	s19 =	simm.s32 $_scs_section_size  }
0x9a: {  	s4 =	simm.s32 $_size__tile_overlayer_lowered;
	s5 =	simm.s32 $_tile_overlayer_lowered  }
0x9b: {  	s22 =	simm.s32 $0x1BFF;
	s21 =	sshll.u32 s5, $0x1;
	s2 =	sadd.s32 s19, s18  }
0x9c: {  	s6 =	simm.s32 $0x0;
	s20 =	sshll.u32 s4, $0x1;
	s4 =	sadd.s32 s21, s2  }
0x9d: {  	[timem:s6], [sflag:s22] =	dma.local [hbm:s4], s20  }
0x9e: {  	_ =	swait.ge [sflag:s22], s20  }
0x9f: {  	s3 =	ssub.s32 $0x0, s20;
	[sflag:s22] =	ssyncset.done $0x0  }
0xa0: {  	[sflag:s22] =	ssyncadd.s32 s3;
	_ =	sdelay $0x1  }
0xa1: {  	s23 =	simm.s32 $0x1B8B  }
0xa2: {  	_ =	swait.ge [sflag:s23], $0x1  }
0xa3: {  	[sflag:s23] =	ssyncset.done $0x0  }
0xa4: {  	s25 =	simm.s32 $0x1B8E;
	s24 =	sld [smem:$0x3FFE];
	[sflag:s23] =	ssyncadd.s32 $0xFFFFFFFF  }
0xa5: {  	s26 =	simm.s32 $execute0_lowered;
	[smem:$0x3FD2] =	sst s25  }
0xa6: {  	s4 =	sshll.u32 s26, $0x1;
	_ =	strace $0x80000046;
	[dreg:$0x1] =	wrdreg $0xFFFFFFFF  }
0xa7: {  	s28 =	simm.s32 $_size_execute0_lowered;
	s2 =	sadd.s32 s2, s4;
	[dreg:$0x0] =	wrdreg $0x0  }
0xa8: {  	s4 =	sshll.u32 s28, $0x1;
	[dreg:$0x2] =	wrdreg s2  }
0xa9: {  	[dreg:$0x3] =	wrdreg s4  }
0xaa: {  	[dreg:$0x4] =	wrdreg $0xC0  }
0xab: {  	_ =	task [dreg:s6], $0x5FFFF  }
0xac: {  	[dreg:$0x1] =	wrdreg $0xFFFFFFFF  }
0xad: {  	[dreg:$0x0] =	wrdreg $0x60  }
0xae: {  	[dreg:$0x2] =	wrdreg s24  }
0xaf: {  	[dreg:$0x3] =	wrdreg $0x2C000  }
0xb0: {  	[dreg:$0x4] =	wrdreg $0x9  }
0xb1: {  	_ =	task.clear_ibuf [dreg:s6], $0x5FFFF;
	_ =	strace $0x90000046  }
0xb2: {  	s29 =	simm.s32 $0x9;
	_ =	strace $0x80000048  }
0xb3: {  	_ =	swait.ge [sflag:s29], $0x1  }
0xb4: {  	[sflag:s29] =	ssyncadd.s32 $0xFFFFFFFF  }
0xb5: {  	_ =	strace $0x90000048  }
0xb6: {  	_ =	sfence  }
0xb7: {  	s30 =	sld [smem:$0x0];
	_ =	sdelay $0x2  }
0xb8: {  	s31 =	sshll.u32 s1, $0xD;
	s1 =	sshrl.u32 s1, $0x2  }
0xb9: {  	s3 =	sand.u32 $0x4000, s31;
	s1 =	sadd.s32 s1, s30  }
0xba: {  	s0 =	sor.u32 s3, s0;
	s1 =	sshll.u32 s1, $0x11  }
0xbb: {  	s0 =	sor.u32 s1, s0  }
0xbc: {  	s0 =	sadd.s32 $0x8F2B, s0  }
0xbd: {  	[sflag:s0] =	ssyncadd.remote.s32 $0x1  }
0xbe: {  	_ =	sfence.sel $0xFFFF  }
0xbf: {  	[dreg:$0x0] =	wrdreg $0xFFFFFFFF;
	(pc) =	sbr.abs _section_cstart, $3  }
0xc0: {  	[dreg:$0x1] =	wrdreg $0xFFFFFFFF  }
0xc1: {  	_ =	task.clear_ibuf [dreg:s6], $0x2FFFF;
	_ =	strace $0x9FFFFFFF  }
0xc2: {  	(tm) =	ssettm $0x7FFFFFFF  }
0xc3: {  	_ =	shalt  }
tec
execute0_lowered:
.L_overlay_start_1:
0x0: {  	(tag) =	ssettag $0x1  }
0x1: {  	s6 =	rddreg [dreg:$0x0]  }
0x2: {  	s0 =	srdreg.scid;
	s2 =	rddreg [dreg:$0x1]  }
0x3: {  	s3 =	simm.s32 $0x0;
	s13 =	simm.s32 $0x1;
	s14 =	simm.s32 $0x2  }
0x4: {  	s15 =	simm.s32 $0x80;
	s5 =	sand.u32 $0x1, s0;
	s0 =	stileid.u32  }
0x5: {  	s16 =	simm.s32 $0x0;
	[smem:$0x7FF] =	sst s3;
	s7 =	smul.u32 $0x1400, s0  }
0x6: {  	s1 =	sshll.u32 s5, $0x4;
	s8 =	smul.u32 $0x14000, s5;
	s10 =	ssub.s32 $0x2, s5  }
0x7: {  	s5 =	sadd.s32 $0x17A00, s6;
	s31 =	sshll.u32 s0, $0x6;
	s1 =	sor.u32 s0, s1  }
0x8: {  	s11 =	sshrl.u32 s10, $0x1;
	s4 =	smul.u32 $0x500, s1;
	s1 =	rddreg [dreg:$0x2]  }
0x9: {  	_ =	strace $0x80000047;
	s8 =	sadd.s32 s7, s8;
	s10 =	ssub.s32 s10, s11  }
0xa: {  	s12 =	sadd.s32 s7, s2;
	s7 =	sor.u32 $0x1C01, s31;
	s8 =	sshrl.u32 s8, $0x3  }
0xb: {  	s11 =	simm.s32 $0x2800;
	s9 =	sadd.s32 s4, s6;
	s8 =	sadd.s32 s8, s6  }
0xc: {  	s4 =	sadd.s32 $0x17E00, s6;
	s6 =	sadd.s32 $0xDA00, s9;
	s8 =	sadd.s32 $0x18000, s8  }
0xd: {  	s9 =	smax.u32 s10, $0x1;
	s10 =	sshrl.u32 s12, $0x3;
	s12 =	simm.s32 $0x3  }
.LBB2_1:
0xe: {  	[tilespmem:s3], [sflag:$0x2] =	stream.linear.gather [hbm4b:s6+s3], $0x2800, $0x38;
	[tilespmem:$0x4000] =	vst v63  }
0xf: {  	[spmem:s10], [sflag:s7] =	dma.local [hbm:s5], $0x280  }
0x10: {  	[tilespmem:s11], [sflag:$0x3] =	stream.linear.gather [hbm4b:s4+s3], $0x400, $0x38;
	[tilespmem:$0x4000] =	vst v63  }
0x11: {  	_ =	swait.ge [sflag:s12], $0x400  }
0x12: {  	[sflag:s12] =	ssyncset.done $0x0  }
0x13: {  	[sflag:s12] =	ssyncadd.s32 $0xFFFFFC00  }
0x14: {  	_ =	swait.ge [sflag:s13], $0x280  }
0x15: {  	[sflag:s13] =	ssyncset.done $0x0  }
0x16: {  	[sflag:s13] =	ssyncadd.s32 $0xFFFFFD80  }
0x17: {  	_ =	swait.ge [sflag:s14], $0x2800  }
0x18: {  	[sflag:s14] =	ssyncset.done $0x0  }
0x19: {  	p0 =	por $0x1, $0x1;
	[sflag:s14] =	ssyncadd.s32 $0xFFFFD800  }
0x1a: {  	s19 =	simm.s32 @!p0 $0x2;
	[bflag:$0x0] =	sbarrier.arrive $0xFFFF  }
0x1b: {  	[spmem:s2] =	stream.indirect.scatter.add.f32 [tilespmem:s11], [sflag:$0x2], $0x8, s3, s15, $0xb8;
	[tilespmem:$0x4000] =	vst v63  }
0x1c: {  	_ =	swait.ge @!p0 [sflag:s19], $0x400  }
0x1d: {  	s17 =	simm.s32 $0x1;
	s18 =	simm.s32 $0x0;
	[sflag:s19] =	ssyncset.done @!p0 $0x0  }
.LBB2_2:
0x1e: {  	[sflag:s19] =	ssyncadd.s32 @!p0 $0xFFFFFC00  }
0x1f: {  	s18 =	sadd.s32 $0x80, s18;
	s19 =	smov.u32 s17;
	s17 =	sadd.s32 $0x1, s17  }
0x20: {  	p1 =	sne.s32 s17, $0x50  }
0x21: {  	[spmem:s2] =	stream.indirect.scatter.add.f32 [tilespmem:s11], [sflag:$0x2], $0x8, s18, s15, $0xb8;
	[tilespmem:$0x4000] =	vst v63  }
.Ltmp0:
0x22: {  	_ = 	snop;
	(pc) =	sbr.rel @p1 .LBB2_2-.Ltmp0, $4  }
0x23: {  	p0 =	slt.u32 s19, $0x8  }
0x24: {  	s19 =	simm.s32 @!p0 $0x2  }
0x25: {  	_ =	swait.ge @!p0 [sflag:s19], $0x400  }
0x26: {  	[sflag:s19] =	ssyncset.done @!p0 $0x0  }
0x27: {  	[sflag:s19] =	ssyncadd.s32 @!p0 $0xFFFFFC00  }
0x28: {  	_ =	swait.ge [sflag:s14], $0x400  }
0x29: {  	[sflag:s14] =	ssyncset.done $0x0  }
0x2a: {  	[sflag:s14] =	ssyncadd.s32 $0xFFFFFC00  }
0x2b: {  	_ =	swait.ge [sflag:s14], $0x400  }
0x2c: {  	[sflag:s14] =	ssyncset.done $0x0  }
0x2d: {  	[sflag:s14] =	ssyncadd.s32 $0xFFFFFC00  }
0x2e: {  	_ =	swait.ge [sflag:s14], $0x400  }
0x2f: {  	[sflag:s14] =	ssyncset.done $0x0  }
0x30: {  	[sflag:s14] =	ssyncadd.s32 $0xFFFFFC00  }
0x31: {  	_ =	swait.ge [sflag:s14], $0x400  }
0x32: {  	[sflag:s14] =	ssyncset.done $0x0  }
0x33: {  	[sflag:s14] =	ssyncadd.s32 $0xFFFFFC00  }
0x34: {  	_ =	swait.ge [sflag:s14], $0x400  }
0x35: {  	[sflag:s14] =	ssyncset.done $0x0  }
0x36: {  	[sflag:s14] =	ssyncadd.s32 $0xFFFFFC00  }
0x37: {  	_ =	swait.ge [sflag:s14], $0x400  }
0x38: {  	[sflag:s14] =	ssyncset.done $0x0  }
0x39: {  	[sflag:s14] =	ssyncadd.s32 $0xFFFFFC00  }
0x3a: {  	_ =	swait.ge [sflag:s14], $0x400  }
0x3b: {  	[sflag:s14] =	ssyncset.done $0x0  }
0x3c: {  	[sflag:s14] =	ssyncadd.s32 $0xFFFFFC00  }
0x3d: {  	_ =	swait.ge [sflag:s14], $0x400  }
0x3e: {  	s16 =	sadd.s32 $0x1, s16;
	[sflag:s14] =	ssyncset.done $0x0  }
0x3f: {  	p0 =	sne.s32 s16, s9;
	[sflag:s14] =	ssyncadd.s32 $0xFFFFFC00  }
.Ltmp1:
0x40: {  	[bflag:$0x0] =	sbarrier.arrive $0xFFFF;
	(pc) =	sbr.rel @p0 .LBB2_1-.Ltmp1, $4  }
0x41: {  	[hbm:s8], [sflag:s7] =	dma.local [spmem:s10], $0x280  }
0x42: {  	_ =	swait.ge [sflag:s13], $0x280  }
0x43: {  	[sflag:s13] =	ssyncset.done $0x0  }
0x44: {  	[sflag:s13] =	ssyncadd.s32 $0xFFFFFD80  }
0x45: {  	_ =	sfence.sel $0x180000  }
0x46: {  	[bflag:$0x0] =	sbarrier.arrive $0xFFFF  }
0x47: {  	p0 =	sne.s32 s0, $0x0;
	_ =	strace $0x90000047  }
0x48: {  	s0 =	sadd.s32 @!p0 $0x100000, s1;
	[bflag:$0x2] =	sbarrier.arrive $0xFFFF  }
0x49: {  	[sflag:s0] =	ssyncadd.tile.s32 @!p0 $0x1;
	_ =	shalt  }
.Lfunc_end2:
_tile_overlayer_lowered:
.L_overlay_start_2:
0x4a: {  	(tag) =	ssettag $0x2  }
0x4b: {  	s0 =	rddreg [dreg:$0x0];
	s2 =	stileid.u32  }
0x4c: {  	s1 =	rddreg [dreg:$0x1];
	p0 =	sne.s32 s2, $0x0  }
0x4d: {  	s3 =	rddreg [dreg:$0x2];
	[bflag:$0x3] =	sbarrier.arrive $0xFFFF;
	s2 =	simm.s32 @!p0 $0x1C03  }
0x4e: {  	[timem:s3], [sflag:s2] =	dma.local @!p0 [hbm:s0], s1  }
0x4f: {  	s0 =	simm.s32 @!p0 $0x3  }
0x50: {  	_ =	swait.ge @!p0 [sflag:s0], s1  }
0x51: {  	s1 =	ssub.s32 @!p0 $0x0, s1;
	[sflag:s0] =	ssyncset.done @!p0 $0x0  }
0x52: {  	[sflag:s0] =	ssyncadd.s32 @!p0 s1  }
0x53: {  	[bflag:$0x3] =	sbarrier.arrive $0xFFFF  }
0x54: {  	_ =	shalt  }

// kernel: kernel.13.cloned.1.call-start
scs
__scs_entry_jumppad:
0x0: {  	(pc) =	sbr.rel $0x88, $3  }
0x1: {  	(tag) =	ssettag $0x0;
	lr =	simm.s32 $0x1  }
0x2: {  	[smem:$0x3F96] =	sst lr;
	_ =	strace $0xD0000000  }
0x3: {  	_ = 	snop  }
0x4: {  	_ = 	snop  }
0x5: {  	_ = 	snop  }
0x6: {  	_ = 	snop  }
0x7: {  	_ = 	snop  }
__scs_overlays_trampoline_lowered:
0x8: {  	[smem:$0x3FA5] =	sst s0  }
0x9: {  	[smem:$0x3FA6] =	sst s1  }
0xa: {  	[smem:$0x3FA7] =	sst s2  }
0xb: {  	[smem:$0x3FA8] =	sst s3  }
0xc: {  	[smem:$0x3FA9] =	sst s4  }
0xd: {  	[smem:$0x3FAA] =	sst s5  }
0xe: {  	[smem:$0x3FAB] =	sst s6  }
0xf: {  	[smem:$0x3FAC] =	sst s7  }
0x10: {  	[smem:$0x3FAD] =	sst s8  }
0x11: {  	[smem:$0x3FAE] =	sst s9;
	s0 =	simm.s32 @!p0 $0x0  }
0x12: {  	s1 =	sld [smem:$0x3F94];
	s0 =	simm.s32 @p0 $0x1  }
0x13: {  	[smem:$0x3FAF] =	sst s0;
	s0 =	simm.s32 @!p1 $0x0  }
0x14: {  	s2 =	sld [smem:$0x3F93];
	s0 =	simm.s32 @p1 $0x1  }
0x15: {  	[smem:$0x3FB0] =	sst s0;
	s0 =	simm.s32 @!p2 $0x0  }
0x16: {  	s3 =	sld [smem:$0x3FDB];
	s0 =	simm.s32 @p2 $0x1  }
0x17: {  	s4 =	simm.s32 $0x1BF5;
	[smem:$0x3FB2] =	sst s0  }
0x18: {  	s0 =	sld [smem:$0x3F95];
	_ =	swait.ge [sflag:s4], $0x0  }
0x19: {  	s7 =	sld [smem:$0x3F96]  }
0x1a: {  	s8 =	sadd.s32 $0xFFFFE003, lr  }
0x1b: {  	s9 =	sadd.s32 $0xFFFFFEF7, lr;
	s5 =	simm.s32 $0xFFFFFFFF;
	p2 =	slt.u32 s8, $0xFFFFF086  }
0x1c: {  	p1 =	slt.u32 s9, $0xF7A;
	s5 =	simm.s32 @!p2 $0x0  }
0x1d: {  	s5 =	simm.s32 @p1 $0x1;
	p0 =	seq.s32 s7, s2  }
0x1e: {  	s7 =	smul.u32 @!p0 $0xF7A, s2;
	p2 =	seq.s32 @!p0 s5, $0x0  }
0x1f: {  	s9 =	smul.u32 $0xF7A, s1;
	s8 =	simm.s32 @!p0 $0x1BF5;
	p2 =	por !p2, p0  }
0x20: {  	[sflag:s8] =	ssyncset.s32 @!p0 $0xFFFFF086;
	s6 =	sadd.s32 @!p0 s3, s7;
	s7 =	simm.s32 @!p0 $0x108  }
0x21: {  	s3 =	sadd.s32 s3, s9;
	s6 =	sadd.s32 @!p0 $0x88, s6;
	s7 =	simm.s32 @p2 $0x1082  }
0x22: {  	[simem:s7], [sflag:s8] =	dma.local @!p0 [hbm:s6], $0xF7A  }
0x23: {  	s9 =	sor.u32 $0xD0000000, s2;
	s6 =	simm.s32 $0x108;
	_ =	swait.ge @!p0 [sflag:s8], $0x0  }
0x24: {  	s3 =	sadd.s32 $0x88, s3;
	s6 =	simm.s32 @!p1 $0x1082;
	[sflag:s4] =	ssyncset.s32 $0xFFFFF086  }
0x25: {  	[simem:s6], [sflag:s4] =	dma.local [hbm:s3], $0xF7A  }
0x26: {  	[smem:$0x3F96] =	sst s1;
	(tag) =	ssettag s2;
	_ =	strace s9  }
0x27: {  	s1 =	sld [smem:$0x3FA6]  }
0x28: {  	s2 =	sld [smem:$0x3FA7]  }
0x29: {  	s4 =	sld [smem:$0x3FA9]  }
0x2a: {  	p0 =	seq.s32 s5, $0x0;
	s5 =	sld [smem:$0x3FAA]  }
0x2b: {  	s6 =	sld [smem:$0x3FAB]  }
0x2c: {  	s7 =	sld [smem:$0x3FAC]  }
0x2d: {  	s3 =	simm.s32 $0x108;
	s8 =	sld [smem:$0x3FAD]  }
0x2e: {  	s3 =	simm.s32 @!p0 $0x1082;
	s9 =	sld [smem:$0x3FAE]  }
0x2f: {  	lr =	sadd.s32 s0, s3;
	s0 =	sld [smem:$0x3FA5]  }
0x30: {  	s3 =	sld [smem:$0x3FA8]  }
0x31: {  	[smem:$0x3FB1] =	sst s10  }
0x32: {  	s10 =	sld [smem:$0x3FAF];
	_ =	sdelay $0x3  }
0x33: {  	p0 =	seq.s32 s10, $0x1;
	s10 =	sld [smem:$0x3FB1];
	_ =	sdelay $0x3  }
0x34: {  	[smem:$0x3FB1] =	sst s10  }
0x35: {  	s10 =	sld [smem:$0x3FB0];
	_ =	sdelay $0x3  }
0x36: {  	p1 =	seq.s32 s10, $0x1;
	s10 =	sld [smem:$0x3FB1];
	_ =	sdelay $0x3  }
0x37: {  	[smem:$0x3FB1] =	sst s10  }
0x38: {  	s10 =	sld [smem:$0x3FB2]  }
0x39: {  	_ = 	snop;
	(pc) =	sbr.ind lr, $3  }
0x3a: {  	_ = 	snop  }
0x3b: {  	_ = 	snop  }
0x3c: {  	p2 =	seq.s32 s10, $0x1;
	s10 =	sld [smem:$0x3FB1]  }
0x3d: {  	_ =	shalt  }
0x3e: {  	_ =	shalt  }
0x3f: {  	_ =	shalt  }
0x40: {  	_ =	shalt  }
0x41: {  	_ =	shalt  }
0x42: {  	_ =	shalt  }
0x43: {  	_ =	shalt  }
0x44: {  	_ =	shalt  }
0x45: {  	_ =	shalt  }
0x46: {  	_ =	shalt  }
0x47: {  	_ =	shalt  }
0x48: {  	_ =	shalt  }
0x49: {  	_ =	shalt  }
0x4a: {  	_ =	shalt  }
0x4b: {  	_ =	shalt  }
0x4c: {  	_ =	shalt  }
0x4d: {  	_ =	shalt  }
0x4e: {  	_ =	shalt  }
0x4f: {  	_ =	shalt  }
0x50: {  	_ =	shalt  }
0x51: {  	_ =	shalt  }
0x52: {  	_ =	shalt  }
0x53: {  	_ =	shalt  }
0x54: {  	_ =	shalt  }
0x55: {  	_ =	shalt  }
0x56: {  	_ =	shalt  }
0x57: {  	_ =	shalt  }
0x58: {  	_ =	shalt  }
0x59: {  	_ =	shalt  }
0x5a: {  	_ =	shalt  }
0x5b: {  	_ =	shalt  }
0x5c: {  	_ =	shalt  }
0x5d: {  	_ =	shalt  }
0x5e: {  	_ =	shalt  }
0x5f: {  	_ =	shalt  }
0x60: {  	_ =	shalt  }
0x61: {  	_ =	shalt  }
0x62: {  	_ =	shalt  }
0x63: {  	_ =	shalt  }
0x64: {  	_ =	shalt  }
0x65: {  	_ =	shalt  }
0x66: {  	_ =	shalt  }
0x67: {  	_ =	shalt  }
0x68: {  	_ =	shalt  }
0x69: {  	_ =	shalt  }
0x6a: {  	_ =	shalt  }
0x6b: {  	_ =	shalt  }
0x6c: {  	_ =	shalt  }
0x6d: {  	_ =	shalt  }
0x6e: {  	_ =	shalt  }
0x6f: {  	_ =	shalt  }
0x70: {  	_ =	shalt  }
0x71: {  	_ =	shalt  }
0x72: {  	_ =	shalt  }
0x73: {  	_ =	shalt  }
0x74: {  	_ =	shalt  }
0x75: {  	_ =	shalt  }
0x76: {  	_ =	shalt  }
0x77: {  	_ =	shalt  }
0x78: {  	_ =	shalt  }
0x79: {  	_ =	shalt  }
0x7a: {  	_ =	shalt  }
0x7b: {  	_ =	shalt  }
0x7c: {  	_ =	shalt  }
0x7d: {  	_ =	shalt  }
0x7e: {  	_ =	shalt  }
0x7f: {  	_ =	shalt  }
0x80: {  	_ =	shalt  }
0x81: {  	_ =	shalt  }
0x82: {  	_ =	shalt  }
0x83: {  	_ =	shalt  }
0x84: {  	_ =	shalt  }
0x85: {  	_ =	shalt  }
0x86: {  	_ =	shalt  }
0x87: {  	_ =	shalt  }
.Lfunc_end0:
.L_simem_size_0:
called_computation.1_lowered:
.L_overlay_start_0:
0x88: {  	s2 =	sld [smem:$0x3FD9]  }
0x89: {  	s3 =	sld [smem:$0x3FFE];
	_ =	sdelay $0x1  }
0x8a: {  	s1 =	srdreg.scid  }
0x8b: {  	s0 =	sand.u32 $0x1, s1  }
0x8c: {  	s16 =	sshll.u32 s0, $0xA;
	s2 =	sadd.s32 s3, s2  }
0x8d: {  	s2 =	sadd.s32 s2, s16  }
0x8e: {  	[smem:$0x3FBD] =	sst s2  }
0x8f: {  	_ = 	snop  }
0x90: {  	(tm) =	ssettm $0x1  }
0x91: {  	s17 =	sld [smem:$0x3FFB];
	_ =	sdelay $0x3  }
0x92: {  	_ =	strace s17  }
0x93: {  	s2 =	sld [smem:$0x3FFC];
	_ =	sdelay $0x3  }
0x94: {  	_ =	strace s2  }
0x95: {  	s2 =	sld [smem:$0x3FFD];
	_ =	sdelay $0x3  }
0x96: {  	_ =	strace s2  }
0x97: {  	_ =	strace $0x8FFFFFFF  }
0x98: {  	s18 =	sld [smem:$0x3FDB];
	_ =	sdelay $0x1  }
0x99: {  	s19 =	simm.s32 $_scs_section_size  }
0x9a: {  	s4 =	simm.s32 $_size__tile_overlayer_lowered;
	s5 =	simm.s32 $_tile_overlayer_lowered  }
0x9b: {  	s22 =	simm.s32 $0x1BFF;
	s21 =	sshll.u32 s5, $0x1;
	s2 =	sadd.s32 s19, s18  }
0x9c: {  	s6 =	simm.s32 $0x0;
	s20 =	sshll.u32 s4, $0x1;
	s4 =	sadd.s32 s21, s2  }
0x9d: {  	[timem:s6], [sflag:s22] =	dma.local [hbm:s4], s20  }
0x9e: {  	_ =	swait.ge [sflag:s22], s20  }
0x9f: {  	s3 =	ssub.s32 $0x0, s20;
	[sflag:s22] =	ssyncset.done $0x0  }
0xa0: {  	[sflag:s22] =	ssyncadd.s32 s3;
	_ =	sdelay $0x1  }
0xa1: {  	s23 =	simm.s32 $0x1B8B  }
0xa2: {  	_ =	swait.ge [sflag:s23], $0x1  }
0xa3: {  	[sflag:s23] =	ssyncset.done $0x0  }
0xa4: {  	s25 =	simm.s32 $0x1B8E;
	s24 =	sld [smem:$0x3FFE];
	[sflag:s23] =	ssyncadd.s32 $0xFFFFFFFF  }
0xa5: {  	s26 =	simm.s32 $execute0_lowered;
	[smem:$0x3FD2] =	sst s25  }
0xa6: {  	s4 =	sshll.u32 s26, $0x1;
	_ =	strace $0x80000049;
	[dreg:$0x1] =	wrdreg $0xFFFFFFFF  }
0xa7: {  	s28 =	simm.s32 $_size_execute0_lowered;
	s2 =	sadd.s32 s2, s4;
	[dreg:$0x0] =	wrdreg $0x0  }
0xa8: {  	s4 =	sshll.u32 s28, $0x1;
	[dreg:$0x2] =	wrdreg s2  }
0xa9: {  	[dreg:$0x3] =	wrdreg s4  }
0xaa: {  	[dreg:$0x4] =	wrdreg $0xC0  }
0xab: {  	_ =	task [dreg:s6], $0x5FFFF  }
0xac: {  	[dreg:$0x1] =	wrdreg $0xFFFFFFFF  }
0xad: {  	[dreg:$0x0] =	wrdreg $0x60  }
0xae: {  	[dreg:$0x2] =	wrdreg s24  }
0xaf: {  	[dreg:$0x3] =	wrdreg $0x150000  }
0xb0: {  	[dreg:$0x4] =	wrdreg $0x9  }
0xb1: {  	_ =	task.clear_ibuf [dreg:s6], $0x5FFFF;
	_ =	strace $0x90000049  }
0xb2: {  	s29 =	simm.s32 $0x9;
	_ =	strace $0x8000004B  }
0xb3: {  	_ =	swait.ge [sflag:s29], $0x1  }
0xb4: {  	[sflag:s29] =	ssyncadd.s32 $0xFFFFFFFF  }
0xb5: {  	_ =	strace $0x9000004B  }
0xb6: {  	_ =	sfence  }
0xb7: {  	s30 =	sld [smem:$0x0];
	_ =	sdelay $0x2  }
0xb8: {  	s31 =	sshll.u32 s1, $0xD;
	s1 =	sshrl.u32 s1, $0x2  }
0xb9: {  	s3 =	sand.u32 $0x4000, s31;
	s1 =	sadd.s32 s1, s30  }
0xba: {  	s0 =	sor.u32 s3, s0;
	s1 =	sshll.u32 s1, $0x11  }
0xbb: {  	s0 =	sor.u32 s1, s0  }
0xbc: {  	s0 =	sadd.s32 $0x8F2B, s0  }
0xbd: {  	[sflag:s0] =	ssyncadd.remote.s32 $0x1  }
0xbe: {  	_ =	sfence.sel $0xFFFF  }
0xbf: {  	[dreg:$0x0] =	wrdreg $0xFFFFFFFF;
	(pc) =	sbr.abs _section_cstart, $3  }
0xc0: {  	[dreg:$0x1] =	wrdreg $0xFFFFFFFF  }
0xc1: {  	_ =	task.clear_ibuf [dreg:s6], $0x2FFFF;
	_ =	strace $0x9FFFFFFF  }
0xc2: {  	(tm) =	ssettm $0x7FFFFFFF  }
0xc3: {  	_ =	shalt  }
tec
execute0_lowered:
.L_overlay_start_1:
0x0: {  	(tag) =	ssettag $0x1  }
0x1: {  	s0 =	rddreg [dreg:$0x0]  }
0x2: {  	s2 =	rddreg [dreg:$0x1]  }
0x3: {  	s1 =	srdreg.scid;
	s10 =	stileid.u32;
	s3 =	simm.s32 $0x0  }
0x4: {  	s13 =	simm.s32 $0x9;
	s14 =	simm.s32 $0x1;
	s15 =	simm.s32 $0x2  }
0x5: {  	s16 =	simm.s32 $0x80;
	s29 =	simm.s32 $0x11000;
	s30 =	simm.s32 $0x380  }
0x6: {  	s31 =	simm.s32 $0x13000;
	s1 =	sand.u32 $0x1, s1;
	s9 =	smul.u32 $0xA000, s10  }
0x7: {  	[smem:$0x7FF] =	sst s3;
	s4 =	sshll.u32 s1, $0x4;
	s5 =	smul.u32 $0xA0000, s1  }
0x8: {  	_ =	strace $0x8000004A;
	s1 =	ssub.s32 $0x2, s1;
	s4 =	sor.u32 s10, s4  }
0x9: {  	s8 =	sshrl.u32 s1, $0x1;
	s12 =	sadd.s32 s9, s2;
	s6 =	smul.u32 $0x500, s4  }
0xa: {  	s4 =	sadd.s32 $0x3FA00, s0;
	s5 =	sadd.s32 s9, s5;
	s1 =	ssub.s32 s1, s8  }
0xb: {  	s8 =	sshll.u32 s10, $0x6;
	s12 =	sshrl.u32 s12, $0x3;
	s28 =	sshrl.u32 s5, $0x3  }
0xc: {  	s5 =	sadd.s32 $0x53A00, s0;
	s9 =	sor.u32 $0x1C09, s8;
	s7 =	sadd.s32 s6, s0  }
0xd: {  	s11 =	smax.u32 s1, $0x1;
	s0 =	sadd.s32 s28, s0;
	s6 =	sadd.s32 $0x3A00, s7  }
0xe: {  	s7 =	sadd.s32 $0xDA00, s7;
	s10 =	sadd.s32 $0x54E00, s0;
	s0 =	simm.s32 $0x0  }
.LBB2_1:
0xf: {  	[tilespmem:s3], [sflag:$0x1] =	stream.linear.gather [hbm4b:s6+s3], $0x2800, $0x38;
	[tilespmem:$0x1F000] =	vst v63  }
0x10: {  	s19 =	simm.s32 $0x2800  }
0x11: {  	[tilespmem:s19], [sflag:$0x2] =	stream.linear.gather [hbm4b:s7+s3], $0x2800, $0x38;
	[tilespmem:$0x1F000] =	vst v63  }
0x12: {  	[spmem:s12], [sflag:s9] =	dma.local [hbm:s5], $0x1400  }
0x13: {  	_ =	swait.ge [sflag:s13], $0x1400  }
0x14: {  	[sflag:s13] =	ssyncset.done $0x0  }
0x15: {  	[sflag:s13] =	ssyncadd.s32 $0xFFFFEC00  }
0x16: {  	_ =	swait.ge [sflag:s14], $0x2800  }
0x17: {  	[sflag:s14] =	ssyncset.done $0x0  }
0x18: {  	[sflag:s14] =	ssyncadd.s32 $0xFFFFD800  }
0x19: {  	_ =	swait.ge [sflag:s15], $0x2800  }
0x1a: {  	[sflag:s15] =	ssyncset.done $0x0  }
0x1b: {  	[sflag:s15] =	ssyncadd.s32 $0xFFFFD800  }
0x1c: {  	s1 =	simm.s32 $0x5000;
	[bflag:$0x0] =	sbarrier.arrive $0xFFFF  }
0x1d: {  	[tilespmem:s1], [sflag:$0x1] =	stream.indirect.gather [hbm4b:s4+s16], $0x40, s3, s16, $0xb8;
	[tilespmem:$0x1F000] =	vst v63  }
0x1e: {  	s18 =	simm.s32 $0x7000  }
0x1f: {  	[tilespmem:s18], [sflag:$0x2] =	stream.indirect.gather [hbm4b:s4+s16], $0x40, s16, s16, $0xb8;
	[tilespmem:$0x1F000] =	vst v63  }
0x20: {  	s20 =	simm.s32 $0x100;
	s17 =	simm.s32 $0x9000  }
0x21: {  	[tilespmem:s17], [sflag:$0x3] =	stream.indirect.gather [hbm4b:s4+s16], $0x40, s20, s16, $0xb8;
	[tilespmem:$0x1F000] =	vst v63  }
0x22: {  	s21 =	simm.s32 $0x180;
	s22 =	simm.s32 $0xB000  }
0x23: {  	[tilespmem:s22], [sflag:$0x4] =	stream.indirect.gather [hbm4b:s4+s16], $0x40, s21, s16, $0xb8;
	[tilespmem:$0x1F000] =	vst v63  }
0x24: {  	s23 =	simm.s32 $0x200;
	s24 =	simm.s32 $0xD000  }
0x25: {  	[tilespmem:s24], [sflag:$0x5] =	stream.indirect.gather [hbm4b:s4+s16], $0x40, s23, s16, $0xb8;
	[tilespmem:$0x1F000] =	vst v63  }
0x26: {  	s25 =	simm.s32 $0x280;
	s26 =	simm.s32 $0xF000  }
0x27: {  	[tilespmem:s26], [sflag:$0x6] =	stream.indirect.gather [hbm4b:s4+s16], $0x40, s25, s16, $0xb8;
	[tilespmem:$0x1F000] =	vst v63  }
0x28: {  	s28 =	simm.s32 $0x300;
	s21 =	sand.u32 $0x7, s3  }
0x29: {  	[tilespmem:s29], [sflag:$0x7] =	stream.indirect.gather [hbm4b:s4+s16], $0x40, s28, s16, $0xb8;
	[tilespmem:$0x1F000] =	vst v63  }
0x2a: {  	s20 =	sadd.s32 $0x1, s21  }
0x2b: {  	[tilespmem:s31], [sflag:$0x8] =	stream.indirect.gather [hbm4b:s4+s16], $0x40, s30, s16, $0xb8;
	[tilespmem:$0x1F000] =	vst v63  }
0x2c: {  	p1 =	por $0x0, $0x0;
	s1 =	simm.s32 $0x1;
	_ =	swait.ge [sflag:s20], $0x2000  }
0x2d: {  	s18 =	simm.s32 $0x400;
	s22 =	sshll.u32 s21, $0xD;
	[sflag:s20] =	ssyncset.done $0x0  }
0x2e: {  	s24 =	sadd.s32 $0x5000, s22;
	s25 =	sadd.s32 $0x9, s21;
	[sflag:s20] =	ssyncadd.s32 $0xFFFFE000  }
0x2f: {  	[spmem:s2] =	stream.indirect.scatter.add.f32 [tilespmem:s24], [sflag:s25], $0x40, s19, s16, $0xb8;
	[tilespmem:$0x1F000] =	vst v63  }
0x30: {  	s17 =	sand.u32 $0x7, s1;
	s22 =	simm.s32 $0x2;
	_ =	swait.ge [sflag:s25], $0x2000  }
0x31: {  	s23 =	sshll.u32 s17, $0xD;
	s21 =	simm.s32 $0x2880;
	[sflag:s25] =	ssyncset.done $0x0  }
0x32: {  	s19 =	simm.s32 $0x480;
	[sflag:s25] =	ssyncadd.s32 $0xFFFFE000;
	s25 =	simm.s32 @!p1 $0x80  }
.LBB2_2:
0x33: {  	[tilespmem:s24], [sflag:s20] =	stream.indirect.gather @!p1 [hbm4b:s4+s25], $0x40, s18, s25, $0xb8;
	[tilespmem:$0x1F000] =	vst v63  }
0x34: {  	s25 =	smov.u32 s1;
	s1 =	smov.u32 s22;
	s18 =	smov.u32 s19  }
0x35: {  	s22 =	sadd.s32 $0x1, s22;
	s20 =	sadd.s32 $0x1, s17;
	s24 =	sand.u32 $0x7, s1  }
0x36: {  	p0 =	sne.s32 s22, $0x50;
	s26 =	sshll.u32 s24, $0xD;
	_ =	swait.ge [sflag:s20], $0x2000  }
0x37: {  	s28 =	sadd.s32 $0x9, s17;
	s17 =	smov.u32 s24;
	[sflag:s20] =	ssyncset.done $0x0  }
.Ltmp0:
0x38: {  	s24 =	sadd.s32 $0x5000, s23;
	[sflag:s20] =	ssyncadd.s32 $0xFFFFE000;
	(pc) =	sbr.rel @p0 .LBB2_2-.Ltmp0, $4  }
0x39: {  	[spmem:s2] =	stream.indirect.scatter.add.f32 [tilespmem:s24], [sflag:s28], $0x40, s21, s16, $0xb8;
	[tilespmem:$0x1F000] =	vst v63  }
0x3a: {  	s23 =	smov.u32 s26;
	_ =	swait.ge [sflag:s28], $0x2000  }
0x3b: {  	p1 =	sgt.u32 s25, $0x47;
	s21 =	sadd.s32 $0x80, s21;
	[sflag:s28] =	ssyncset.done $0x0  }
0x3c: {  	s19 =	sadd.s32 $0x80, s19;
	s25 =	simm.s32 @!p1 $0x80;
	[sflag:s28] =	ssyncadd.s32 $0xFFFFE000  }
0x3d: {  	[tilespmem:s24], [sflag:s20] =	stream.indirect.gather @!p1 [hbm4b:s4+s25], $0x40, s18, s25, $0xb8;
	[tilespmem:$0x1F000] =	vst v63  }
0x3e: {  	s18 =	sadd.s32 $0x1, s17  }
0x3f: {  	_ =	swait.ge [sflag:s18], $0x2000  }
0x40: {  	[sflag:s18] =	ssyncset.done $0x0  }
0x41: {  	s26 =	sadd.s32 $0x9, s17;
	s20 =	sadd.s32 $0x5000, s23;
	[sflag:s18] =	ssyncadd.s32 $0xFFFFE000  }
0x42: {  	[spmem:s2] =	stream.indirect.scatter.add.f32 [tilespmem:s20], [sflag:s26], $0x40, s21, s16, $0xb8;
	[tilespmem:$0x1F000] =	vst v63  }
0x43: {  	_ =	swait.ge [sflag:s26], $0x2000  }
0x44: {  	p0 =	sgt.u32 s1, $0x47;
	[sflag:s26] =	ssyncset.done $0x0  }
0x45: {  	s0 =	sadd.s32 $0x1, s0;
	s1 =	simm.s32 @!p0 $0x80;
	[sflag:s26] =	ssyncadd.s32 $0xFFFFE000  }
0x46: {  	[tilespmem:s20], [sflag:s18] =	stream.indirect.gather @!p0 [hbm4b:s4+s1], $0x40, s19, s1, $0xb8;
	[tilespmem:$0x1F000] =	vst v63  }
0x47: {  	p0 =	sne.s32 s0, s11  }
.Ltmp1:
0x48: {  	s28 =	sor.u32 $0x1C01, s8;
	[bflag:$0x0] =	sbarrier.arrive $0xFFFF;
	(pc) =	sbr.rel @p0 .LBB2_1-.Ltmp1, $4  }
0x49: {  	[hbm:s10], [sflag:s28] =	dma.local [spmem:s12], $0x1400  }
0x4a: {  	_ =	swait.ge [sflag:s14], $0x1400  }
0x4b: {  	[sflag:s14] =	ssyncset.done $0x0  }
0x4c: {  	[sflag:s14] =	ssyncadd.s32 $0xFFFFEC00  }
0x4d: {  	_ =	sfence.sel $0x180000  }
0x4e: {  	[bflag:$0x0] =	sbarrier.arrive $0xFFFF  }
0x4f: {  	_ =	strace $0x9000004A  }
0x50: {  	s0 =	stileid.u32;
	[bflag:$0x2] =	sbarrier.arrive $0xFFFF  }
0x51: {  	p0 =	sne.s32 s0, $0x0;
	s0 =	rddreg [dreg:$0x2]  }
0x52: {  	s0 =	sadd.s32 @!p0 $0x100000, s0  }
0x53: {  	[sflag:s0] =	ssyncadd.tile.s32 @!p0 $0x1;
	_ =	shalt  }
.Lfunc_end2:
_tile_overlayer_lowered:
.L_overlay_start_2:
0x54: {  	(tag) =	ssettag $0x2  }
0x55: {  	s0 =	rddreg [dreg:$0x0];
	s2 =	stileid.u32  }
0x56: {  	s1 =	rddreg [dreg:$0x1];
	p0 =	sne.s32 s2, $0x0  }
0x57: {  	s3 =	rddreg [dreg:$0x2];
	[bflag:$0x3] =	sbarrier.arrive $0xFFFF;
	s2 =	simm.s32 @!p0 $0x1C11  }
0x58: {  	[timem:s3], [sflag:s2] =	dma.local @!p0 [hbm:s0], s1  }
0x59: {  	s0 =	simm.s32 @!p0 $0x11  }
0x5a: {  	_ =	swait.ge @!p0 [sflag:s0], s1  }
0x5b: {  	s1 =	ssub.s32 @!p0 $0x0, s1;
	[sflag:s0] =	ssyncset.done @!p0 $0x0  }
0x5c: {  	[sflag:s0] =	ssyncadd.s32 @!p0 s1  }
0x5d: {  	[bflag:$0x3] =	sbarrier.arrive $0xFFFF  }
0x5e: {  	_ =	shalt  }

// kernel: kernel.16.cloned.1.call-start
scs
__scs_entry_jumppad:
0x0: {  	(pc) =	sbr.rel $0x88, $3  }
0x1: {  	(tag) =	ssettag $0x0;
	lr =	simm.s32 $0x1  }
0x2: {  	[smem:$0x3F96] =	sst lr;
	_ =	strace $0xD0000000  }
0x3: {  	_ = 	snop  }
0x4: {  	_ = 	snop  }
0x5: {  	_ = 	snop  }
0x6: {  	_ = 	snop  }
0x7: {  	_ = 	snop  }
__scs_overlays_trampoline_lowered:
0x8: {  	[smem:$0x3FA5] =	sst s0  }
0x9: {  	[smem:$0x3FA6] =	sst s1  }
0xa: {  	[smem:$0x3FA7] =	sst s2  }
0xb: {  	[smem:$0x3FA8] =	sst s3  }
0xc: {  	[smem:$0x3FA9] =	sst s4  }
0xd: {  	[smem:$0x3FAA] =	sst s5  }
0xe: {  	[smem:$0x3FAB] =	sst s6  }
0xf: {  	[smem:$0x3FAC] =	sst s7  }
0x10: {  	[smem:$0x3FAD] =	sst s8  }
0x11: {  	[smem:$0x3FAE] =	sst s9;
	s0 =	simm.s32 @!p0 $0x0  }
0x12: {  	s1 =	sld [smem:$0x3F94];
	s0 =	simm.s32 @p0 $0x1  }
0x13: {  	[smem:$0x3FAF] =	sst s0;
	s0 =	simm.s32 @!p1 $0x0  }
0x14: {  	s2 =	sld [smem:$0x3F93];
	s0 =	simm.s32 @p1 $0x1  }
0x15: {  	[smem:$0x3FB0] =	sst s0;
	s0 =	simm.s32 @!p2 $0x0  }
0x16: {  	s3 =	sld [smem:$0x3FDB];
	s0 =	simm.s32 @p2 $0x1  }
0x17: {  	s4 =	simm.s32 $0x1BF5;
	[smem:$0x3FB2] =	sst s0  }
0x18: {  	s0 =	sld [smem:$0x3F95];
	_ =	swait.ge [sflag:s4], $0x0  }
0x19: {  	s7 =	sld [smem:$0x3F96]  }
0x1a: {  	s8 =	sadd.s32 $0xFFFFE003, lr  }
0x1b: {  	s9 =	sadd.s32 $0xFFFFFEF7, lr;
	s5 =	simm.s32 $0xFFFFFFFF;
	p2 =	slt.u32 s8, $0xFFFFF086  }
0x1c: {  	p1 =	slt.u32 s9, $0xF7A;
	s5 =	simm.s32 @!p2 $0x0  }
0x1d: {  	s5 =	simm.s32 @p1 $0x1;
	p0 =	seq.s32 s7, s2  }
0x1e: {  	s7 =	smul.u32 @!p0 $0xF7A, s2;
	p2 =	seq.s32 @!p0 s5, $0x0  }
0x1f: {  	s9 =	smul.u32 $0xF7A, s1;
	s8 =	simm.s32 @!p0 $0x1BF5;
	p2 =	por !p2, p0  }
0x20: {  	[sflag:s8] =	ssyncset.s32 @!p0 $0xFFFFF086;
	s6 =	sadd.s32 @!p0 s3, s7;
	s7 =	simm.s32 @!p0 $0x108  }
0x21: {  	s3 =	sadd.s32 s3, s9;
	s6 =	sadd.s32 @!p0 $0x88, s6;
	s7 =	simm.s32 @p2 $0x1082  }
0x22: {  	[simem:s7], [sflag:s8] =	dma.local @!p0 [hbm:s6], $0xF7A  }
0x23: {  	s9 =	sor.u32 $0xD0000000, s2;
	s6 =	simm.s32 $0x108;
	_ =	swait.ge @!p0 [sflag:s8], $0x0  }
0x24: {  	s3 =	sadd.s32 $0x88, s3;
	s6 =	simm.s32 @!p1 $0x1082;
	[sflag:s4] =	ssyncset.s32 $0xFFFFF086  }
0x25: {  	[simem:s6], [sflag:s4] =	dma.local [hbm:s3], $0xF7A  }
0x26: {  	[smem:$0x3F96] =	sst s1;
	(tag) =	ssettag s2;
	_ =	strace s9  }
0x27: {  	s1 =	sld [smem:$0x3FA6]  }
0x28: {  	s2 =	sld [smem:$0x3FA7]  }
0x29: {  	s4 =	sld [smem:$0x3FA9]  }
0x2a: {  	p0 =	seq.s32 s5, $0x0;
	s5 =	sld [smem:$0x3FAA]  }
0x2b: {  	s6 =	sld [smem:$0x3FAB]  }
0x2c: {  	s7 =	sld [smem:$0x3FAC]  }
0x2d: {  	s3 =	simm.s32 $0x108;
	s8 =	sld [smem:$0x3FAD]  }
0x2e: {  	s3 =	simm.s32 @!p0 $0x1082;
	s9 =	sld [smem:$0x3FAE]  }
0x2f: {  	lr =	sadd.s32 s0, s3;
	s0 =	sld [smem:$0x3FA5]  }
0x30: {  	s3 =	sld [smem:$0x3FA8]  }
0x31: {  	[smem:$0x3FB1] =	sst s10  }
0x32: {  	s10 =	sld [smem:$0x3FAF];
	_ =	sdelay $0x3  }
0x33: {  	p0 =	seq.s32 s10, $0x1;
	s10 =	sld [smem:$0x3FB1];
	_ =	sdelay $0x3  }
0x34: {  	[smem:$0x3FB1] =	sst s10  }
0x35: {  	s10 =	sld [smem:$0x3FB0];
	_ =	sdelay $0x3  }
0x36: {  	p1 =	seq.s32 s10, $0x1;
	s10 =	sld [smem:$0x3FB1];
	_ =	sdelay $0x3  }
0x37: {  	[smem:$0x3FB1] =	sst s10  }
0x38: {  	s10 =	sld [smem:$0x3FB2]  }
0x39: {  	_ = 	snop;
	(pc) =	sbr.ind lr, $3  }
0x3a: {  	_ = 	snop  }
0x3b: {  	_ = 	snop  }
0x3c: {  	p2 =	seq.s32 s10, $0x1;
	s10 =	sld [smem:$0x3FB1]  }
0x3d: {  	_ =	shalt  }
0x3e: {  	_ =	shalt  }
0x3f: {  	_ =	shalt  }
0x40: {  	_ =	shalt  }
0x41: {  	_ =	shalt  }
0x42: {  	_ =	shalt  }
0x43: {  	_ =	shalt  }
0x44: {  	_ =	shalt  }
0x45: {  	_ =	shalt  }
0x46: {  	_ =	shalt  }
0x47: {  	_ =	shalt  }
0x48: {  	_ =	shalt  }
0x49: {  	_ =	shalt  }
0x4a: {  	_ =	shalt  }
0x4b: {  	_ =	shalt  }
0x4c: {  	_ =	shalt  }
0x4d: {  	_ =	shalt  }
0x4e: {  	_ =	shalt  }
0x4f: {  	_ =	shalt  }
0x50: {  	_ =	shalt  }
0x51: {  	_ =	shalt  }
0x52: {  	_ =	shalt  }
0x53: {  	_ =	shalt  }
0x54: {  	_ =	shalt  }
0x55: {  	_ =	shalt  }
0x56: {  	_ =	shalt  }
0x57: {  	_ =	shalt  }
0x58: {  	_ =	shalt  }
0x59: {  	_ =	shalt  }
0x5a: {  	_ =	shalt  }
0x5b: {  	_ =	shalt  }
0x5c: {  	_ =	shalt  }
0x5d: {  	_ =	shalt  }
0x5e: {  	_ =	shalt  }
0x5f: {  	_ =	shalt  }
0x60: {  	_ =	shalt  }
0x61: {  	_ =	shalt  }
0x62: {  	_ =	shalt  }
0x63: {  	_ =	shalt  }
0x64: {  	_ =	shalt  }
0x65: {  	_ =	shalt  }
0x66: {  	_ =	shalt  }
0x67: {  	_ =	shalt  }
0x68: {  	_ =	shalt  }
0x69: {  	_ =	shalt  }
0x6a: {  	_ =	shalt  }
0x6b: {  	_ =	shalt  }
0x6c: {  	_ =	shalt  }
0x6d: {  	_ =	shalt  }
0x6e: {  	_ =	shalt  }
0x6f: {  	_ =	shalt  }
0x70: {  	_ =	shalt  }
0x71: {  	_ =	shalt  }
0x72: {  	_ =	shalt  }
0x73: {  	_ =	shalt  }
0x74: {  	_ =	shalt  }
0x75: {  	_ =	shalt  }
0x76: {  	_ =	shalt  }
0x77: {  	_ =	shalt  }
0x78: {  	_ =	shalt  }
0x79: {  	_ =	shalt  }
0x7a: {  	_ =	shalt  }
0x7b: {  	_ =	shalt  }
0x7c: {  	_ =	shalt  }
0x7d: {  	_ =	shalt  }
0x7e: {  	_ =	shalt  }
0x7f: {  	_ =	shalt  }
0x80: {  	_ =	shalt  }
0x81: {  	_ =	shalt  }
0x82: {  	_ =	shalt  }
0x83: {  	_ =	shalt  }
0x84: {  	_ =	shalt  }
0x85: {  	_ =	shalt  }
0x86: {  	_ =	shalt  }
0x87: {  	_ =	shalt  }
.Lfunc_end0:
.L_simem_size_0:
called_computation.2_lowered:
.L_overlay_start_0:
0x88: {  	s2 =	sld [smem:$0x3FD9]  }
0x89: {  	s3 =	sld [smem:$0x3FFE];
	_ =	sdelay $0x1  }
0x8a: {  	s1 =	srdreg.scid  }
0x8b: {  	s0 =	sand.u32 $0x1, s1  }
0x8c: {  	s16 =	sshll.u32 s0, $0xA;
	s2 =	sadd.s32 s3, s2  }
0x8d: {  	s2 =	sadd.s32 s2, s16  }
0x8e: {  	[smem:$0x3FBD] =	sst s2  }
0x8f: {  	_ = 	snop  }
0x90: {  	(tm) =	ssettm $0x1  }
0x91: {  	s17 =	sld [smem:$0x3FFB];
	_ =	sdelay $0x3  }
0x92: {  	_ =	strace s17  }
0x93: {  	s2 =	sld [smem:$0x3FFC];
	_ =	sdelay $0x3  }
0x94: {  	_ =	strace s2  }
0x95: {  	s2 =	sld [smem:$0x3FFD];
	_ =	sdelay $0x3  }
0x96: {  	_ =	strace s2  }
0x97: {  	_ =	strace $0x8FFFFFFF  }
0x98: {  	s18 =	sld [smem:$0x3FDB];
	_ =	sdelay $0x1  }
0x99: {  	s19 =	simm.s32 $_scs_section_size  }
0x9a: {  	s4 =	simm.s32 $_size__tile_overlayer_lowered;
	s5 =	simm.s32 $_tile_overlayer_lowered  }
0x9b: {  	s22 =	simm.s32 $0x1BFF;
	s21 =	sshll.u32 s5, $0x1;
	s2 =	sadd.s32 s19, s18  }
0x9c: {  	s6 =	simm.s32 $0x0;
	s20 =	sshll.u32 s4, $0x1;
	s4 =	sadd.s32 s21, s2  }
0x9d: {  	[timem:s6], [sflag:s22] =	dma.local [hbm:s4], s20  }
0x9e: {  	_ =	swait.ge [sflag:s22], s20  }
0x9f: {  	s3 =	ssub.s32 $0x0, s20;
	[sflag:s22] =	ssyncset.done $0x0  }
0xa0: {  	[sflag:s22] =	ssyncadd.s32 s3;
	_ =	sdelay $0x1  }
0xa1: {  	s23 =	simm.s32 $0x1B8B  }
0xa2: {  	_ =	swait.ge [sflag:s23], $0x1  }
0xa3: {  	[sflag:s23] =	ssyncset.done $0x0  }
0xa4: {  	s25 =	simm.s32 $0x1B8E;
	s24 =	sld [smem:$0x3FFE];
	[sflag:s23] =	ssyncadd.s32 $0xFFFFFFFF  }
0xa5: {  	s26 =	simm.s32 $execute0_lowered;
	[smem:$0x3FD2] =	sst s25  }
0xa6: {  	s4 =	sshll.u32 s26, $0x1;
	_ =	strace $0x8000004C;
	[dreg:$0x1] =	wrdreg $0xFFFFFFFF  }
0xa7: {  	s28 =	simm.s32 $_size_execute0_lowered;
	s2 =	sadd.s32 s2, s4;
	[dreg:$0x0] =	wrdreg $0x0  }
0xa8: {  	s4 =	sshll.u32 s28, $0x1;
	[dreg:$0x2] =	wrdreg s2  }
0xa9: {  	[dreg:$0x3] =	wrdreg s4  }
0xaa: {  	[dreg:$0x4] =	wrdreg $0xC0  }
0xab: {  	_ =	task [dreg:s6], $0x5FFFF  }
0xac: {  	[dreg:$0x1] =	wrdreg $0xFFFFFFFF  }
0xad: {  	[dreg:$0x0] =	wrdreg $0x60  }
0xae: {  	[dreg:$0x2] =	wrdreg s24  }
0xaf: {  	[dreg:$0x3] =	wrdreg $0x120000  }
0xb0: {  	[dreg:$0x4] =	wrdreg $0x9  }
0xb1: {  	_ =	task.clear_ibuf [dreg:s6], $0x5FFFF;
	_ =	strace $0x9000004C  }
0xb2: {  	s29 =	simm.s32 $0x9;
	_ =	strace $0x8000004E  }
0xb3: {  	_ =	swait.ge [sflag:s29], $0x1  }
0xb4: {  	[sflag:s29] =	ssyncadd.s32 $0xFFFFFFFF  }
0xb5: {  	_ =	strace $0x9000004E  }
0xb6: {  	_ =	sfence  }
0xb7: {  	s30 =	sld [smem:$0x0];
	_ =	sdelay $0x2  }
0xb8: {  	s31 =	sshll.u32 s1, $0xD;
	s1 =	sshrl.u32 s1, $0x2  }
0xb9: {  	s3 =	sand.u32 $0x4000, s31;
	s1 =	sadd.s32 s1, s30  }
0xba: {  	s0 =	sor.u32 s3, s0;
	s1 =	sshll.u32 s1, $0x11  }
0xbb: {  	s0 =	sor.u32 s1, s0  }
0xbc: {  	s0 =	sadd.s32 $0x8F2B, s0  }
0xbd: {  	[sflag:s0] =	ssyncadd.remote.s32 $0x1  }
0xbe: {  	_ =	sfence.sel $0xFFFF  }
0xbf: {  	[dreg:$0x0] =	wrdreg $0xFFFFFFFF;
	(pc) =	sbr.abs _section_cstart, $3  }
0xc0: {  	[dreg:$0x1] =	wrdreg $0xFFFFFFFF  }
0xc1: {  	_ =	task.clear_ibuf [dreg:s6], $0x2FFFF;
	_ =	strace $0x9FFFFFFF  }
0xc2: {  	(tm) =	ssettm $0x7FFFFFFF  }
0xc3: {  	_ =	shalt  }
tec
execute0_lowered:
.L_overlay_start_1:
0x0: {  	(tag) =	ssettag $0x1  }
0x1: {  	s0 =	srdreg.scid;
	s6 =	rddreg [dreg:$0x0]  }
0x2: {  	s11 =	stileid.u32;
	s2 =	rddreg [dreg:$0x1];
	s3 =	simm.s32 $0x0  }
0x3: {  	s13 =	simm.s32 $0x5;
	s14 =	simm.s32 $0x1;
	s15 =	simm.s32 $0x2  }
0x4: {  	s16 =	simm.s32 $0x80;
	s20 =	simm.s32 $0xE000;
	s21 =	simm.s32 $0x180  }
0x5: {  	s22 =	simm.s32 $0x10000;
	s23 =	simm.s32 $0x0;
	s0 =	sand.u32 $0x1, s0  }
0x6: {  	s8 =	smul.u32 $0xA000, s11;
	[smem:$0x7FF] =	sst s3;
	s4 =	sadd.s32 $0x54E00, s6  }
0x7: {  	s1 =	sshll.u32 s0, $0x4;
	s5 =	smul.u32 $0xA0000, s0;
	s0 =	ssub.s32 $0x2, s0  }
0x8: {  	_ =	strace $0x8000004D;
	s1 =	sor.u32 s11, s1;
	s9 =	sshrl.u32 s0, $0x1  }
0x9: {  	s31 =	sadd.s32 s8, s2;
	s1 =	smul.u32 $0xA00, s1;
	s7 =	sadd.s32 s8, s5  }
0xa: {  	s5 =	sadd.s32 $0x53A00, s6;
	s0 =	ssub.s32 s0, s9;
	s8 =	sshll.u32 s11, $0x6  }
0xb: {  	s12 =	sshrl.u32 s31, $0x3;
	s7 =	sshrl.u32 s7, $0x3;
	s9 =	sor.u32 $0x1C05, s8  }
0xc: {  	s11 =	smax.u32 s0, $0x1;
	s1 =	sadd.s32 s1, s6;
	s10 =	sadd.s32 s7, s6  }
0xd: {  	s6 =	sadd.s32 $0x7CE00, s1;
	s7 =	sadd.s32 $0x90E00, s1;
	s10 =	sadd.s32 $0xF4E00, s10  }
.LBB2_1:
0xe: {  	[tilespmem:s3], [sflag:$0x1] =	stream.linear.gather [hbm4b:s6+s3], $0x5000, $0x38;
	[tilespmem:$0x1C000] =	vst v63  }
0xf: {  	s1 =	simm.s32 $0x5000  }
0x10: {  	[tilespmem:s1], [sflag:$0x2] =	stream.linear.gather [hbm4b:s7+s3], $0x5000, $0x38;
	[tilespmem:$0x1C000] =	vst v63  }
0x11: {  	[spmem:s12], [sflag:s9] =	dma.local [hbm:s5], $0x1400  }
0x12: {  	_ =	swait.ge [sflag:s13], $0x1400  }
0x13: {  	[sflag:s13] =	ssyncset.done $0x0  }
0x14: {  	[sflag:s13] =	ssyncadd.s32 $0xFFFFEC00  }
0x15: {  	_ =	swait.ge [sflag:s14], $0x5000  }
0x16: {  	[sflag:s14] =	ssyncset.done $0x0  }
0x17: {  	[sflag:s14] =	ssyncadd.s32 $0xFFFFB000  }
0x18: {  	_ =	swait.ge [sflag:s15], $0x5000  }
0x19: {  	[sflag:s15] =	ssyncset.done $0x0  }
0x1a: {  	[sflag:s15] =	ssyncadd.s32 $0xFFFFB000  }
0x1b: {  	s0 =	simm.s32 $0xA000;
	[bflag:$0x0] =	sbarrier.arrive $0xFFFF  }
0x1c: {  	[tilespmem:s0], [sflag:$0x1] =	stream.indirect.gather [hbm4b:s4+s16], $0x40, s3, s16, $0xb8;
	[tilespmem:$0x1C000] =	vst v63  }
0x1d: {  	s17 =	simm.s32 $0xC000  }
0x1e: {  	[tilespmem:s17], [sflag:$0x2] =	stream.indirect.gather [hbm4b:s4+s16], $0x40, s16, s16, $0xb8;
	[tilespmem:$0x1C000] =	vst v63  }
0x1f: {  	s18 =	simm.s32 $0x100;
	s19 =	sand.u32 $0x3, s3  }
0x20: {  	[tilespmem:s20], [sflag:$0x3] =	stream.indirect.gather [hbm4b:s4+s16], $0x40, s18, s16, $0xb8;
	[tilespmem:$0x1C000] =	vst v63  }
0x21: {  	s29 =	sadd.s32 $0x1, s19  }
0x22: {  	[tilespmem:s22], [sflag:$0x4] =	stream.indirect.gather [hbm4b:s4+s16], $0x40, s21, s16, $0xb8;
	[tilespmem:$0x1C000] =	vst v63  }
0x23: {  	s26 =	simm.s32 $0x200;
	s24 =	simm.s32 $0x1;
	_ =	swait.ge [sflag:s29], $0x2000  }
0x24: {  	s31 =	simm.s32 $0x2;
	s17 =	sshll.u32 s19, $0xD;
	[sflag:s29] =	ssyncset.done $0x0  }
0x25: {  	s28 =	sadd.s32 $0x5, s19;
	s0 =	sadd.s32 $0xA000, s17;
	[sflag:s29] =	ssyncadd.s32 $0xFFFFE000  }
0x26: {  	[spmem:s2] =	stream.indirect.scatter.add.f32 [tilespmem:s0], [sflag:s28], $0x40, s1, s16, $0xb8;
	[tilespmem:$0x1C000] =	vst v63  }
0x27: {  	p1 =	por $0x0, $0x0;
	s30 =	simm.s32 $0x5080;
	_ =	swait.ge [sflag:s28], $0x2000  }
0x28: {  	s25 =	sand.u32 $0x3, s24;
	s17 =	simm.s32 @!p1 $0x80;
	[sflag:s28] =	ssyncset.done $0x0  }
0x29: {  	s1 =	sshll.u32 s25, $0xD;
	[sflag:s28] =	ssyncadd.s32 $0xFFFFE000;
	s28 =	simm.s32 $0x280  }
.LBB2_2:
0x2a: {  	[tilespmem:s0], [sflag:s29] =	stream.indirect.gather @!p1 [hbm4b:s4+s17], $0x40, s26, s17, $0xb8;
	[tilespmem:$0x1C000] =	vst v63  }
0x2b: {  	s17 =	smov.u32 s24;
	s24 =	smov.u32 s31;
	s26 =	smov.u32 s28  }
0x2c: {  	s31 =	sadd.s32 $0x1, s31;
	s29 =	sadd.s32 $0x1, s25;
	s0 =	sand.u32 $0x3, s24  }
0x2d: {  	p0 =	sne.s32 s31, $0xA0;
	s18 =	sshll.u32 s0, $0xD;
	_ =	swait.ge [sflag:s29], $0x2000  }
0x2e: {  	s19 =	sadd.s32 $0x5, s25;
	s25 =	smov.u32 s0;
	[sflag:s29] =	ssyncset.done $0x0  }
.Ltmp0:
0x2f: {  	s0 =	sadd.s32 $0xA000, s1;
	[sflag:s29] =	ssyncadd.s32 $0xFFFFE000;
	(pc) =	sbr.rel @p0 .LBB2_2-.Ltmp0, $4  }
0x30: {  	[spmem:s2] =	stream.indirect.scatter.add.f32 [tilespmem:s0], [sflag:s19], $0x40, s30, s16, $0xb8;
	[tilespmem:$0x1C000] =	vst v63  }
0x31: {  	s1 =	smov.u32 s18;
	_ =	swait.ge [sflag:s19], $0x2000  }
0x32: {  	p1 =	sgt.u32 s17, $0x9B;
	s30 =	sadd.s32 $0x80, s30;
	[sflag:s19] =	ssyncset.done $0x0  }
0x33: {  	s28 =	sadd.s32 $0x80, s28;
	s17 =	simm.s32 @!p1 $0x80;
	[sflag:s19] =	ssyncadd.s32 $0xFFFFE000  }
0x34: {  	[tilespmem:s0], [sflag:s29] =	stream.indirect.gather @!p1 [hbm4b:s4+s17], $0x40, s26, s17, $0xb8;
	[tilespmem:$0x1C000] =	vst v63  }
0x35: {  	s0 =	sadd.s32 $0x1, s25  }
0x36: {  	_ =	swait.ge [sflag:s0], $0x2000  }
0x37: {  	[sflag:s0] =	ssyncset.done $0x0  }
0x38: {  	s29 =	sadd.s32 $0x5, s25;
	s1 =	sadd.s32 $0xA000, s1;
	[sflag:s0] =	ssyncadd.s32 $0xFFFFE000  }
0x39: {  	[spmem:s2] =	stream.indirect.scatter.add.f32 [tilespmem:s1], [sflag:s29], $0x40, s30, s16, $0xb8;
	[tilespmem:$0x1C000] =	vst v63  }
0x3a: {  	_ =	swait.ge [sflag:s29], $0x2000  }
0x3b: {  	p0 =	sgt.u32 s24, $0x9B;
	[sflag:s29] =	ssyncset.done $0x0  }
0x3c: {  	s23 =	sadd.s32 $0x1, s23;
	s17 =	simm.s32 @!p0 $0x80;
	[sflag:s29] =	ssyncadd.s32 $0xFFFFE000  }
0x3d: {  	[tilespmem:s1], [sflag:s0] =	stream.indirect.gather @!p0 [hbm4b:s4+s17], $0x40, s28, s17, $0xb8;
	[tilespmem:$0x1C000] =	vst v63  }
0x3e: {  	p0 =	sne.s32 s23, s11  }
.Ltmp1:
0x3f: {  	s31 =	sor.u32 $0x1C01, s8;
	[bflag:$0x0] =	sbarrier.arrive $0xFFFF;
	(pc) =	sbr.rel @p0 .LBB2_1-.Ltmp1, $4  }
0x40: {  	[hbm:s10], [sflag:s31] =	dma.local [spmem:s12], $0x1400  }
0x41: {  	_ =	swait.ge [sflag:s14], $0x1400  }
0x42: {  	[sflag:s14] =	ssyncset.done $0x0  }
0x43: {  	[sflag:s14] =	ssyncadd.s32 $0xFFFFEC00  }
0x44: {  	_ =	sfence.sel $0x180000  }
0x45: {  	[bflag:$0x0] =	sbarrier.arrive $0xFFFF  }
0x46: {  	_ =	strace $0x9000004D  }
0x47: {  	s0 =	stileid.u32;
	[bflag:$0x2] =	sbarrier.arrive $0xFFFF  }
0x48: {  	p0 =	sne.s32 s0, $0x0;
	s0 =	rddreg [dreg:$0x2]  }
0x49: {  	s0 =	sadd.s32 @!p0 $0x100000, s0  }
0x4a: {  	[sflag:s0] =	ssyncadd.tile.s32 @!p0 $0x1;
	_ =	shalt  }
.Lfunc_end2:
_tile_overlayer_lowered:
.L_overlay_start_2:
0x4b: {  	(tag) =	ssettag $0x2  }
0x4c: {  	s0 =	rddreg [dreg:$0x0];
	s2 =	stileid.u32  }
0x4d: {  	s1 =	rddreg [dreg:$0x1];
	p0 =	sne.s32 s2, $0x0  }
0x4e: {  	s3 =	rddreg [dreg:$0x2];
	[bflag:$0x3] =	sbarrier.arrive $0xFFFF;
	s2 =	simm.s32 @!p0 $0x1C09  }
0x4f: {  	[timem:s3], [sflag:s2] =	dma.local @!p0 [hbm:s0], s1  }
0x50: {  	s0 =	simm.s32 @!p0 $0x9  }
0x51: {  	_ =	swait.ge @!p0 [sflag:s0], s1  }
0x52: {  	s1 =	ssub.s32 @!p0 $0x0, s1;
	[sflag:s0] =	ssyncset.done @!p0 $0x0  }
0x53: {  	[sflag:s0] =	ssyncadd.s32 @!p0 s1  }
0x54: {  	[bflag:$0x3] =	sbarrier.arrive $0xFFFF  }
0x55: {  	_ =	shalt  }

// kernel: kernel.19.cloned.1.call-start
scs
__scs_entry_jumppad:
0x0: {  	(pc) =	sbr.rel $0x88, $3  }
0x1: {  	(tag) =	ssettag $0x0;
	lr =	simm.s32 $0x1  }
0x2: {  	[smem:$0x3F96] =	sst lr;
	_ =	strace $0xD0000000  }
0x3: {  	_ = 	snop  }
0x4: {  	_ = 	snop  }
0x5: {  	_ = 	snop  }
0x6: {  	_ = 	snop  }
0x7: {  	_ = 	snop  }
__scs_overlays_trampoline_lowered:
0x8: {  	[smem:$0x3FA5] =	sst s0  }
0x9: {  	[smem:$0x3FA6] =	sst s1  }
0xa: {  	[smem:$0x3FA7] =	sst s2  }
0xb: {  	[smem:$0x3FA8] =	sst s3  }
0xc: {  	[smem:$0x3FA9] =	sst s4  }
0xd: {  	[smem:$0x3FAA] =	sst s5  }
0xe: {  	[smem:$0x3FAB] =	sst s6  }
0xf: {  	[smem:$0x3FAC] =	sst s7  }
0x10: {  	[smem:$0x3FAD] =	sst s8  }
0x11: {  	[smem:$0x3FAE] =	sst s9;
	s0 =	simm.s32 @!p0 $0x0  }
0x12: {  	s1 =	sld [smem:$0x3F94];
	s0 =	simm.s32 @p0 $0x1  }
0x13: {  	[smem:$0x3FAF] =	sst s0;
	s0 =	simm.s32 @!p1 $0x0  }
0x14: {  	s2 =	sld [smem:$0x3F93];
	s0 =	simm.s32 @p1 $0x1  }
0x15: {  	[smem:$0x3FB0] =	sst s0;
	s0 =	simm.s32 @!p2 $0x0  }
0x16: {  	s3 =	sld [smem:$0x3FDB];
	s0 =	simm.s32 @p2 $0x1  }
0x17: {  	s4 =	simm.s32 $0x1BF5;
	[smem:$0x3FB2] =	sst s0  }
0x18: {  	s0 =	sld [smem:$0x3F95];
	_ =	swait.ge [sflag:s4], $0x0  }
0x19: {  	s7 =	sld [smem:$0x3F96]  }
0x1a: {  	s8 =	sadd.s32 $0xFFFFE003, lr  }
0x1b: {  	s9 =	sadd.s32 $0xFFFFFEF7, lr;
	s5 =	simm.s32 $0xFFFFFFFF;
	p2 =	slt.u32 s8, $0xFFFFF086  }
0x1c: {  	p1 =	slt.u32 s9, $0xF7A;
	s5 =	simm.s32 @!p2 $0x0  }
0x1d: {  	s5 =	simm.s32 @p1 $0x1;
	p0 =	seq.s32 s7, s2  }
0x1e: {  	s7 =	smul.u32 @!p0 $0xF7A, s2;
	p2 =	seq.s32 @!p0 s5, $0x0  }
0x1f: {  	s9 =	smul.u32 $0xF7A, s1;
	s8 =	simm.s32 @!p0 $0x1BF5;
	p2 =	por !p2, p0  }
0x20: {  	[sflag:s8] =	ssyncset.s32 @!p0 $0xFFFFF086;
	s6 =	sadd.s32 @!p0 s3, s7;
	s7 =	simm.s32 @!p0 $0x108  }
0x21: {  	s3 =	sadd.s32 s3, s9;
	s6 =	sadd.s32 @!p0 $0x88, s6;
	s7 =	simm.s32 @p2 $0x1082  }
0x22: {  	[simem:s7], [sflag:s8] =	dma.local @!p0 [hbm:s6], $0xF7A  }
0x23: {  	s9 =	sor.u32 $0xD0000000, s2;
	s6 =	simm.s32 $0x108;
	_ =	swait.ge @!p0 [sflag:s8], $0x0  }
0x24: {  	s3 =	sadd.s32 $0x88, s3;
	s6 =	simm.s32 @!p1 $0x1082;
	[sflag:s4] =	ssyncset.s32 $0xFFFFF086  }
0x25: {  	[simem:s6], [sflag:s4] =	dma.local [hbm:s3], $0xF7A  }
0x26: {  	[smem:$0x3F96] =	sst s1;
	(tag) =	ssettag s2;
	_ =	strace s9  }
0x27: {  	s1 =	sld [smem:$0x3FA6]  }
0x28: {  	s2 =	sld [smem:$0x3FA7]  }
0x29: {  	s4 =	sld [smem:$0x3FA9]  }
0x2a: {  	p0 =	seq.s32 s5, $0x0;
	s5 =	sld [smem:$0x3FAA]  }
0x2b: {  	s6 =	sld [smem:$0x3FAB]  }
0x2c: {  	s7 =	sld [smem:$0x3FAC]  }
0x2d: {  	s3 =	simm.s32 $0x108;
	s8 =	sld [smem:$0x3FAD]  }
0x2e: {  	s3 =	simm.s32 @!p0 $0x1082;
	s9 =	sld [smem:$0x3FAE]  }
0x2f: {  	lr =	sadd.s32 s0, s3;
	s0 =	sld [smem:$0x3FA5]  }
0x30: {  	s3 =	sld [smem:$0x3FA8]  }
0x31: {  	[smem:$0x3FB1] =	sst s10  }
0x32: {  	s10 =	sld [smem:$0x3FAF];
	_ =	sdelay $0x3  }
0x33: {  	p0 =	seq.s32 s10, $0x1;
	s10 =	sld [smem:$0x3FB1];
	_ =	sdelay $0x3  }
0x34: {  	[smem:$0x3FB1] =	sst s10  }
0x35: {  	s10 =	sld [smem:$0x3FB0];
	_ =	sdelay $0x3  }
0x36: {  	p1 =	seq.s32 s10, $0x1;
	s10 =	sld [smem:$0x3FB1];
	_ =	sdelay $0x3  }
0x37: {  	[smem:$0x3FB1] =	sst s10  }
0x38: {  	s10 =	sld [smem:$0x3FB2]  }
0x39: {  	_ = 	snop;
	(pc) =	sbr.ind lr, $3  }
0x3a: {  	_ = 	snop  }
0x3b: {  	_ = 	snop  }
0x3c: {  	p2 =	seq.s32 s10, $0x1;
	s10 =	sld [smem:$0x3FB1]  }
0x3d: {  	_ =	shalt  }
0x3e: {  	_ =	shalt  }
0x3f: {  	_ =	shalt  }
0x40: {  	_ =	shalt  }
0x41: {  	_ =	shalt  }
0x42: {  	_ =	shalt  }
0x43: {  	_ =	shalt  }
0x44: {  	_ =	shalt  }
0x45: {  	_ =	shalt  }
0x46: {  	_ =	shalt  }
0x47: {  	_ =	shalt  }
0x48: {  	_ =	shalt  }
0x49: {  	_ =	shalt  }
0x4a: {  	_ =	shalt  }
0x4b: {  	_ =	shalt  }
0x4c: {  	_ =	shalt  }
0x4d: {  	_ =	shalt  }
0x4e: {  	_ =	shalt  }
0x4f: {  	_ =	shalt  }
0x50: {  	_ =	shalt  }
0x51: {  	_ =	shalt  }
0x52: {  	_ =	shalt  }
0x53: {  	_ =	shalt  }
0x54: {  	_ =	shalt  }
0x55: {  	_ =	shalt  }
0x56: {  	_ =	shalt  }
0x57: {  	_ =	shalt  }
0x58: {  	_ =	shalt  }
0x59: {  	_ =	shalt  }
0x5a: {  	_ =	shalt  }
0x5b: {  	_ =	shalt  }
0x5c: {  	_ =	shalt  }
0x5d: {  	_ =	shalt  }
0x5e: {  	_ =	shalt  }
0x5f: {  	_ =	shalt  }
0x60: {  	_ =	shalt  }
0x61: {  	_ =	shalt  }
0x62: {  	_ =	shalt  }
0x63: {  	_ =	shalt  }
0x64: {  	_ =	shalt  }
0x65: {  	_ =	shalt  }
0x66: {  	_ =	shalt  }
0x67: {  	_ =	shalt  }
0x68: {  	_ =	shalt  }
0x69: {  	_ =	shalt  }
0x6a: {  	_ =	shalt  }
0x6b: {  	_ =	shalt  }
0x6c: {  	_ =	shalt  }
0x6d: {  	_ =	shalt  }
0x6e: {  	_ =	shalt  }
0x6f: {  	_ =	shalt  }
0x70: {  	_ =	shalt  }
0x71: {  	_ =	shalt  }
0x72: {  	_ =	shalt  }
0x73: {  	_ =	shalt  }
0x74: {  	_ =	shalt  }
0x75: {  	_ =	shalt  }
0x76: {  	_ =	shalt  }
0x77: {  	_ =	shalt  }
0x78: {  	_ =	shalt  }
0x79: {  	_ =	shalt  }
0x7a: {  	_ =	shalt  }
0x7b: {  	_ =	shalt  }
0x7c: {  	_ =	shalt  }
0x7d: {  	_ =	shalt  }
0x7e: {  	_ =	shalt  }
0x7f: {  	_ =	shalt  }
0x80: {  	_ =	shalt  }
0x81: {  	_ =	shalt  }
0x82: {  	_ =	shalt  }
0x83: {  	_ =	shalt  }
0x84: {  	_ =	shalt  }
0x85: {  	_ =	shalt  }
0x86: {  	_ =	shalt  }
0x87: {  	_ =	shalt  }
.Lfunc_end0:
.L_simem_size_0:
called_computation.3_lowered:
.L_overlay_start_0:
0x88: {  	s2 =	sld [smem:$0x3FD9]  }
0x89: {  	s3 =	sld [smem:$0x3FFE];
	_ =	sdelay $0x1  }
0x8a: {  	s1 =	srdreg.scid  }
0x8b: {  	s0 =	sand.u32 $0x1, s1  }
0x8c: {  	s16 =	sshll.u32 s0, $0xA;
	s2 =	sadd.s32 s3, s2  }
0x8d: {  	s2 =	sadd.s32 s2, s16  }
0x8e: {  	[smem:$0x3FBD] =	sst s2  }
0x8f: {  	_ = 	snop  }
0x90: {  	(tm) =	ssettm $0x1  }
0x91: {  	s17 =	sld [smem:$0x3FFB];
	_ =	sdelay $0x3  }
0x92: {  	_ =	strace s17  }
0x93: {  	s2 =	sld [smem:$0x3FFC];
	_ =	sdelay $0x3  }
0x94: {  	_ =	strace s2  }
0x95: {  	s2 =	sld [smem:$0x3FFD];
	_ =	sdelay $0x3  }
0x96: {  	_ =	strace s2  }
0x97: {  	_ =	strace $0x8FFFFFFF  }
0x98: {  	s18 =	sld [smem:$0x3FDB];
	_ =	sdelay $0x1  }
0x99: {  	s19 =	simm.s32 $_scs_section_size  }
0x9a: {  	s4 =	simm.s32 $_size__tile_overlayer_lowered;
	s5 =	simm.s32 $_tile_overlayer_lowered  }
0x9b: {  	s22 =	simm.s32 $0x1BFF;
	s21 =	sshll.u32 s5, $0x1;
	s2 =	sadd.s32 s19, s18  }
0x9c: {  	s6 =	simm.s32 $0x0;
	s20 =	sshll.u32 s4, $0x1;
	s4 =	sadd.s32 s21, s2  }
0x9d: {  	[timem:s6], [sflag:s22] =	dma.local [hbm:s4], s20  }
0x9e: {  	_ =	swait.ge [sflag:s22], s20  }
0x9f: {  	s3 =	ssub.s32 $0x0, s20;
	[sflag:s22] =	ssyncset.done $0x0  }
0xa0: {  	[sflag:s22] =	ssyncadd.s32 s3;
	_ =	sdelay $0x1  }
0xa1: {  	s23 =	simm.s32 $0x1B8B  }
0xa2: {  	_ =	swait.ge [sflag:s23], $0x1  }
0xa3: {  	[sflag:s23] =	ssyncset.done $0x0  }
0xa4: {  	s25 =	simm.s32 $0x1B8E;
	s24 =	sld [smem:$0x3FFE];
	[sflag:s23] =	ssyncadd.s32 $0xFFFFFFFF  }
0xa5: {  	s26 =	simm.s32 $execute0_lowered;
	[smem:$0x3FD2] =	sst s25  }
0xa6: {  	s4 =	sshll.u32 s26, $0x1;
	_ =	strace $0x8000004F;
	[dreg:$0x1] =	wrdreg $0xFFFFFFFF  }
0xa7: {  	s28 =	simm.s32 $_size_execute0_lowered;
	s2 =	sadd.s32 s2, s4;
	[dreg:$0x0] =	wrdreg $0x0  }
0xa8: {  	s4 =	sshll.u32 s28, $0x1;
	[dreg:$0x2] =	wrdreg s2  }
0xa9: {  	[dreg:$0x3] =	wrdreg s4  }
0xaa: {  	[dreg:$0x4] =	wrdreg $0xC0  }
0xab: {  	_ =	task [dreg:s6], $0x5FFFF  }
0xac: {  	[dreg:$0x1] =	wrdreg $0xFFFFFFFF  }
0xad: {  	[dreg:$0x0] =	wrdreg $0x60  }
0xae: {  	[dreg:$0x2] =	wrdreg s24  }
0xaf: {  	[dreg:$0x3] =	wrdreg $0x150000  }
0xb0: {  	[dreg:$0x4] =	wrdreg $0x9  }
0xb1: {  	_ =	task.clear_ibuf [dreg:s6], $0x5FFFF;
	_ =	strace $0x9000004F  }
0xb2: {  	s29 =	simm.s32 $0x9;
	_ =	strace $0x80000051  }
0xb3: {  	_ =	swait.ge [sflag:s29], $0x1  }
0xb4: {  	[sflag:s29] =	ssyncadd.s32 $0xFFFFFFFF  }
0xb5: {  	_ =	strace $0x90000051  }
0xb6: {  	_ =	sfence  }
0xb7: {  	s30 =	sld [smem:$0x0];
	_ =	sdelay $0x2  }
0xb8: {  	s31 =	sshll.u32 s1, $0xD;
	s1 =	sshrl.u32 s1, $0x2  }
0xb9: {  	s3 =	sand.u32 $0x4000, s31;
	s1 =	sadd.s32 s1, s30  }
0xba: {  	s0 =	sor.u32 s3, s0;
	s1 =	sshll.u32 s1, $0x11  }
0xbb: {  	s0 =	sor.u32 s1, s0  }
0xbc: {  	s0 =	sadd.s32 $0x8F2B, s0  }
0xbd: {  	[sflag:s0] =	ssyncadd.remote.s32 $0x1  }
0xbe: {  	_ =	sfence.sel $0xFFFF  }
0xbf: {  	[dreg:$0x0] =	wrdreg $0xFFFFFFFF;
	(pc) =	sbr.abs _section_cstart, $3  }
0xc0: {  	[dreg:$0x1] =	wrdreg $0xFFFFFFFF  }
0xc1: {  	_ =	task.clear_ibuf [dreg:s6], $0x2FFFF;
	_ =	strace $0x9FFFFFFF  }
0xc2: {  	(tm) =	ssettm $0x7FFFFFFF  }
0xc3: {  	_ =	shalt  }
tec
execute0_lowered:
.L_overlay_start_1:
0x0: {  	(tag) =	ssettag $0x1  }
0x1: {  	s0 =	rddreg [dreg:$0x0]  }
0x2: {  	s2 =	rddreg [dreg:$0x1]  }
0x3: {  	s1 =	srdreg.scid;
	s10 =	stileid.u32;
	s3 =	simm.s32 $0x0  }
0x4: {  	s13 =	simm.s32 $0x9;
	s14 =	simm.s32 $0x1;
	s15 =	simm.s32 $0x2  }
0x5: {  	s16 =	simm.s32 $0x80;
	s29 =	simm.s32 $0x11000;
	s30 =	simm.s32 $0x380  }
0x6: {  	s31 =	simm.s32 $0x13000;
	s1 =	sand.u32 $0x1, s1;
	s9 =	smul.u32 $0xA000, s10  }
0x7: {  	[smem:$0x7FF] =	sst s3;
	s4 =	sshll.u32 s1, $0x4;
	s5 =	smul.u32 $0xA0000, s1  }
0x8: {  	_ =	strace $0x80000050;
	s1 =	ssub.s32 $0x2, s1;
	s4 =	sor.u32 s10, s4  }
0x9: {  	s8 =	sshrl.u32 s1, $0x1;
	s12 =	sadd.s32 s9, s2;
	s6 =	smul.u32 $0x500, s4  }
0xa: {  	s4 =	sadd.s32 $0x17A00, s0;
	s5 =	sadd.s32 s9, s5;
	s1 =	ssub.s32 s1, s8  }
0xb: {  	s8 =	sshll.u32 s10, $0x6;
	s12 =	sshrl.u32 s12, $0x3;
	s28 =	sshrl.u32 s5, $0x3  }
0xc: {  	s5 =	sadd.s32 $0x53A00, s0;
	s9 =	sor.u32 $0x1C09, s8;
	s7 =	sadd.s32 s6, s0  }
0xd: {  	s11 =	smax.u32 s1, $0x1;
	s0 =	sadd.s32 s28, s0;
	s6 =	sadd.s32 $0x3A00, s7  }
0xe: {  	s7 =	sadd.s32 $0xDA00, s7;
	s10 =	sadd.s32 $0x2BA00, s0;
	s0 =	simm.s32 $0x0  }
.LBB2_1:
0xf: {  	[tilespmem:s3], [sflag:$0x1] =	stream.linear.gather [hbm4b:s6+s3], $0x2800, $0x38;
	[tilespmem:$0x1F000] =	vst v63  }
0x10: {  	s19 =	simm.s32 $0x2800  }
0x11: {  	[tilespmem:s19], [sflag:$0x2] =	stream.linear.gather [hbm4b:s7+s3], $0x2800, $0x38;
	[tilespmem:$0x1F000] =	vst v63  }
0x12: {  	[spmem:s12], [sflag:s9] =	dma.local [hbm:s5], $0x1400  }
0x13: {  	_ =	swait.ge [sflag:s13], $0x1400  }
0x14: {  	[sflag:s13] =	ssyncset.done $0x0  }
0x15: {  	[sflag:s13] =	ssyncadd.s32 $0xFFFFEC00  }
0x16: {  	_ =	swait.ge [sflag:s14], $0x2800  }
0x17: {  	[sflag:s14] =	ssyncset.done $0x0  }
0x18: {  	[sflag:s14] =	ssyncadd.s32 $0xFFFFD800  }
0x19: {  	_ =	swait.ge [sflag:s15], $0x2800  }
0x1a: {  	[sflag:s15] =	ssyncset.done $0x0  }
0x1b: {  	[sflag:s15] =	ssyncadd.s32 $0xFFFFD800  }
0x1c: {  	s1 =	simm.s32 $0x5000;
	[bflag:$0x0] =	sbarrier.arrive $0xFFFF  }
0x1d: {  	[tilespmem:s1], [sflag:$0x1] =	stream.indirect.gather [hbm4b:s4+s16], $0x40, s3, s16, $0xb8;
	[tilespmem:$0x1F000] =	vst v63  }
0x1e: {  	s18 =	simm.s32 $0x7000  }
0x1f: {  	[tilespmem:s18], [sflag:$0x2] =	stream.indirect.gather [hbm4b:s4+s16], $0x40, s16, s16, $0xb8;
	[tilespmem:$0x1F000] =	vst v63  }
0x20: {  	s20 =	simm.s32 $0x100;
	s17 =	simm.s32 $0x9000  }
0x21: {  	[tilespmem:s17], [sflag:$0x3] =	stream.indirect.gather [hbm4b:s4+s16], $0x40, s20, s16, $0xb8;
	[tilespmem:$0x1F000] =	vst v63  }
0x22: {  	s21 =	simm.s32 $0x180;
	s22 =	simm.s32 $0xB000  }
0x23: {  	[tilespmem:s22], [sflag:$0x4] =	stream.indirect.gather [hbm4b:s4+s16], $0x40, s21, s16, $0xb8;
	[tilespmem:$0x1F000] =	vst v63  }
0x24: {  	s23 =	simm.s32 $0x200;
	s24 =	simm.s32 $0xD000  }
0x25: {  	[tilespmem:s24], [sflag:$0x5] =	stream.indirect.gather [hbm4b:s4+s16], $0x40, s23, s16, $0xb8;
	[tilespmem:$0x1F000] =	vst v63  }
0x26: {  	s25 =	simm.s32 $0x280;
	s26 =	simm.s32 $0xF000  }
0x27: {  	[tilespmem:s26], [sflag:$0x6] =	stream.indirect.gather [hbm4b:s4+s16], $0x40, s25, s16, $0xb8;
	[tilespmem:$0x1F000] =	vst v63  }
0x28: {  	s28 =	simm.s32 $0x300;
	s21 =	sand.u32 $0x7, s3  }
0x29: {  	[tilespmem:s29], [sflag:$0x7] =	stream.indirect.gather [hbm4b:s4+s16], $0x40, s28, s16, $0xb8;
	[tilespmem:$0x1F000] =	vst v63  }
0x2a: {  	s20 =	sadd.s32 $0x1, s21  }
0x2b: {  	[tilespmem:s31], [sflag:$0x8] =	stream.indirect.gather [hbm4b:s4+s16], $0x40, s30, s16, $0xb8;
	[tilespmem:$0x1F000] =	vst v63  }
0x2c: {  	p1 =	por $0x0, $0x0;
	s1 =	simm.s32 $0x1;
	_ =	swait.ge [sflag:s20], $0x2000  }
0x2d: {  	s18 =	simm.s32 $0x400;
	s22 =	sshll.u32 s21, $0xD;
	[sflag:s20] =	ssyncset.done $0x0  }
0x2e: {  	s24 =	sadd.s32 $0x5000, s22;
	s25 =	sadd.s32 $0x9, s21;
	[sflag:s20] =	ssyncadd.s32 $0xFFFFE000  }
0x2f: {  	[spmem:s2] =	stream.indirect.scatter.add.f32 [tilespmem:s24], [sflag:s25], $0x40, s19, s16, $0xb8;
	[tilespmem:$0x1F000] =	vst v63  }
0x30: {  	s17 =	sand.u32 $0x7, s1;
	s22 =	simm.s32 $0x2;
	_ =	swait.ge [sflag:s25], $0x2000  }
0x31: {  	s23 =	sshll.u32 s17, $0xD;
	s21 =	simm.s32 $0x2880;
	[sflag:s25] =	ssyncset.done $0x0  }
0x32: {  	s19 =	simm.s32 $0x480;
	[sflag:s25] =	ssyncadd.s32 $0xFFFFE000;
	s25 =	simm.s32 @!p1 $0x80  }
.LBB2_2:
0x33: {  	[tilespmem:s24], [sflag:s20] =	stream.indirect.gather @!p1 [hbm4b:s4+s25], $0x40, s18, s25, $0xb8;
	[tilespmem:$0x1F000] =	vst v63  }
0x34: {  	s25 =	smov.u32 s1;
	s1 =	smov.u32 s22;
	s18 =	smov.u32 s19  }
0x35: {  	s22 =	sadd.s32 $0x1, s22;
	s20 =	sadd.s32 $0x1, s17;
	s24 =	sand.u32 $0x7, s1  }
0x36: {  	p0 =	sne.s32 s22, $0x50;
	s26 =	sshll.u32 s24, $0xD;
	_ =	swait.ge [sflag:s20], $0x2000  }
0x37: {  	s28 =	sadd.s32 $0x9, s17;
	s17 =	smov.u32 s24;
	[sflag:s20] =	ssyncset.done $0x0  }
.Ltmp0:
0x38: {  	s24 =	sadd.s32 $0x5000, s23;
	[sflag:s20] =	ssyncadd.s32 $0xFFFFE000;
	(pc) =	sbr.rel @p0 .LBB2_2-.Ltmp0, $4  }
0x39: {  	[spmem:s2] =	stream.indirect.scatter.add.f32 [tilespmem:s24], [sflag:s28], $0x40, s21, s16, $0xb8;
	[tilespmem:$0x1F000] =	vst v63  }
0x3a: {  	s23 =	smov.u32 s26;
	_ =	swait.ge [sflag:s28], $0x2000  }
0x3b: {  	p1 =	sgt.u32 s25, $0x47;
	s21 =	sadd.s32 $0x80, s21;
	[sflag:s28] =	ssyncset.done $0x0  }
0x3c: {  	s19 =	sadd.s32 $0x80, s19;
	s25 =	simm.s32 @!p1 $0x80;
	[sflag:s28] =	ssyncadd.s32 $0xFFFFE000  }
0x3d: {  	[tilespmem:s24], [sflag:s20] =	stream.indirect.gather @!p1 [hbm4b:s4+s25], $0x40, s18, s25, $0xb8;
	[tilespmem:$0x1F000] =	vst v63  }
0x3e: {  	s18 =	sadd.s32 $0x1, s17  }
0x3f: {  	_ =	swait.ge [sflag:s18], $0x2000  }
0x40: {  	[sflag:s18] =	ssyncset.done $0x0  }
0x41: {  	s26 =	sadd.s32 $0x9, s17;
	s20 =	sadd.s32 $0x5000, s23;
	[sflag:s18] =	ssyncadd.s32 $0xFFFFE000  }
0x42: {  	[spmem:s2] =	stream.indirect.scatter.add.f32 [tilespmem:s20], [sflag:s26], $0x40, s21, s16, $0xb8;
	[tilespmem:$0x1F000] =	vst v63  }
0x43: {  	_ =	swait.ge [sflag:s26], $0x2000  }
0x44: {  	p0 =	sgt.u32 s1, $0x47;
	[sflag:s26] =	ssyncset.done $0x0  }
0x45: {  	s0 =	sadd.s32 $0x1, s0;
	s1 =	simm.s32 @!p0 $0x80;
	[sflag:s26] =	ssyncadd.s32 $0xFFFFE000  }
0x46: {  	[tilespmem:s20], [sflag:s18] =	stream.indirect.gather @!p0 [hbm4b:s4+s1], $0x40, s19, s1, $0xb8;
	[tilespmem:$0x1F000] =	vst v63  }
0x47: {  	p0 =	sne.s32 s0, s11  }
.Ltmp1:
0x48: {  	s28 =	sor.u32 $0x1C01, s8;
	[bflag:$0x0] =	sbarrier.arrive $0xFFFF;
	(pc) =	sbr.rel @p0 .LBB2_1-.Ltmp1, $4  }
0x49: {  	[hbm:s10], [sflag:s28] =	dma.local [spmem:s12], $0x1400  }
0x4a: {  	_ =	swait.ge [sflag:s14], $0x1400  }
0x4b: {  	[sflag:s14] =	ssyncset.done $0x0  }
0x4c: {  	[sflag:s14] =	ssyncadd.s32 $0xFFFFEC00  }
0x4d: {  	_ =	sfence.sel $0x180000  }
0x4e: {  	[bflag:$0x0] =	sbarrier.arrive $0xFFFF  }
0x4f: {  	_ =	strace $0x90000050  }
0x50: {  	s0 =	stileid.u32;
	[bflag:$0x2] =	sbarrier.arrive $0xFFFF  }
0x51: {  	p0 =	sne.s32 s0, $0x0;
	s0 =	rddreg [dreg:$0x2]  }
0x52: {  	s0 =	sadd.s32 @!p0 $0x100000, s0  }
0x53: {  	[sflag:s0] =	ssyncadd.tile.s32 @!p0 $0x1;
	_ =	shalt  }
.Lfunc_end2:
_tile_overlayer_lowered:
.L_overlay_start_2:
0x54: {  	(tag) =	ssettag $0x2  }
0x55: {  	s0 =	rddreg [dreg:$0x0];
	s2 =	stileid.u32  }
0x56: {  	s1 =	rddreg [dreg:$0x1];
	p0 =	sne.s32 s2, $0x0  }
0x57: {  	s3 =	rddreg [dreg:$0x2];
	[bflag:$0x3] =	sbarrier.arrive $0xFFFF;
	s2 =	simm.s32 @!p0 $0x1C11  }
0x58: {  	[timem:s3], [sflag:s2] =	dma.local @!p0 [hbm:s0], s1  }
0x59: {  	s0 =	simm.s32 @!p0 $0x11  }
0x5a: {  	_ =	swait.ge @!p0 [sflag:s0], s1  }
0x5b: {  	s1 =	ssub.s32 @!p0 $0x0, s1;
	[sflag:s0] =	ssyncset.done @!p0 $0x0  }
0x5c: {  	[sflag:s0] =	ssyncadd.s32 @!p0 s1  }
0x5d: {  	[bflag:$0x3] =	sbarrier.arrive $0xFFFF  }
0x5e: {  	_ =	shalt  }

</sc_bundles>
